<compile_context>
chip_gen: v7x
topology: tpu7x:2x2x1
jax: 0.10.2.dev20260603
libtpu: 0.0.44.dev20260713+nightly
codegen_flags: <defaults>
</compile_context>

<pallas_src>
import functools
import jax
import jax.numpy as jnp
from jax import lax
from jax.experimental import pallas as pl
from jax.experimental.pallas import tpu as pltpu
from jax.experimental.pallas import tpu_sc as plsc

NN = 10000
NP = 10240
EE = 320000
DD = 128

NC = 2
NS = 16
NW = NC * NS
EPT = EE // NW
CH = 80
NCHUNK = EPT // CH
RPT = NP // NS
W16 = 16
NZB = RPT // CH


def _seg_body(nfeat, with_deg, *refs):
    if with_deg:
        (y_hbm, src_hbm, dst_hbm, out_hbm, deg_hbm,
         sidx, didx, rows, hist1, hist, acc, sem) = refs
    else:
        (y_hbm, src_hbm, dst_hbm, out_hbm,
         sidx, didx, rows, acc, sem) = refs

    cid = lax.axis_index("c")
    sid = lax.axis_index("s")
    wid = sid * NC + cid
    r0 = sid * RPT

    def zrow(r, carry):
        for j in range(nfeat // 16):
            rows[r, pl.ds(j * 16, 16)] = jnp.zeros((16,), jnp.float32)
        return carry
    lax.fori_loop(0, CH, zrow, 0)
    for j in range(NZB):
        pltpu.sync_copy(rows, acc.at[pl.ds(r0 + j * CH, CH)])
    if with_deg:
        def zh(r, carry):
            for j in range(8):
                hist1[pl.ds(r * 128 + j * 16, 16)] = jnp.zeros(
                    (16,), jnp.int32)
            return carry
        lax.fori_loop(0, NP // 128, zh, 0)
    plsc.subcore_barrier()

    base = wid * EPT

    def chunk(i, carry):
        off = pl.multiple_of(base + i * CH, 8)
        pltpu.sync_copy(src_hbm.at[pl.ds(off, CH)], sidx)
        pltpu.sync_copy(dst_hbm.at[pl.ds(off, CH)], didx)
        pltpu.async_copy(y_hbm.at[sidx], rows, sem).wait()
        pltpu.sync_copy(rows, acc.at[didx], add=True)
        if with_deg:
            def bump(k, carry2):
                dvec = didx[pl.ds(k * 16, 16)]
                cnt, lmask = plsc.scan_count(dvec)
                plsc.addupdate_scatter(hist1, [dvec], cnt, mask=lmask)
                return carry2
            lax.fori_loop(0, CH // 16, bump, 0)
        return carry

    lax.fori_loop(0, NCHUNK, chunk, 0)

    plsc.subcore_barrier()
    for j in range(NZB):
        pltpu.sync_copy(acc.at[pl.ds(r0 + j * CH, CH)], rows)
        pltpu.sync_copy(rows, out_hbm.at[cid, pl.ds(r0 + j * CH, CH)])
    if with_deg:
        def h12(r, carry):
            for j in range(8):
                hist[r, pl.ds(j * 16, 16)] = hist1[
                    pl.ds(r * 128 + j * 16, 16)]
            return carry
        lax.fori_loop(0, NP // 128, h12, 0)
        pltpu.sync_copy(hist, deg_hbm.at[cid, sid])


def _make_seg(nfeat, with_deg):
    mesh = plsc.VectorSubcoreMesh(core_axis_name="c", subcore_axis_name="s")
    out_type = [jax.ShapeDtypeStruct((NC, NP, nfeat), jnp.float32)]
    scratch = [
        pltpu.VMEM((CH,), jnp.int32),
        pltpu.VMEM((CH,), jnp.int32),
        pltpu.VMEM((CH, nfeat), jnp.float32),
    ]
    if with_deg:
        out_type.append(jax.ShapeDtypeStruct((NC, NS, NP // 128, 128),
                                             jnp.int32))
        scratch.append(pltpu.VMEM((NP,), jnp.int32))
        scratch.append(pltpu.VMEM((NP // 128, 128), jnp.int32))
    scratch.append(pltpu.VMEM_SHARED((NP, nfeat), jnp.float32))
    scratch.append(pltpu.SemaphoreType.DMA)

    return pl.kernel(
        functools.partial(_seg_body, nfeat, with_deg),
        out_type=tuple(out_type),
        mesh=mesh,
        scratch_types=tuple(scratch),
        compiler_params=pltpu.CompilerParams(needs_layout_passes=False),
    )



BR = 1024
NB = NP // BR


def _mm2_body(x_ref, wl_ref, wr_ref, y_ref, r_ref):
    xb = x_ref[...]
    y_ref[...] = jnp.dot(xb, wl_ref[...], preferred_element_type=jnp.float32)
    r_ref[...] = jnp.dot(xb, wr_ref[...], preferred_element_type=jnp.float32)


def _deg_inv(dp_ref):
    deg = jnp.sum(dp_ref[...], axis=1, keepdims=True).astype(jnp.float32)
    return 1.0 / jnp.maximum(deg, 1.0)


def _combine_mm2_body(p_ref, dp_ref, r_ref, b_ref, wl_ref, wr_ref,
                      y_ref, rr_ref):
    inv = _deg_inv(dp_ref)
    h = jnp.maximum((p_ref[0] + p_ref[1]) * inv + r_ref[...] + b_ref[...],
                    0.0)
    y_ref[...] = jnp.dot(h, wl_ref[...], preferred_element_type=jnp.float32)
    rr_ref[...] = jnp.dot(h, wr_ref[...], preferred_element_type=jnp.float32)


def _combine_mm3_body(p_ref, dp_ref, r_ref, b_ref, w3_ref, b3_ref,
                      s_ref, t_ref):
    inv = _deg_inv(dp_ref)
    h = jnp.maximum((p_ref[0] + p_ref[1]) * inv + r_ref[...] + b_ref[...],
                    0.0)
    st = jnp.dot(h, w3_ref[...], preferred_element_type=jnp.float32)
    s_ref[...] = jnp.broadcast_to(st[:, 0:1], (BR, DD))
    t_ref[...] = jnp.broadcast_to(st[:, 1:2] + b3_ref[0, 0], (BR, W16))


def _final_body(q_ref, dp_ref, t_ref, o_ref):
    inv = _deg_inv(dp_ref)
    o_ref[...] = (q_ref[0, :, 0:W16] + q_ref[1, :, 0:W16]) * inv + t_ref[...]


def _row_spec(w):
    return pl.BlockSpec((BR, w), lambda i: (i, 0))


def _pair_spec(w):
    return pl.BlockSpec((2, BR, w), lambda i: (0, i, 0))


_DP_SPEC = pl.BlockSpec((BR, NW), lambda i: (i, 0))


def _full_spec(shape):
    nd = len(shape)
    return pl.BlockSpec(shape, lambda i, _n=nd: (0,) * _n)


def _mm2(x, wl, wr):
    return pl.pallas_call(
        _mm2_body,
        grid=(NB,),
        in_specs=[_row_spec(DD), _full_spec(wl.shape), _full_spec(wr.shape)],
        out_specs=[_row_spec(DD), _row_spec(DD)],
        out_shape=[jax.ShapeDtypeStruct((NP, DD), jnp.float32)] * 2,
    )(x, wl, wr)


def _combine_mm2(p, dp, r, b, wl, wr):
    b2 = b.reshape(1, DD)
    return pl.pallas_call(
        _combine_mm2_body,
        grid=(NB,),
        in_specs=[_pair_spec(DD), _DP_SPEC, _row_spec(DD),
                  _full_spec((1, DD)), _full_spec(wl.shape),
                  _full_spec(wr.shape)],
        out_specs=[_row_spec(DD), _row_spec(DD)],
        out_shape=[jax.ShapeDtypeStruct((NP, DD), jnp.float32)] * 2,
    )(p, dp, r, b2, wl, wr)


def _combine_mm3(p, dp, r, b, w3, b3):
    b2 = b.reshape(1, DD)
    b3r = b3.reshape(1, 1)
    return pl.pallas_call(
        _combine_mm3_body,
        grid=(NB,),
        in_specs=[_pair_spec(DD), _DP_SPEC, _row_spec(DD),
                  _full_spec((1, DD)), _full_spec(w3.shape),
                  _full_spec((1, 1))],
        out_specs=[_row_spec(DD), _row_spec(W16)],
        out_shape=[jax.ShapeDtypeStruct((NP, DD), jnp.float32),
                   jax.ShapeDtypeStruct((NP, W16), jnp.float32)],
    )(p, dp, r, b2, w3, b3r)


def _final(q, dp, t):
    return pl.pallas_call(
        _final_body,
        grid=(NB,),
        in_specs=[_pair_spec(DD), _DP_SPEC, _row_spec(W16)],
        out_specs=_row_spec(W16),
        out_shape=jax.ShapeDtypeStruct((NP, W16), jnp.float32),
    )(q, dp, t)


@jax.jit
def kernel(x, edge_index, Wl1, Wr1, b1, Wl2, Wr2, b2, Wl3, Wr3, b3):
    src = edge_index[0]
    dst = edge_index[1]
    x = jnp.pad(x, ((0, NP - NN), (0, 0)))

    seg_deg = _make_seg(DD, True)
    seg = _make_seg(DD, False)

    y1, r1 = _mm2(x, Wl1, Wr1)
    p1, dp4 = seg_deg(y1, src, dst)
    dp = jnp.transpose(dp4.reshape(NW, NP))
    y2, r2 = _combine_mm2(p1, dp, r1, b1, Wl2, Wr2)
    p2, = seg(y2, src, dst)
    w3 = jnp.zeros((DD, W16), jnp.float32)
    w3 = w3.at[:, 0].set(Wl3[:, 0]).at[:, 1].set(Wr3[:, 0])
    s16, t16 = _combine_mm3(p2, dp, r2, b2, w3, b3)
    q, = seg(s16, src, dst)
    out16 = _final(q, dp, t16)
    return out16[:NN, 0]

# --- scband reference (transcript-rebuilt; emitter-appended) ---
"""Pipeline reference for scband-gnn3-1614907703642 (READ-ONLY COPY).

The authoritative reference and input builder live on the scoring server;
editing this copy changes nothing except your own understanding.
"""

import jax, jax.numpy as jnp
import numpy as np

N = 10000
E = 320000
D = 128
H = 128


def setup_inputs(seed: int = 0) -> dict:
    key = jax.random.key(seed)
    ks = jax.random.split(key, 12)
    x = jax.random.normal(ks[0], (N, D), dtype=jnp.float32)
    edge_index = jax.random.randint(ks[1], (2, E), 0, N, dtype=jnp.int32)
    def w(k, fan_in, fan_out):
        return jax.random.normal(k, (fan_in, fan_out), dtype=jnp.float32) / np.sqrt(fan_in)
    Wl1 = w(ks[2], D, H)
    Wr1 = w(ks[3], D, H)
    b1 = jnp.zeros((H,), dtype=jnp.float32)
    Wl2 = w(ks[4], H, H)
    Wr2 = w(ks[5], H, H)
    b2 = jnp.zeros((H,), dtype=jnp.float32)
    Wl3 = w(ks[6], H, 1)
    Wr3 = w(ks[7], H, 1)
    b3 = jnp.zeros((1,), dtype=jnp.float32)
    return {"x": x, "edge_index": edge_index, "Wl1": Wl1, "Wr1": Wr1, "b1": b1,
            "Wl2": Wl2, "Wr2": Wr2, "b2": b2, "Wl3": Wl3, "Wr3": Wr3, "b3": b3}


def sage_conv(x, edge_index, Wl, Wr, b):
    # PyG SAGEConv (mean aggregation): out = lin_l(mean_{j in N(i)} x_j) + lin_r(x_i) + bias
    src = edge_index[0]
    dst = edge_index[1]
    msg = jnp.take(x, src, axis=0)
    agg_sum = jax.ops.segment_sum(msg, dst, num_segments=N)
    deg = jax.ops.segment_sum(jnp.ones((edge_index.shape[1],), dtype=x.dtype), dst, num_segments=N)
    agg = agg_sum / jnp.clip(deg, 1.0)[:, None]
    return agg @ Wl + x @ Wr + b


def reference(x, edge_index, Wl1, Wr1, b1, Wl2, Wr2, b2, Wl3, Wr3, b3):
    h = jax.nn.relu(sage_conv(x, edge_index, Wl1, Wr1, b1))
    h = jax.nn.relu(sage_conv(h, edge_index, Wl2, Wr2, b2))
    h = sage_conv(h, edge_index, Wl3, Wr3, b3)
    return h.mean(axis=1)

if __name__ == "__main__":
    import jax
    _d = setup_inputs()
    print(jax.jit(kernel)(*tuple(_d.values())))

</pallas_src>

<mosaic_0001>
#map = affine_map<(d0, d1) -> (0, 0)>
#map1 = affine_map<(d0, d1) -> (0)>
#map2 = affine_map<(d0, d1) -> (0, 0, 0)>
#map3 = affine_map<(d0, d1) -> (0, 0, 0, 0)>
module attributes {stable_mosaic.version = 14 : i64} {
  func.func @_seg_body(%arg0: i32, %arg1: i32, %arg2: memref<10240x128xf32, #tpu.memory_space<hbm>>, %arg3: memref<320000xi32, #tpu.memory_space<hbm>>, %arg4: memref<320000xi32, #tpu.memory_space<hbm>>, %arg5: memref<2x10240x128xf32, #tpu.memory_space<hbm>>, %arg6: memref<2x16x80x128xi32, #tpu.memory_space<hbm>>, %arg7: memref<80xi32, #tpu.memory_space<vmem>>, %arg8: memref<80xi32, #tpu.memory_space<vmem>>, %arg9: memref<80x128xf32, #tpu.memory_space<vmem>>, %arg10: memref<10240xi32, #tpu.memory_space<vmem>>, %arg11: memref<80x128xi32, #tpu.memory_space<vmem>>, %arg12: memref<10240x128xf32, #tpu.memory_space<vmem_shared>>, %arg13: memref<!tpu.dma_semaphore, #tpu.memory_space<semaphore_mem>>) attributes {dimension_semantics = [#tpu.dimension_semantics<core_parallel>, #tpu.dimension_semantics<subcore_parallel>], iteration_bounds = array<i64: 2, 16>, scalar_prefetch = 0 : i64, scratch_operands = 7 : i64, tpu.core_type = #tpu.core_type<sc_vector_subcore>, window_params = [{transform_indices = #map}, {transform_indices = #map1}, {transform_indices = #map1}, {transform_indices = #map2}, {transform_indices = #map3}]} {
    %mul3A = arith.constant 2 : i32
    %mul3A_0 = arith.muli %arg1, %mul3A : i32
    %add3A = arith.addi %mul3A_0, %arg0 : i32
    %mul3A_1 = arith.constant 640 : i32
    %mul3A_2 = arith.muli %arg1, %mul3A_1 : i32
    %scan3A = arith.constant 0 : i32
    %scan3A_3 = arith.constant 0 : i32
    %scan3A_4 = arith.constant 80 : i32
    %scan3A_5 = arith.addi %scan3A_3, %scan3A_4 : i32
    %scan3A_6 = arith.constant 1 : i32
    scf.for %scan3A_77 = %scan3A_3 to %scan3A_5 step %scan3A_6  : i32 {
      %broadcast_in_dim3A = arith.constant 0.000000e+00 : f32
      %broadcast_in_dim3A_78 = vector.broadcast %broadcast_in_dim3A : f32 to vector<16xf32>
      %swap3A = arith.index_cast %scan3A_77 : i32 to index
      %swap3A_79 = arith.constant 0 : index
      %swap3A_80 = tpu.vector_load %arg9[%swap3A, %swap3A_79] {strides = array<i32>} : memref<80x128xf32, #tpu.memory_space<vmem>>, vector<16xf32>,
      tpu.vector_store %arg9[%swap3A, %swap3A_79], %broadcast_in_dim3A_78 {strides = array<i32>} : memref<80x128xf32, #tpu.memory_space<vmem>>, vector<16xf32>,
      %broadcast_in_dim3A_81 = arith.constant 0.000000e+00 : f32
      %broadcast_in_dim3A_82 = vector.broadcast %broadcast_in_dim3A_81 : f32 to vector<16xf32>
      %swap3A_83 = arith.index_cast %scan3A_77 : i32 to index
      %swap3A_84 = arith.constant 16 : index
      %swap3A_85 = tpu.vector_load %arg9[%swap3A_83, %swap3A_84] {strides = array<i32>} : memref<80x128xf32, #tpu.memory_space<vmem>>, vector<16xf32>,
      tpu.vector_store %arg9[%swap3A_83, %swap3A_84], %broadcast_in_dim3A_82 {strides = array<i32>} : memref<80x128xf32, #tpu.memory_space<vmem>>, vector<16xf32>,
      %broadcast_in_dim3A_86 = arith.constant 0.000000e+00 : f32
      %broadcast_in_dim3A_87 = vector.broadcast %broadcast_in_dim3A_86 : f32 to vector<16xf32>
      %swap3A_88 = arith.index_cast %scan3A_77 : i32 to index
      %swap3A_89 = arith.constant 32 : index
      %swap3A_90 = tpu.vector_load %arg9[%swap3A_88, %swap3A_89] {strides = array<i32>} : memref<80x128xf32, #tpu.memory_space<vmem>>, vector<16xf32>,
      tpu.vector_store %arg9[%swap3A_88, %swap3A_89], %broadcast_in_dim3A_87 {strides = array<i32>} : memref<80x128xf32, #tpu.memory_space<vmem>>, vector<16xf32>,
      %broadcast_in_dim3A_91 = arith.constant 0.000000e+00 : f32
      %broadcast_in_dim3A_92 = vector.broadcast %broadcast_in_dim3A_91 : f32 to vector<16xf32>
      %swap3A_93 = arith.index_cast %scan3A_77 : i32 to index
      %swap3A_94 = arith.constant 48 : index
      %swap3A_95 = tpu.vector_load %arg9[%swap3A_93, %swap3A_94] {strides = array<i32>} : memref<80x128xf32, #tpu.memory_space<vmem>>, vector<16xf32>,
      tpu.vector_store %arg9[%swap3A_93, %swap3A_94], %broadcast_in_dim3A_92 {strides = array<i32>} : memref<80x128xf32, #tpu.memory_space<vmem>>, vector<16xf32>,
      %broadcast_in_dim3A_96 = arith.constant 0.000000e+00 : f32
      %broadcast_in_dim3A_97 = vector.broadcast %broadcast_in_dim3A_96 : f32 to vector<16xf32>
      %swap3A_98 = arith.index_cast %scan3A_77 : i32 to index
      %swap3A_99 = arith.constant 64 : index
      %swap3A_100 = tpu.vector_load %arg9[%swap3A_98, %swap3A_99] {strides = array<i32>} : memref<80x128xf32, #tpu.memory_space<vmem>>, vector<16xf32>,
      tpu.vector_store %arg9[%swap3A_98, %swap3A_99], %broadcast_in_dim3A_97 {strides = array<i32>} : memref<80x128xf32, #tpu.memory_space<vmem>>, vector<16xf32>,
      %broadcast_in_dim3A_101 = arith.constant 0.000000e+00 : f32
      %broadcast_in_dim3A_102 = vector.broadcast %broadcast_in_dim3A_101 : f32 to vector<16xf32>
      %swap3A_103 = arith.index_cast %scan3A_77 : i32 to index
      %swap3A_104 = arith.constant 80 : index
      %swap3A_105 = tpu.vector_load %arg9[%swap3A_103, %swap3A_104] {strides = array<i32>} : memref<80x128xf32, #tpu.memory_space<vmem>>, vector<16xf32>,
      tpu.vector_store %arg9[%swap3A_103, %swap3A_104], %broadcast_in_dim3A_102 {strides = array<i32>} : memref<80x128xf32, #tpu.memory_space<vmem>>, vector<16xf32>,
      %broadcast_in_dim3A_106 = arith.constant 0.000000e+00 : f32
      %broadcast_in_dim3A_107 = vector.broadcast %broadcast_in_dim3A_106 : f32 to vector<16xf32>
      %swap3A_108 = arith.index_cast %scan3A_77 : i32 to index
      %swap3A_109 = arith.constant 96 : index
      %swap3A_110 = tpu.vector_load %arg9[%swap3A_108, %swap3A_109] {strides = array<i32>} : memref<80x128xf32, #tpu.memory_space<vmem>>, vector<16xf32>,
      tpu.vector_store %arg9[%swap3A_108, %swap3A_109], %broadcast_in_dim3A_107 {strides = array<i32>} : memref<80x128xf32, #tpu.memory_space<vmem>>, vector<16xf32>,
      %broadcast_in_dim3A_111 = arith.constant 0.000000e+00 : f32
      %broadcast_in_dim3A_112 = vector.broadcast %broadcast_in_dim3A_111 : f32 to vector<16xf32>
      %swap3A_113 = arith.index_cast %scan3A_77 : i32 to index
      %swap3A_114 = arith.constant 112 : index
      %swap3A_115 = tpu.vector_load %arg9[%swap3A_113, %swap3A_114] {strides = array<i32>} : memref<80x128xf32, #tpu.memory_space<vmem>>, vector<16xf32>,
      tpu.vector_store %arg9[%swap3A_113, %swap3A_114], %broadcast_in_dim3A_112 {strides = array<i32>} : memref<80x128xf32, #tpu.memory_space<vmem>>, vector<16xf32>,
    }
    %scan3A_7 = arith.constant 80 : i32
    %add3A_8 = arith.constant 0 : i32
    %add3A_9 = arith.addi %mul3A_2, %add3A_8 : i32
    "tpu.region"() ({
      %run_scoped3A = tpu.sem_alloc : memref<!tpu.dma_semaphore, #tpu.memory_space<semaphore_mem>>
      %dma_start3A = arith.constant 0 : i32
      %dma_start3A_77 = tpu.memref_slice %arg12[%add3A_9, %dma_start3A] : memref<10240x128xf32, #tpu.memory_space<vmem_shared>> -> memref<80x128xf32, #tpu.memory_space<vmem_shared>>
      %dma_start3A_78 = arith.constant 0 : i32
      %dma_start3A_79 = tpu.memref_slice %arg12[%add3A_9, %dma_start3A_78] : memref<10240x128xf32, #tpu.memory_space<vmem_shared>> -> memref<80x128xf32, #tpu.memory_space<vmem_shared>>
      tpu.enqueue_dma source(%arg9 : memref<80x128xf32, #tpu.memory_space<vmem>>) target(%dma_start3A_79 : memref<80x128xf32, #tpu.memory_space<vmem_shared>>) target_semaphore(%run_scoped3A : memref<!tpu.dma_semaphore, #tpu.memory_space<semaphore_mem>>)
      %dma_wait3A = arith.constant 0 : i32
      %dma_wait3A_80 = tpu.memref_slice %arg12[%add3A_9, %dma_wait3A] : memref<10240x128xf32, #tpu.memory_space<vmem_shared>> -> memref<80x128xf32, #tpu.memory_space<vmem_shared>>
      %dma_wait3A_81 = arith.constant 0 : i32
      %dma_wait3A_82 = tpu.memref_slice %arg12[%add3A_9, %dma_wait3A_81] : memref<10240x128xf32, #tpu.memory_space<vmem_shared>> -> memref<80x128xf32, #tpu.memory_space<vmem_shared>>
      tpu.wait_dma2 semaphore(%run_scoped3A : memref<!tpu.dma_semaphore, #tpu.memory_space<semaphore_mem>>) src(%arg9 : memref<80x128xf32, #tpu.memory_space<vmem>>) dst(%dma_wait3A_82 : memref<80x128xf32, #tpu.memory_space<vmem_shared>>)
      tpu.yield
    }) : () -> ()
    %add3A_10 = arith.constant 80 : i32
    %add3A_11 = arith.addi %mul3A_2, %add3A_10 : i32
    "tpu.region"() ({
      %run_scoped3A = tpu.sem_alloc : memref<!tpu.dma_semaphore, #tpu.memory_space<semaphore_mem>>
      %dma_start3A = arith.constant 0 : i32
      %dma_start3A_77 = tpu.memref_slice %arg12[%add3A_11, %dma_start3A] : memref<10240x128xf32, #tpu.memory_space<vmem_shared>> -> memref<80x128xf32, #tpu.memory_space<vmem_shared>>
      %dma_start3A_78 = arith.constant 0 : i32
      %dma_start3A_79 = tpu.memref_slice %arg12[%add3A_11, %dma_start3A_78] : memref<10240x128xf32, #tpu.memory_space<vmem_shared>> -> memref<80x128xf32, #tpu.memory_space<vmem_shared>>
      tpu.enqueue_dma source(%arg9 : memref<80x128xf32, #tpu.memory_space<vmem>>) target(%dma_start3A_79 : memref<80x128xf32, #tpu.memory_space<vmem_shared>>) target_semaphore(%run_scoped3A : memref<!tpu.dma_semaphore, #tpu.memory_space<semaphore_mem>>)
      %dma_wait3A = arith.constant 0 : i32
      %dma_wait3A_80 = tpu.memref_slice %arg12[%add3A_11, %dma_wait3A] : memref<10240x128xf32, #tpu.memory_space<vmem_shared>> -> memref<80x128xf32, #tpu.memory_space<vmem_shared>>
      %dma_wait3A_81 = arith.constant 0 : i32
      %dma_wait3A_82 = tpu.memref_slice %arg12[%add3A_11, %dma_wait3A_81] : memref<10240x128xf32, #tpu.memory_space<vmem_shared>> -> memref<80x128xf32, #tpu.memory_space<vmem_shared>>
      tpu.wait_dma2 semaphore(%run_scoped3A : memref<!tpu.dma_semaphore, #tpu.memory_space<semaphore_mem>>) src(%arg9 : memref<80x128xf32, #tpu.memory_space<vmem>>) dst(%dma_wait3A_82 : memref<80x128xf32, #tpu.memory_space<vmem_shared>>)
      tpu.yield
    }) : () -> ()
    %add3A_12 = arith.constant 160 : i32
    %add3A_13 = arith.addi %mul3A_2, %add3A_12 : i32
    "tpu.region"() ({
      %run_scoped3A = tpu.sem_alloc : memref<!tpu.dma_semaphore, #tpu.memory_space<semaphore_mem>>
      %dma_start3A = arith.constant 0 : i32
      %dma_start3A_77 = tpu.memref_slice %arg12[%add3A_13, %dma_start3A] : memref<10240x128xf32, #tpu.memory_space<vmem_shared>> -> memref<80x128xf32, #tpu.memory_space<vmem_shared>>
      %dma_start3A_78 = arith.constant 0 : i32
      %dma_start3A_79 = tpu.memref_slice %arg12[%add3A_13, %dma_start3A_78] : memref<10240x128xf32, #tpu.memory_space<vmem_shared>> -> memref<80x128xf32, #tpu.memory_space<vmem_shared>>
      tpu.enqueue_dma source(%arg9 : memref<80x128xf32, #tpu.memory_space<vmem>>) target(%dma_start3A_79 : memref<80x128xf32, #tpu.memory_space<vmem_shared>>) target_semaphore(%run_scoped3A : memref<!tpu.dma_semaphore, #tpu.memory_space<semaphore_mem>>)
      %dma_wait3A = arith.constant 0 : i32
      %dma_wait3A_80 = tpu.memref_slice %arg12[%add3A_13, %dma_wait3A] : memref<10240x128xf32, #tpu.memory_space<vmem_shared>> -> memref<80x128xf32, #tpu.memory_space<vmem_shared>>
      %dma_wait3A_81 = arith.constant 0 : i32
      %dma_wait3A_82 = tpu.memref_slice %arg12[%add3A_13, %dma_wait3A_81] : memref<10240x128xf32, #tpu.memory_space<vmem_shared>> -> memref<80x128xf32, #tpu.memory_space<vmem_shared>>
      tpu.wait_dma2 semaphore(%run_scoped3A : memref<!tpu.dma_semaphore, #tpu.memory_space<semaphore_mem>>) src(%arg9 : memref<80x128xf32, #tpu.memory_space<vmem>>) dst(%dma_wait3A_82 : memref<80x128xf32, #tpu.memory_space<vmem_shared>>)
      tpu.yield
    }) : () -> ()
    %add3A_14 = arith.constant 240 : i32
    %add3A_15 = arith.addi %mul3A_2, %add3A_14 : i32
    "tpu.region"() ({
      %run_scoped3A = tpu.sem_alloc : memref<!tpu.dma_semaphore, #tpu.memory_space<semaphore_mem>>
      %dma_start3A = arith.constant 0 : i32
      %dma_start3A_77 = tpu.memref_slice %arg12[%add3A_15, %dma_start3A] : memref<10240x128xf32, #tpu.memory_space<vmem_shared>> -> memref<80x128xf32, #tpu.memory_space<vmem_shared>>
      %dma_start3A_78 = arith.constant 0 : i32
      %dma_start3A_79 = tpu.memref_slice %arg12[%add3A_15, %dma_start3A_78] : memref<10240x128xf32, #tpu.memory_space<vmem_shared>> -> memref<80x128xf32, #tpu.memory_space<vmem_shared>>
      tpu.enqueue_dma source(%arg9 : memref<80x128xf32, #tpu.memory_space<vmem>>) target(%dma_start3A_79 : memref<80x128xf32, #tpu.memory_space<vmem_shared>>) target_semaphore(%run_scoped3A : memref<!tpu.dma_semaphore, #tpu.memory_space<semaphore_mem>>)
      %dma_wait3A = arith.constant 0 : i32
      %dma_wait3A_80 = tpu.memref_slice %arg12[%add3A_15, %dma_wait3A] : memref<10240x128xf32, #tpu.memory_space<vmem_shared>> -> memref<80x128xf32, #tpu.memory_space<vmem_shared>>
      %dma_wait3A_81 = arith.constant 0 : i32
      %dma_wait3A_82 = tpu.memref_slice %arg12[%add3A_15, %dma_wait3A_81] : memref<10240x128xf32, #tpu.memory_space<vmem_shared>> -> memref<80x128xf32, #tpu.memory_space<vmem_shared>>
      tpu.wait_dma2 semaphore(%run_scoped3A : memref<!tpu.dma_semaphore, #tpu.memory_space<semaphore_mem>>) src(%arg9 : memref<80x128xf32, #tpu.memory_space<vmem>>) dst(%dma_wait3A_82 : memref<80x128xf32, #tpu.memory_space<vmem_shared>>)
      tpu.yield
    }) : () -> ()
    %add3A_16 = arith.constant 320 : i32
    %add3A_17 = arith.addi %mul3A_2, %add3A_16 : i32
    "tpu.region"() ({
      %run_scoped3A = tpu.sem_alloc : memref<!tpu.dma_semaphore, #tpu.memory_space<semaphore_mem>>
      %dma_start3A = arith.constant 0 : i32
      %dma_start3A_77 = tpu.memref_slice %arg12[%add3A_17, %dma_start3A] : memref<10240x128xf32, #tpu.memory_space<vmem_shared>> -> memref<80x128xf32, #tpu.memory_space<vmem_shared>>
      %dma_start3A_78 = arith.constant 0 : i32
      %dma_start3A_79 = tpu.memref_slice %arg12[%add3A_17, %dma_start3A_78] : memref<10240x128xf32, #tpu.memory_space<vmem_shared>> -> memref<80x128xf32, #tpu.memory_space<vmem_shared>>
      tpu.enqueue_dma source(%arg9 : memref<80x128xf32, #tpu.memory_space<vmem>>) target(%dma_start3A_79 : memref<80x128xf32, #tpu.memory_space<vmem_shared>>) target_semaphore(%run_scoped3A : memref<!tpu.dma_semaphore, #tpu.memory_space<semaphore_mem>>)
      %dma_wait3A = arith.constant 0 : i32
      %dma_wait3A_80 = tpu.memref_slice %arg12[%add3A_17, %dma_wait3A] : memref<10240x128xf32, #tpu.memory_space<vmem_shared>> -> memref<80x128xf32, #tpu.memory_space<vmem_shared>>
      %dma_wait3A_81 = arith.constant 0 : i32
      %dma_wait3A_82 = tpu.memref_slice %arg12[%add3A_17, %dma_wait3A_81] : memref<10240x128xf32, #tpu.memory_space<vmem_shared>> -> memref<80x128xf32, #tpu.memory_space<vmem_shared>>
      tpu.wait_dma2 semaphore(%run_scoped3A : memref<!tpu.dma_semaphore, #tpu.memory_space<semaphore_mem>>) src(%arg9 : memref<80x128xf32, #tpu.memory_space<vmem>>) dst(%dma_wait3A_82 : memref<80x128xf32, #tpu.memory_space<vmem_shared>>)
      tpu.yield
    }) : () -> ()
    %add3A_18 = arith.constant 400 : i32
    %add3A_19 = arith.addi %mul3A_2, %add3A_18 : i32
    "tpu.region"() ({
      %run_scoped3A = tpu.sem_alloc : memref<!tpu.dma_semaphore, #tpu.memory_space<semaphore_mem>>
      %dma_start3A = arith.constant 0 : i32
      %dma_start3A_77 = tpu.memref_slice %arg12[%add3A_19, %dma_start3A] : memref<10240x128xf32, #tpu.memory_space<vmem_shared>> -> memref<80x128xf32, #tpu.memory_space<vmem_shared>>
      %dma_start3A_78 = arith.constant 0 : i32
      %dma_start3A_79 = tpu.memref_slice %arg12[%add3A_19, %dma_start3A_78] : memref<10240x128xf32, #tpu.memory_space<vmem_shared>> -> memref<80x128xf32, #tpu.memory_space<vmem_shared>>
      tpu.enqueue_dma source(%arg9 : memref<80x128xf32, #tpu.memory_space<vmem>>) target(%dma_start3A_79 : memref<80x128xf32, #tpu.memory_space<vmem_shared>>) target_semaphore(%run_scoped3A : memref<!tpu.dma_semaphore, #tpu.memory_space<semaphore_mem>>)
      %dma_wait3A = arith.constant 0 : i32
      %dma_wait3A_80 = tpu.memref_slice %arg12[%add3A_19, %dma_wait3A] : memref<10240x128xf32, #tpu.memory_space<vmem_shared>> -> memref<80x128xf32, #tpu.memory_space<vmem_shared>>
      %dma_wait3A_81 = arith.constant 0 : i32
      %dma_wait3A_82 = tpu.memref_slice %arg12[%add3A_19, %dma_wait3A_81] : memref<10240x128xf32, #tpu.memory_space<vmem_shared>> -> memref<80x128xf32, #tpu.memory_space<vmem_shared>>
      tpu.wait_dma2 semaphore(%run_scoped3A : memref<!tpu.dma_semaphore, #tpu.memory_space<semaphore_mem>>) src(%arg9 : memref<80x128xf32, #tpu.memory_space<vmem>>) dst(%dma_wait3A_82 : memref<80x128xf32, #tpu.memory_space<vmem_shared>>)
      tpu.yield
    }) : () -> ()
    %add3A_20 = arith.constant 480 : i32
    %add3A_21 = arith.addi %mul3A_2, %add3A_20 : i32
    "tpu.region"() ({
      %run_scoped3A = tpu.sem_alloc : memref<!tpu.dma_semaphore, #tpu.memory_space<semaphore_mem>>
      %dma_start3A = arith.constant 0 : i32
      %dma_start3A_77 = tpu.memref_slice %arg12[%add3A_21, %dma_start3A] : memref<10240x128xf32, #tpu.memory_space<vmem_shared>> -> memref<80x128xf32, #tpu.memory_space<vmem_shared>>
      %dma_start3A_78 = arith.constant 0 : i32
      %dma_start3A_79 = tpu.memref_slice %arg12[%add3A_21, %dma_start3A_78] : memref<10240x128xf32, #tpu.memory_space<vmem_shared>> -> memref<80x128xf32, #tpu.memory_space<vmem_shared>>
      tpu.enqueue_dma source(%arg9 : memref<80x128xf32, #tpu.memory_space<vmem>>) target(%dma_start3A_79 : memref<80x128xf32, #tpu.memory_space<vmem_shared>>) target_semaphore(%run_scoped3A : memref<!tpu.dma_semaphore, #tpu.memory_space<semaphore_mem>>)
      %dma_wait3A = arith.constant 0 : i32
      %dma_wait3A_80 = tpu.memref_slice %arg12[%add3A_21, %dma_wait3A] : memref<10240x128xf32, #tpu.memory_space<vmem_shared>> -> memref<80x128xf32, #tpu.memory_space<vmem_shared>>
      %dma_wait3A_81 = arith.constant 0 : i32
      %dma_wait3A_82 = tpu.memref_slice %arg12[%add3A_21, %dma_wait3A_81] : memref<10240x128xf32, #tpu.memory_space<vmem_shared>> -> memref<80x128xf32, #tpu.memory_space<vmem_shared>>
      tpu.wait_dma2 semaphore(%run_scoped3A : memref<!tpu.dma_semaphore, #tpu.memory_space<semaphore_mem>>) src(%arg9 : memref<80x128xf32, #tpu.memory_space<vmem>>) dst(%dma_wait3A_82 : memref<80x128xf32, #tpu.memory_space<vmem_shared>>)
      tpu.yield
    }) : () -> ()
    %add3A_22 = arith.constant 560 : i32
    %add3A_23 = arith.addi %mul3A_2, %add3A_22 : i32
    "tpu.region"() ({
      %run_scoped3A = tpu.sem_alloc : memref<!tpu.dma_semaphore, #tpu.memory_space<semaphore_mem>>
      %dma_start3A = arith.constant 0 : i32
      %dma_start3A_77 = tpu.memref_slice %arg12[%add3A_23, %dma_start3A] : memref<10240x128xf32, #tpu.memory_space<vmem_shared>> -> memref<80x128xf32, #tpu.memory_space<vmem_shared>>
      %dma_start3A_78 = arith.constant 0 : i32
      %dma_start3A_79 = tpu.memref_slice %arg12[%add3A_23, %dma_start3A_78] : memref<10240x128xf32, #tpu.memory_space<vmem_shared>> -> memref<80x128xf32, #tpu.memory_space<vmem_shared>>
      tpu.enqueue_dma source(%arg9 : memref<80x128xf32, #tpu.memory_space<vmem>>) target(%dma_start3A_79 : memref<80x128xf32, #tpu.memory_space<vmem_shared>>) target_semaphore(%run_scoped3A : memref<!tpu.dma_semaphore, #tpu.memory_space<semaphore_mem>>)
      %dma_wait3A = arith.constant 0 : i32
      %dma_wait3A_80 = tpu.memref_slice %arg12[%add3A_23, %dma_wait3A] : memref<10240x128xf32, #tpu.memory_space<vmem_shared>> -> memref<80x128xf32, #tpu.memory_space<vmem_shared>>
      %dma_wait3A_81 = arith.constant 0 : i32
      %dma_wait3A_82 = tpu.memref_slice %arg12[%add3A_23, %dma_wait3A_81] : memref<10240x128xf32, #tpu.memory_space<vmem_shared>> -> memref<80x128xf32, #tpu.memory_space<vmem_shared>>
      tpu.wait_dma2 semaphore(%run_scoped3A : memref<!tpu.dma_semaphore, #tpu.memory_space<semaphore_mem>>) src(%arg9 : memref<80x128xf32, #tpu.memory_space<vmem>>) dst(%dma_wait3A_82 : memref<80x128xf32, #tpu.memory_space<vmem_shared>>)
      tpu.yield
    }) : () -> ()
    %scan3A_24 = arith.constant 0 : i32
    %scan3A_25 = arith.constant 0 : i32
    %scan3A_26 = arith.constant 80 : i32
    %scan3A_27 = arith.addi %scan3A_25, %scan3A_26 : i32
    %scan3A_28 = arith.constant 1 : i32
    scf.for %scan3A_77 = %scan3A_25 to %scan3A_27 step %scan3A_28  : i32 {
      %broadcast_in_dim3A = arith.constant 0 : i32
      %broadcast_in_dim3A_78 = vector.broadcast %broadcast_in_dim3A : i32 to vector<16xi32>
      %mul3A_79 = arith.constant 128 : i32
      %mul3A_80 = arith.muli %scan3A_77, %mul3A_79 : i32
      %add3A_81 = arith.constant 0 : i32
      %add3A_82 = arith.addi %mul3A_80, %add3A_81 : i32
      %swap3A = arith.index_cast %add3A_82 : i32 to index
      %swap3A_83 = tpu.vector_load %arg10[%swap3A] {strides = array<i32>} : memref<10240xi32, #tpu.memory_space<vmem>>, vector<16xi32>,
      tpu.vector_store %arg10[%swap3A], %broadcast_in_dim3A_78 {strides = array<i32>} : memref<10240xi32, #tpu.memory_space<vmem>>, vector<16xi32>,
      %broadcast_in_dim3A_84 = arith.constant 0 : i32
      %broadcast_in_dim3A_85 = vector.broadcast %broadcast_in_dim3A_84 : i32 to vector<16xi32>
      %mul3A_86 = arith.constant 128 : i32
      %mul3A_87 = arith.muli %scan3A_77, %mul3A_86 : i32
      %add3A_88 = arith.constant 16 : i32
      %add3A_89 = arith.addi %mul3A_87, %add3A_88 : i32
      %swap3A_90 = arith.index_cast %add3A_89 : i32 to index
      %swap3A_91 = tpu.vector_load %arg10[%swap3A_90] {strides = array<i32>} : memref<10240xi32, #tpu.memory_space<vmem>>, vector<16xi32>,
      tpu.vector_store %arg10[%swap3A_90], %broadcast_in_dim3A_85 {strides = array<i32>} : memref<10240xi32, #tpu.memory_space<vmem>>, vector<16xi32>,
      %broadcast_in_dim3A_92 = arith.constant 0 : i32
      %broadcast_in_dim3A_93 = vector.broadcast %broadcast_in_dim3A_92 : i32 to vector<16xi32>
      %mul3A_94 = arith.constant 128 : i32
      %mul3A_95 = arith.muli %scan3A_77, %mul3A_94 : i32
      %add3A_96 = arith.constant 32 : i32
      %add3A_97 = arith.addi %mul3A_95, %add3A_96 : i32
      %swap3A_98 = arith.index_cast %add3A_97 : i32 to index
      %swap3A_99 = tpu.vector_load %arg10[%swap3A_98] {strides = array<i32>} : memref<10240xi32, #tpu.memory_space<vmem>>, vector<16xi32>,
      tpu.vector_store %arg10[%swap3A_98], %broadcast_in_dim3A_93 {strides = array<i32>} : memref<10240xi32, #tpu.memory_space<vmem>>, vector<16xi32>,
      %broadcast_in_dim3A_100 = arith.constant 0 : i32
      %broadcast_in_dim3A_101 = vector.broadcast %broadcast_in_dim3A_100 : i32 to vector<16xi32>
      %mul3A_102 = arith.constant 128 : i32
      %mul3A_103 = arith.muli %scan3A_77, %mul3A_102 : i32
      %add3A_104 = arith.constant 48 : i32
      %add3A_105 = arith.addi %mul3A_103, %add3A_104 : i32
      %swap3A_106 = arith.index_cast %add3A_105 : i32 to index
      %swap3A_107 = tpu.vector_load %arg10[%swap3A_106] {strides = array<i32>} : memref<10240xi32, #tpu.memory_space<vmem>>, vector<16xi32>,
      tpu.vector_store %arg10[%swap3A_106], %broadcast_in_dim3A_101 {strides = array<i32>} : memref<10240xi32, #tpu.memory_space<vmem>>, vector<16xi32>,
      %broadcast_in_dim3A_108 = arith.constant 0 : i32
      %broadcast_in_dim3A_109 = vector.broadcast %broadcast_in_dim3A_108 : i32 to vector<16xi32>
      %mul3A_110 = arith.constant 128 : i32
      %mul3A_111 = arith.muli %scan3A_77, %mul3A_110 : i32
      %add3A_112 = arith.constant 64 : i32
      %add3A_113 = arith.addi %mul3A_111, %add3A_112 : i32
      %swap3A_114 = arith.index_cast %add3A_113 : i32 to index
      %swap3A_115 = tpu.vector_load %arg10[%swap3A_114] {strides = array<i32>} : memref<10240xi32, #tpu.memory_space<vmem>>, vector<16xi32>,
      tpu.vector_store %arg10[%swap3A_114], %broadcast_in_dim3A_109 {strides = array<i32>} : memref<10240xi32, #tpu.memory_space<vmem>>, vector<16xi32>,
      %broadcast_in_dim3A_116 = arith.constant 0 : i32
      %broadcast_in_dim3A_117 = vector.broadcast %broadcast_in_dim3A_116 : i32 to vector<16xi32>
      %mul3A_118 = arith.constant 128 : i32
      %mul3A_119 = arith.muli %scan3A_77, %mul3A_118 : i32
      %add3A_120 = arith.constant 80 : i32
      %add3A_121 = arith.addi %mul3A_119, %add3A_120 : i32
      %swap3A_122 = arith.index_cast %add3A_121 : i32 to index
      %swap3A_123 = tpu.vector_load %arg10[%swap3A_122] {strides = array<i32>} : memref<10240xi32, #tpu.memory_space<vmem>>, vector<16xi32>,
      tpu.vector_store %arg10[%swap3A_122], %broadcast_in_dim3A_117 {strides = array<i32>} : memref<10240xi32, #tpu.memory_space<vmem>>, vector<16xi32>,
      %broadcast_in_dim3A_124 = arith.constant 0 : i32
      %broadcast_in_dim3A_125 = vector.broadcast %broadcast_in_dim3A_124 : i32 to vector<16xi32>
      %mul3A_126 = arith.constant 128 : i32
      %mul3A_127 = arith.muli %scan3A_77, %mul3A_126 : i32
      %add3A_128 = arith.constant 96 : i32
      %add3A_129 = arith.addi %mul3A_127, %add3A_128 : i32
      %swap3A_130 = arith.index_cast %add3A_129 : i32 to index
      %swap3A_131 = tpu.vector_load %arg10[%swap3A_130] {strides = array<i32>} : memref<10240xi32, #tpu.memory_space<vmem>>, vector<16xi32>,
      tpu.vector_store %arg10[%swap3A_130], %broadcast_in_dim3A_125 {strides = array<i32>} : memref<10240xi32, #tpu.memory_space<vmem>>, vector<16xi32>,
      %broadcast_in_dim3A_132 = arith.constant 0 : i32
      %broadcast_in_dim3A_133 = vector.broadcast %broadcast_in_dim3A_132 : i32 to vector<16xi32>
      %mul3A_134 = arith.constant 128 : i32
      %mul3A_135 = arith.muli %scan3A_77, %mul3A_134 : i32
      %add3A_136 = arith.constant 112 : i32
      %add3A_137 = arith.addi %mul3A_135, %add3A_136 : i32
      %swap3A_138 = arith.index_cast %add3A_137 : i32 to index
      %swap3A_139 = tpu.vector_load %arg10[%swap3A_138] {strides = array<i32>} : memref<10240xi32, #tpu.memory_space<vmem>>, vector<16xi32>,
      tpu.vector_store %arg10[%swap3A_138], %broadcast_in_dim3A_133 {strides = array<i32>} : memref<10240xi32, #tpu.memory_space<vmem>>, vector<16xi32>,
    }
    %scan3A_29 = arith.constant 80 : i32
    %barrier3A = arith.constant 0 : index
    tpu.barrier barrier_id(%barrier3A)
    %mul3A_30 = arith.constant 10000 : i32
    %mul3A_31 = arith.muli %add3A, %mul3A_30 : i32
    %scan3A_32 = arith.constant 0 : i32
    %scan3A_33 = arith.constant 0 : i32
    %scan3A_34 = arith.constant 125 : i32
    %scan3A_35 = arith.addi %scan3A_33, %scan3A_34 : i32
    %scan3A_36 = arith.constant 1 : i32
    scf.for %scan3A_77 = %scan3A_33 to %scan3A_35 step %scan3A_36  : i32 {
      %mul3A_78 = arith.constant 80 : i32
      %mul3A_79 = arith.muli %scan3A_77, %mul3A_78 : i32
      %add3A_80 = arith.addi %mul3A_31, %mul3A_79 : i32
      %multiple_of3A = tpu.assume_multiple %add3A_80, 8 : i32
      "tpu.region"() ({
        %run_scoped3A = tpu.sem_alloc : memref<!tpu.dma_semaphore, #tpu.memory_space<semaphore_mem>>
        %dma_start3A_91 = tpu.memref_slice %arg3[%multiple_of3A] : memref<320000xi32, #tpu.memory_space<hbm>> -> memref<80xi32, #tpu.memory_space<hbm>>
        %dma_start3A_92 = tpu.memref_slice %arg3[%multiple_of3A] : memref<320000xi32, #tpu.memory_space<hbm>> -> memref<80xi32, #tpu.memory_space<hbm>>
        tpu.enqueue_dma source(%dma_start3A_92 : memref<80xi32, #tpu.memory_space<hbm>>) target(%arg7 : memref<80xi32, #tpu.memory_space<vmem>>) target_semaphore(%run_scoped3A : memref<!tpu.dma_semaphore, #tpu.memory_space<semaphore_mem>>)
        %dma_wait3A_93 = tpu.memref_slice %arg3[%multiple_of3A] : memref<320000xi32, #tpu.memory_space<hbm>> -> memref<80xi32, #tpu.memory_space<hbm>>
        %dma_wait3A_94 = tpu.memref_slice %arg3[%multiple_of3A] : memref<320000xi32, #tpu.memory_space<hbm>> -> memref<80xi32, #tpu.memory_space<hbm>>
        tpu.wait_dma2 semaphore(%run_scoped3A : memref<!tpu.dma_semaphore, #tpu.memory_space<semaphore_mem>>) src(%dma_wait3A_94 : memref<80xi32, #tpu.memory_space<hbm>>) dst(%arg7 : memref<80xi32, #tpu.memory_space<vmem>>)
        tpu.yield
      }) : () -> ()
      "tpu.region"() ({
        %run_scoped3A = tpu.sem_alloc : memref<!tpu.dma_semaphore, #tpu.memory_space<semaphore_mem>>
        %dma_start3A_91 = tpu.memref_slice %arg4[%multiple_of3A] : memref<320000xi32, #tpu.memory_space<hbm>> -> memref<80xi32, #tpu.memory_space<hbm>>
        %dma_start3A_92 = tpu.memref_slice %arg4[%multiple_of3A] : memref<320000xi32, #tpu.memory_space<hbm>> -> memref<80xi32, #tpu.memory_space<hbm>>
        tpu.enqueue_dma source(%dma_start3A_92 : memref<80xi32, #tpu.memory_space<hbm>>) target(%arg8 : memref<80xi32, #tpu.memory_space<vmem>>) target_semaphore(%run_scoped3A : memref<!tpu.dma_semaphore, #tpu.memory_space<semaphore_mem>>)
        %dma_wait3A_93 = tpu.memref_slice %arg4[%multiple_of3A] : memref<320000xi32, #tpu.memory_space<hbm>> -> memref<80xi32, #tpu.memory_space<hbm>>
        %dma_wait3A_94 = tpu.memref_slice %arg4[%multiple_of3A] : memref<320000xi32, #tpu.memory_space<hbm>> -> memref<80xi32, #tpu.memory_space<hbm>>
        tpu.wait_dma2 semaphore(%run_scoped3A : memref<!tpu.dma_semaphore, #tpu.memory_space<semaphore_mem>>) src(%dma_wait3A_94 : memref<80xi32, #tpu.memory_space<hbm>>) dst(%arg8 : memref<80xi32, #tpu.memory_space<vmem>>)
        tpu.yield
      }) : () -> ()
      %dma_start3A = arith.constant 0 : i32
      %dma_start3A_81 = arith.constant 0 : i32
      %dma_start3A_82 = tpu.memref_slice %arg2[%dma_start3A, %dma_start3A_81] : memref<10240x128xf32, #tpu.memory_space<hbm>> -> memref<10240x128xf32, #tpu.memory_space<hbm>>
      tpu.enqueue_indirect_dma source(%dma_start3A_82 : memref<10240x128xf32, #tpu.memory_space<hbm>>) target(%arg9 : memref<80x128xf32, #tpu.memory_space<vmem>>) offsets(%arg7 : memref<80xi32, #tpu.memory_space<vmem>>) semaphore(%arg13 : memref<!tpu.dma_semaphore, #tpu.memory_space<semaphore_mem>>)
      %dma_wait3A = arith.constant 0 : i32
      %dma_wait3A_83 = arith.constant 0 : i32
      %dma_wait3A_84 = tpu.memref_slice %arg2[%dma_wait3A, %dma_wait3A_83] : memref<10240x128xf32, #tpu.memory_space<hbm>> -> memref<10240x128xf32, #tpu.memory_space<hbm>>
      tpu.wait_indirect_dma semaphore(%arg13 : memref<!tpu.dma_semaphore, #tpu.memory_space<semaphore_mem>>) src(%dma_wait3A_84 : memref<10240x128xf32, #tpu.memory_space<hbm>>) dst(%arg9 : memref<80x128xf32, #tpu.memory_space<vmem>>)
      "tpu.region"() ({
        %run_scoped3A = tpu.sem_alloc : memref<!tpu.dma_semaphore, #tpu.memory_space<semaphore_mem>>
        %dma_start3A_91 = arith.constant 0 : i32
        %dma_start3A_92 = arith.constant 0 : i32
        %dma_start3A_93 = tpu.memref_slice %arg12[%dma_start3A_91, %dma_start3A_92] : memref<10240x128xf32, #tpu.memory_space<vmem_shared>> -> memref<10240x128xf32, #tpu.memory_space<vmem_shared>>
        tpu.enqueue_indirect_dma source(%arg9 : memref<80x128xf32, #tpu.memory_space<vmem>>) target(%dma_start3A_93 : memref<10240x128xf32, #tpu.memory_space<vmem_shared>>) offsets(%arg8 : memref<80xi32, #tpu.memory_space<vmem>>) semaphore(%run_scoped3A : memref<!tpu.dma_semaphore, #tpu.memory_space<semaphore_mem>>) {add = true}
        %dma_wait3A_94 = arith.constant 0 : i32
        %dma_wait3A_95 = arith.constant 0 : i32
        %dma_wait3A_96 = tpu.memref_slice %arg12[%dma_wait3A_94, %dma_wait3A_95] : memref<10240x128xf32, #tpu.memory_space<vmem_shared>> -> memref<10240x128xf32, #tpu.memory_space<vmem_shared>>
        tpu.wait_indirect_dma semaphore(%run_scoped3A : memref<!tpu.dma_semaphore, #tpu.memory_space<semaphore_mem>>) src(%arg9 : memref<80x128xf32, #tpu.memory_space<vmem>>) dst(%dma_wait3A_96 : memref<10240x128xf32, #tpu.memory_space<vmem_shared>>)
        tpu.yield
      }) : () -> ()
      %scan3A_85 = arith.constant 0 : i32
      %scan3A_86 = arith.constant 0 : i32
      %scan3A_87 = arith.constant 5 : i32
      %scan3A_88 = arith.addi %scan3A_86, %scan3A_87 : i32
      %scan3A_89 = arith.constant 1 : i32
      scf.for %scan3A_91 = %scan3A_86 to %scan3A_88 step %scan3A_89  : i32 {
        %mul3A_92 = arith.constant 16 : i32
        %mul3A_93 = arith.muli %scan3A_91, %mul3A_92 : i32
        %get3A = arith.index_cast %mul3A_93 : i32 to index
        %get3A_94 = tpu.vector_load %arg8[%get3A] {strides = array<i32>} : memref<80xi32, #tpu.memory_space<vmem>>, vector<16xi32>,
        %broadcast_in_dim3A = arith.constant true
        %broadcast_in_dim3A_95 = vector.broadcast %broadcast_in_dim3A : i1 to vector<16xi1>
        %unique3A, %unique3A_96 = tpu.scan_count mask(%broadcast_in_dim3A_95 : vector<16xi1>) value(%get3A_94 : vector<16xi32>) : vector<16xi1>, vector<16xi32>
        tpu.vector_store_idx %arg10[%get3A_94], %unique3A_96 masked %unique3A {add = true} : memref<10240xi32, #tpu.memory_space<vmem>>[vector<16xi32>], vector<16xi32>, vector<16xi1>
      }
      %scan3A_90 = arith.constant 5 : i32
    }
    %scan3A_37 = arith.constant 125 : i32
    %barrier3A_38 = arith.constant 0 : index
    tpu.barrier barrier_id(%barrier3A_38)
    %add3A_39 = arith.constant 0 : i32
    %add3A_40 = arith.addi %mul3A_2, %add3A_39 : i32
    "tpu.region"() ({
      %run_scoped3A = tpu.sem_alloc : memref<!tpu.dma_semaphore, #tpu.memory_space<semaphore_mem>>
      %dma_start3A = arith.constant 0 : i32
      %dma_start3A_77 = tpu.memref_slice %arg12[%add3A_40, %dma_start3A] : memref<10240x128xf32, #tpu.memory_space<vmem_shared>> -> memref<80x128xf32, #tpu.memory_space<vmem_shared>>
      %dma_start3A_78 = arith.constant 0 : i32
      %dma_start3A_79 = tpu.memref_slice %arg12[%add3A_40, %dma_start3A_78] : memref<10240x128xf32, #tpu.memory_space<vmem_shared>> -> memref<80x128xf32, #tpu.memory_space<vmem_shared>>
      tpu.enqueue_dma source(%dma_start3A_79 : memref<80x128xf32, #tpu.memory_space<vmem_shared>>) target(%arg9 : memref<80x128xf32, #tpu.memory_space<vmem>>) target_semaphore(%run_scoped3A : memref<!tpu.dma_semaphore, #tpu.memory_space<semaphore_mem>>)
      %dma_wait3A = arith.constant 0 : i32
      %dma_wait3A_80 = tpu.memref_slice %arg12[%add3A_40, %dma_wait3A] : memref<10240x128xf32, #tpu.memory_space<vmem_shared>> -> memref<80x128xf32, #tpu.memory_space<vmem_shared>>
      %dma_wait3A_81 = arith.constant 0 : i32
      %dma_wait3A_82 = tpu.memref_slice %arg12[%add3A_40, %dma_wait3A_81] : memref<10240x128xf32, #tpu.memory_space<vmem_shared>> -> memref<80x128xf32, #tpu.memory_space<vmem_shared>>
      tpu.wait_dma2 semaphore(%run_scoped3A : memref<!tpu.dma_semaphore, #tpu.memory_space<semaphore_mem>>) src(%dma_wait3A_82 : memref<80x128xf32, #tpu.memory_space<vmem_shared>>) dst(%arg9 : memref<80x128xf32, #tpu.memory_space<vmem>>)
      tpu.yield
    }) : () -> ()
    %add3A_41 = arith.constant 0 : i32
    %add3A_42 = arith.addi %mul3A_2, %add3A_41 : i32
    "tpu.region"() ({
      %run_scoped3A = tpu.sem_alloc : memref<!tpu.dma_semaphore, #tpu.memory_space<semaphore_mem>>
      %dma_start3A = arith.constant 0 : i32
      %dma_start3A_77 = tpu.memref_slice %arg5[%arg0, %add3A_42, %dma_start3A] : memref<2x10240x128xf32, #tpu.memory_space<hbm>> -> memref<1x80x128xf32, #tpu.memory_space<hbm>>
      %dma_start3A_78 = tpu.memref_squeeze %dma_start3A_77 : memref<1x80x128xf32, #tpu.memory_space<hbm>> -> memref<80x128xf32, #tpu.memory_space<hbm>>
      %dma_start3A_79 = arith.constant 0 : i32
      %dma_start3A_80 = tpu.memref_slice %arg5[%arg0, %add3A_42, %dma_start3A_79] : memref<2x10240x128xf32, #tpu.memory_space<hbm>> -> memref<1x80x128xf32, #tpu.memory_space<hbm>>
      %dma_start3A_81 = tpu.memref_squeeze %dma_start3A_80 : memref<1x80x128xf32, #tpu.memory_space<hbm>> -> memref<80x128xf32, #tpu.memory_space<hbm>>
      tpu.enqueue_dma source(%arg9 : memref<80x128xf32, #tpu.memory_space<vmem>>) target(%dma_start3A_81 : memref<80x128xf32, #tpu.memory_space<hbm>>) target_semaphore(%run_scoped3A : memref<!tpu.dma_semaphore, #tpu.memory_space<semaphore_mem>>)
      %dma_wait3A = arith.constant 0 : i32
      %dma_wait3A_82 = tpu.memref_slice %arg5[%arg0, %add3A_42, %dma_wait3A] : memref<2x10240x128xf32, #tpu.memory_space<hbm>> -> memref<1x80x128xf32, #tpu.memory_space<hbm>>
      %dma_wait3A_83 = tpu.memref_squeeze %dma_wait3A_82 : memref<1x80x128xf32, #tpu.memory_space<hbm>> -> memref<80x128xf32, #tpu.memory_space<hbm>>
      %dma_wait3A_84 = arith.constant 0 : i32
      %dma_wait3A_85 = tpu.memref_slice %arg5[%arg0, %add3A_42, %dma_wait3A_84] : memref<2x10240x128xf32, #tpu.memory_space<hbm>> -> memref<1x80x128xf32, #tpu.memory_space<hbm>>
      %dma_wait3A_86 = tpu.memref_squeeze %dma_wait3A_85 : memref<1x80x128xf32, #tpu.memory_space<hbm>> -> memref<80x128xf32, #tpu.memory_space<hbm>>
      tpu.wait_dma2 semaphore(%run_scoped3A : memref<!tpu.dma_semaphore, #tpu.memory_space<semaphore_mem>>) src(%arg9 : memref<80x128xf32, #tpu.memory_space<vmem>>) dst(%dma_wait3A_86 : memref<80x128xf32, #tpu.memory_space<hbm>>)
      tpu.yield
    }) : () -> ()
    %add3A_43 = arith.constant 80 : i32
    %add3A_44 = arith.addi %mul3A_2, %add3A_43 : i32
    "tpu.region"() ({
      %run_scoped3A = tpu.sem_alloc : memref<!tpu.dma_semaphore, #tpu.memory_space<semaphore_mem>>
      %dma_start3A = arith.constant 0 : i32
      %dma_start3A_77 = tpu.memref_slice %arg12[%add3A_44, %dma_start3A] : memref<10240x128xf32, #tpu.memory_space<vmem_shared>> -> memref<80x128xf32, #tpu.memory_space<vmem_shared>>
      %dma_start3A_78 = arith.constant 0 : i32
      %dma_start3A_79 = tpu.memref_slice %arg12[%add3A_44, %dma_start3A_78] : memref<10240x128xf32, #tpu.memory_space<vmem_shared>> -> memref<80x128xf32, #tpu.memory_space<vmem_shared>>
      tpu.enqueue_dma source(%dma_start3A_79 : memref<80x128xf32, #tpu.memory_space<vmem_shared>>) target(%arg9 : memref<80x128xf32, #tpu.memory_space<vmem>>) target_semaphore(%run_scoped3A : memref<!tpu.dma_semaphore, #tpu.memory_space<semaphore_mem>>)
      %dma_wait3A = arith.constant 0 : i32
      %dma_wait3A_80 = tpu.memref_slice %arg12[%add3A_44, %dma_wait3A] : memref<10240x128xf32, #tpu.memory_space<vmem_shared>> -> memref<80x128xf32, #tpu.memory_space<vmem_shared>>
      %dma_wait3A_81 = arith.constant 0 : i32
      %dma_wait3A_82 = tpu.memref_slice %arg12[%add3A_44, %dma_wait3A_81] : memref<10240x128xf32, #tpu.memory_space<vmem_shared>> -> memref<80x128xf32, #tpu.memory_space<vmem_shared>>
      tpu.wait_dma2 semaphore(%run_scoped3A : memref<!tpu.dma_semaphore, #tpu.memory_space<semaphore_mem>>) src(%dma_wait3A_82 : memref<80x128xf32, #tpu.memory_space<vmem_shared>>) dst(%arg9 : memref<80x128xf32, #tpu.memory_space<vmem>>)
      tpu.yield
    }) : () -> ()
    %add3A_45 = arith.constant 80 : i32
    %add3A_46 = arith.addi %mul3A_2, %add3A_45 : i32
    "tpu.region"() ({
      %run_scoped3A = tpu.sem_alloc : memref<!tpu.dma_semaphore, #tpu.memory_space<semaphore_mem>>
      %dma_start3A = arith.constant 0 : i32
      %dma_start3A_77 = tpu.memref_slice %arg5[%arg0, %add3A_46, %dma_start3A] : memref<2x10240x128xf32, #tpu.memory_space<hbm>> -> memref<1x80x128xf32, #tpu.memory_space<hbm>>
      %dma_start3A_78 = tpu.memref_squeeze %dma_start3A_77 : memref<1x80x128xf32, #tpu.memory_space<hbm>> -> memref<80x128xf32, #tpu.memory_space<hbm>>
      %dma_start3A_79 = arith.constant 0 : i32
      %dma_start3A_80 = tpu.memref_slice %arg5[%arg0, %add3A_46, %dma_start3A_79] : memref<2x10240x128xf32, #tpu.memory_space<hbm>> -> memref<1x80x128xf32, #tpu.memory_space<hbm>>
      %dma_start3A_81 = tpu.memref_squeeze %dma_start3A_80 : memref<1x80x128xf32, #tpu.memory_space<hbm>> -> memref<80x128xf32, #tpu.memory_space<hbm>>
      tpu.enqueue_dma source(%arg9 : memref<80x128xf32, #tpu.memory_space<vmem>>) target(%dma_start3A_81 : memref<80x128xf32, #tpu.memory_space<hbm>>) target_semaphore(%run_scoped3A : memref<!tpu.dma_semaphore, #tpu.memory_space<semaphore_mem>>)
      %dma_wait3A = arith.constant 0 : i32
      %dma_wait3A_82 = tpu.memref_slice %arg5[%arg0, %add3A_46, %dma_wait3A] : memref<2x10240x128xf32, #tpu.memory_space<hbm>> -> memref<1x80x128xf32, #tpu.memory_space<hbm>>
      %dma_wait3A_83 = tpu.memref_squeeze %dma_wait3A_82 : memref<1x80x128xf32, #tpu.memory_space<hbm>> -> memref<80x128xf32, #tpu.memory_space<hbm>>
      %dma_wait3A_84 = arith.constant 0 : i32
      %dma_wait3A_85 = tpu.memref_slice %arg5[%arg0, %add3A_46, %dma_wait3A_84] : memref<2x10240x128xf32, #tpu.memory_space<hbm>> -> memref<1x80x128xf32, #tpu.memory_space<hbm>>
      %dma_wait3A_86 = tpu.memref_squeeze %dma_wait3A_85 : memref<1x80x128xf32, #tpu.memory_space<hbm>> -> memref<80x128xf32, #tpu.memory_space<hbm>>
      tpu.wait_dma2 semaphore(%run_scoped3A : memref<!tpu.dma_semaphore, #tpu.memory_space<semaphore_mem>>) src(%arg9 : memref<80x128xf32, #tpu.memory_space<vmem>>) dst(%dma_wait3A_86 : memref<80x128xf32, #tpu.memory_space<hbm>>)
      tpu.yield
    }) : () -> ()
    %add3A_47 = arith.constant 160 : i32
    %add3A_48 = arith.addi %mul3A_2, %add3A_47 : i32
    "tpu.region"() ({
      %run_scoped3A = tpu.sem_alloc : memref<!tpu.dma_semaphore, #tpu.memory_space<semaphore_mem>>
      %dma_start3A = arith.constant 0 : i32
      %dma_start3A_77 = tpu.memref_slice %arg12[%add3A_48, %dma_start3A] : memref<10240x128xf32, #tpu.memory_space<vmem_shared>> -> memref<80x128xf32, #tpu.memory_space<vmem_shared>>
      %dma_start3A_78 = arith.constant 0 : i32
      %dma_start3A_79 = tpu.memref_slice %arg12[%add3A_48, %dma_start3A_78] : memref<10240x128xf32, #tpu.memory_space<vmem_shared>> -> memref<80x128xf32, #tpu.memory_space<vmem_shared>>
      tpu.enqueue_dma source(%dma_start3A_79 : memref<80x128xf32, #tpu.memory_space<vmem_shared>>) target(%arg9 : memref<80x128xf32, #tpu.memory_space<vmem>>) target_semaphore(%run_scoped3A : memref<!tpu.dma_semaphore, #tpu.memory_space<semaphore_mem>>)
      %dma_wait3A = arith.constant 0 : i32
      %dma_wait3A_80 = tpu.memref_slice %arg12[%add3A_48, %dma_wait3A] : memref<10240x128xf32, #tpu.memory_space<vmem_shared>> -> memref<80x128xf32, #tpu.memory_space<vmem_shared>>
      %dma_wait3A_81 = arith.constant 0 : i32
      %dma_wait3A_82 = tpu.memref_slice %arg12[%add3A_48, %dma_wait3A_81] : memref<10240x128xf32, #tpu.memory_space<vmem_shared>> -> memref<80x128xf32, #tpu.memory_space<vmem_shared>>
      tpu.wait_dma2 semaphore(%run_scoped3A : memref<!tpu.dma_semaphore, #tpu.memory_space<semaphore_mem>>) src(%dma_wait3A_82 : memref<80x128xf32, #tpu.memory_space<vmem_shared>>) dst(%arg9 : memref<80x128xf32, #tpu.memory_space<vmem>>)
      tpu.yield
    }) : () -> ()
    %add3A_49 = arith.constant 160 : i32
    %add3A_50 = arith.addi %mul3A_2, %add3A_49 : i32
    "tpu.region"() ({
      %run_scoped3A = tpu.sem_alloc : memref<!tpu.dma_semaphore, #tpu.memory_space<semaphore_mem>>
      %dma_start3A = arith.constant 0 : i32
      %dma_start3A_77 = tpu.memref_slice %arg5[%arg0, %add3A_50, %dma_start3A] : memref<2x10240x128xf32, #tpu.memory_space<hbm>> -> memref<1x80x128xf32, #tpu.memory_space<hbm>>
      %dma_start3A_78 = tpu.memref_squeeze %dma_start3A_77 : memref<1x80x128xf32, #tpu.memory_space<hbm>> -> memref<80x128xf32, #tpu.memory_space<hbm>>
      %dma_start3A_79 = arith.constant 0 : i32
      %dma_start3A_80 = tpu.memref_slice %arg5[%arg0, %add3A_50, %dma_start3A_79] : memref<2x10240x128xf32, #tpu.memory_space<hbm>> -> memref<1x80x128xf32, #tpu.memory_space<hbm>>
      %dma_start3A_81 = tpu.memref_squeeze %dma_start3A_80 : memref<1x80x128xf32, #tpu.memory_space<hbm>> -> memref<80x128xf32, #tpu.memory_space<hbm>>
      tpu.enqueue_dma source(%arg9 : memref<80x128xf32, #tpu.memory_space<vmem>>) target(%dma_start3A_81 : memref<80x128xf32, #tpu.memory_space<hbm>>) target_semaphore(%run_scoped3A : memref<!tpu.dma_semaphore, #tpu.memory_space<semaphore_mem>>)
      %dma_wait3A = arith.constant 0 : i32
      %dma_wait3A_82 = tpu.memref_slice %arg5[%arg0, %add3A_50, %dma_wait3A] : memref<2x10240x128xf32, #tpu.memory_space<hbm>> -> memref<1x80x128xf32, #tpu.memory_space<hbm>>
      %dma_wait3A_83 = tpu.memref_squeeze %dma_wait3A_82 : memref<1x80x128xf32, #tpu.memory_space<hbm>> -> memref<80x128xf32, #tpu.memory_space<hbm>>
      %dma_wait3A_84 = arith.constant 0 : i32
      %dma_wait3A_85 = tpu.memref_slice %arg5[%arg0, %add3A_50, %dma_wait3A_84] : memref<2x10240x128xf32, #tpu.memory_space<hbm>> -> memref<1x80x128xf32, #tpu.memory_space<hbm>>
      %dma_wait3A_86 = tpu.memref_squeeze %dma_wait3A_85 : memref<1x80x128xf32, #tpu.memory_space<hbm>> -> memref<80x128xf32, #tpu.memory_space<hbm>>
      tpu.wait_dma2 semaphore(%run_scoped3A : memref<!tpu.dma_semaphore, #tpu.memory_space<semaphore_mem>>) src(%arg9 : memref<80x128xf32, #tpu.memory_space<vmem>>) dst(%dma_wait3A_86 : memref<80x128xf32, #tpu.memory_space<hbm>>)
      tpu.yield
    }) : () -> ()
    %add3A_51 = arith.constant 240 : i32
    %add3A_52 = arith.addi %mul3A_2, %add3A_51 : i32
    "tpu.region"() ({
      %run_scoped3A = tpu.sem_alloc : memref<!tpu.dma_semaphore, #tpu.memory_space<semaphore_mem>>
      %dma_start3A = arith.constant 0 : i32
      %dma_start3A_77 = tpu.memref_slice %arg12[%add3A_52, %dma_start3A] : memref<10240x128xf32, #tpu.memory_space<vmem_shared>> -> memref<80x128xf32, #tpu.memory_space<vmem_shared>>
      %dma_start3A_78 = arith.constant 0 : i32
      %dma_start3A_79 = tpu.memref_slice %arg12[%add3A_52, %dma_start3A_78] : memref<10240x128xf32, #tpu.memory_space<vmem_shared>> -> memref<80x128xf32, #tpu.memory_space<vmem_shared>>
      tpu.enqueue_dma source(%dma_start3A_79 : memref<80x128xf32, #tpu.memory_space<vmem_shared>>) target(%arg9 : memref<80x128xf32, #tpu.memory_space<vmem>>) target_semaphore(%run_scoped3A : memref<!tpu.dma_semaphore, #tpu.memory_space<semaphore_mem>>)
      %dma_wait3A = arith.constant 0 : i32
      %dma_wait3A_80 = tpu.memref_slice %arg12[%add3A_52, %dma_wait3A] : memref<10240x128xf32, #tpu.memory_space<vmem_shared>> -> memref<80x128xf32, #tpu.memory_space<vmem_shared>>
      %dma_wait3A_81 = arith.constant 0 : i32
      %dma_wait3A_82 = tpu.memref_slice %arg12[%add3A_52, %dma_wait3A_81] : memref<10240x128xf32, #tpu.memory_space<vmem_shared>> -> memref<80x128xf32, #tpu.memory_space<vmem_shared>>
      tpu.wait_dma2 semaphore(%run_scoped3A : memref<!tpu.dma_semaphore, #tpu.memory_space<semaphore_mem>>) src(%dma_wait3A_82 : memref<80x128xf32, #tpu.memory_space<vmem_shared>>) dst(%arg9 : memref<80x128xf32, #tpu.memory_space<vmem>>)
      tpu.yield
    }) : () -> ()
    %add3A_53 = arith.constant 240 : i32
    %add3A_54 = arith.addi %mul3A_2, %add3A_53 : i32
    "tpu.region"() ({
      %run_scoped3A = tpu.sem_alloc : memref<!tpu.dma_semaphore, #tpu.memory_space<semaphore_mem>>
      %dma_start3A = arith.constant 0 : i32
      %dma_start3A_77 = tpu.memref_slice %arg5[%arg0, %add3A_54, %dma_start3A] : memref<2x10240x128xf32, #tpu.memory_space<hbm>> -> memref<1x80x128xf32, #tpu.memory_space<hbm>>
      %dma_start3A_78 = tpu.memref_squeeze %dma_start3A_77 : memref<1x80x128xf32, #tpu.memory_space<hbm>> -> memref<80x128xf32, #tpu.memory_space<hbm>>
      %dma_start3A_79 = arith.constant 0 : i32
      %dma_start3A_80 = tpu.memref_slice %arg5[%arg0, %add3A_54, %dma_start3A_79] : memref<2x10240x128xf32, #tpu.memory_space<hbm>> -> memref<1x80x128xf32, #tpu.memory_space<hbm>>
      %dma_start3A_81 = tpu.memref_squeeze %dma_start3A_80 : memref<1x80x128xf32, #tpu.memory_space<hbm>> -> memref<80x128xf32, #tpu.memory_space<hbm>>
      tpu.enqueue_dma source(%arg9 : memref<80x128xf32, #tpu.memory_space<vmem>>) target(%dma_start3A_81 : memref<80x128xf32, #tpu.memory_space<hbm>>) target_semaphore(%run_scoped3A : memref<!tpu.dma_semaphore, #tpu.memory_space<semaphore_mem>>)
      %dma_wait3A = arith.constant 0 : i32
      %dma_wait3A_82 = tpu.memref_slice %arg5[%arg0, %add3A_54, %dma_wait3A] : memref<2x10240x128xf32, #tpu.memory_space<hbm>> -> memref<1x80x128xf32, #tpu.memory_space<hbm>>
      %dma_wait3A_83 = tpu.memref_squeeze %dma_wait3A_82 : memref<1x80x128xf32, #tpu.memory_space<hbm>> -> memref<80x128xf32, #tpu.memory_space<hbm>>
      %dma_wait3A_84 = arith.constant 0 : i32
      %dma_wait3A_85 = tpu.memref_slice %arg5[%arg0, %add3A_54, %dma_wait3A_84] : memref<2x10240x128xf32, #tpu.memory_space<hbm>> -> memref<1x80x128xf32, #tpu.memory_space<hbm>>
      %dma_wait3A_86 = tpu.memref_squeeze %dma_wait3A_85 : memref<1x80x128xf32, #tpu.memory_space<hbm>> -> memref<80x128xf32, #tpu.memory_space<hbm>>
      tpu.wait_dma2 semaphore(%run_scoped3A : memref<!tpu.dma_semaphore, #tpu.memory_space<semaphore_mem>>) src(%arg9 : memref<80x128xf32, #tpu.memory_space<vmem>>) dst(%dma_wait3A_86 : memref<80x128xf32, #tpu.memory_space<hbm>>)
      tpu.yield
    }) : () -> ()
    %add3A_55 = arith.constant 320 : i32
    %add3A_56 = arith.addi %mul3A_2, %add3A_55 : i32
    "tpu.region"() ({
      %run_scoped3A = tpu.sem_alloc : memref<!tpu.dma_semaphore, #tpu.memory_space<semaphore_mem>>
      %dma_start3A = arith.constant 0 : i32
      %dma_start3A_77 = tpu.memref_slice %arg12[%add3A_56, %dma_start3A] : memref<10240x128xf32, #tpu.memory_space<vmem_shared>> -> memref<80x128xf32, #tpu.memory_space<vmem_shared>>
      %dma_start3A_78 = arith.constant 0 : i32
      %dma_start3A_79 = tpu.memref_slice %arg12[%add3A_56, %dma_start3A_78] : memref<10240x128xf32, #tpu.memory_space<vmem_shared>> -> memref<80x128xf32, #tpu.memory_space<vmem_shared>>
      tpu.enqueue_dma source(%dma_start3A_79 : memref<80x128xf32, #tpu.memory_space<vmem_shared>>) target(%arg9 : memref<80x128xf32, #tpu.memory_space<vmem>>) target_semaphore(%run_scoped3A : memref<!tpu.dma_semaphore, #tpu.memory_space<semaphore_mem>>)
      %dma_wait3A = arith.constant 0 : i32
      %dma_wait3A_80 = tpu.memref_slice %arg12[%add3A_56, %dma_wait3A] : memref<10240x128xf32, #tpu.memory_space<vmem_shared>> -> memref<80x128xf32, #tpu.memory_space<vmem_shared>>
      %dma_wait3A_81 = arith.constant 0 : i32
      %dma_wait3A_82 = tpu.memref_slice %arg12[%add3A_56, %dma_wait3A_81] : memref<10240x128xf32, #tpu.memory_space<vmem_shared>> -> memref<80x128xf32, #tpu.memory_space<vmem_shared>>
      tpu.wait_dma2 semaphore(%run_scoped3A : memref<!tpu.dma_semaphore, #tpu.memory_space<semaphore_mem>>) src(%dma_wait3A_82 : memref<80x128xf32, #tpu.memory_space<vmem_shared>>) dst(%arg9 : memref<80x128xf32, #tpu.memory_space<vmem>>)
      tpu.yield
    }) : () -> ()
    %add3A_57 = arith.constant 320 : i32
    %add3A_58 = arith.addi %mul3A_2, %add3A_57 : i32
    "tpu.region"() ({
      %run_scoped3A = tpu.sem_alloc : memref<!tpu.dma_semaphore, #tpu.memory_space<semaphore_mem>>
      %dma_start3A = arith.constant 0 : i32
      %dma_start3A_77 = tpu.memref_slice %arg5[%arg0, %add3A_58, %dma_start3A] : memref<2x10240x128xf32, #tpu.memory_space<hbm>> -> memref<1x80x128xf32, #tpu.memory_space<hbm>>
      %dma_start3A_78 = tpu.memref_squeeze %dma_start3A_77 : memref<1x80x128xf32, #tpu.memory_space<hbm>> -> memref<80x128xf32, #tpu.memory_space<hbm>>
      %dma_start3A_79 = arith.constant 0 : i32
      %dma_start3A_80 = tpu.memref_slice %arg5[%arg0, %add3A_58, %dma_start3A_79] : memref<2x10240x128xf32, #tpu.memory_space<hbm>> -> memref<1x80x128xf32, #tpu.memory_space<hbm>>
      %dma_start3A_81 = tpu.memref_squeeze %dma_start3A_80 : memref<1x80x128xf32, #tpu.memory_space<hbm>> -> memref<80x128xf32, #tpu.memory_space<hbm>>
      tpu.enqueue_dma source(%arg9 : memref<80x128xf32, #tpu.memory_space<vmem>>) target(%dma_start3A_81 : memref<80x128xf32, #tpu.memory_space<hbm>>) target_semaphore(%run_scoped3A : memref<!tpu.dma_semaphore, #tpu.memory_space<semaphore_mem>>)
      %dma_wait3A = arith.constant 0 : i32
      %dma_wait3A_82 = tpu.memref_slice %arg5[%arg0, %add3A_58, %dma_wait3A] : memref<2x10240x128xf32, #tpu.memory_space<hbm>> -> memref<1x80x128xf32, #tpu.memory_space<hbm>>
      %dma_wait3A_83 = tpu.memref_squeeze %dma_wait3A_82 : memref<1x80x128xf32, #tpu.memory_space<hbm>> -> memref<80x128xf32, #tpu.memory_space<hbm>>
      %dma_wait3A_84 = arith.constant 0 : i32
      %dma_wait3A_85 = tpu.memref_slice %arg5[%arg0, %add3A_58, %dma_wait3A_84] : memref<2x10240x128xf32, #tpu.memory_space<hbm>> -> memref<1x80x128xf32, #tpu.memory_space<hbm>>
      %dma_wait3A_86 = tpu.memref_squeeze %dma_wait3A_85 : memref<1x80x128xf32, #tpu.memory_space<hbm>> -> memref<80x128xf32, #tpu.memory_space<hbm>>
      tpu.wait_dma2 semaphore(%run_scoped3A : memref<!tpu.dma_semaphore, #tpu.memory_space<semaphore_mem>>) src(%arg9 : memref<80x128xf32, #tpu.memory_space<vmem>>) dst(%dma_wait3A_86 : memref<80x128xf32, #tpu.memory_space<hbm>>)
      tpu.yield
    }) : () -> ()
    %add3A_59 = arith.constant 400 : i32
    %add3A_60 = arith.addi %mul3A_2, %add3A_59 : i32
    "tpu.region"() ({
      %run_scoped3A = tpu.sem_alloc : memref<!tpu.dma_semaphore, #tpu.memory_space<semaphore_mem>>
      %dma_start3A = arith.constant 0 : i32
      %dma_start3A_77 = tpu.memref_slice %arg12[%add3A_60, %dma_start3A] : memref<10240x128xf32, #tpu.memory_space<vmem_shared>> -> memref<80x128xf32, #tpu.memory_space<vmem_shared>>
      %dma_start3A_78 = arith.constant 0 : i32
      %dma_start3A_79 = tpu.memref_slice %arg12[%add3A_60, %dma_start3A_78] : memref<10240x128xf32, #tpu.memory_space<vmem_shared>> -> memref<80x128xf32, #tpu.memory_space<vmem_shared>>
      tpu.enqueue_dma source(%dma_start3A_79 : memref<80x128xf32, #tpu.memory_space<vmem_shared>>) target(%arg9 : memref<80x128xf32, #tpu.memory_space<vmem>>) target_semaphore(%run_scoped3A : memref<!tpu.dma_semaphore, #tpu.memory_space<semaphore_mem>>)
      %dma_wait3A = arith.constant 0 : i32
      %dma_wait3A_80 = tpu.memref_slice %arg12[%add3A_60, %dma_wait3A] : memref<10240x128xf32, #tpu.memory_space<vmem_shared>> -> memref<80x128xf32, #tpu.memory_space<vmem_shared>>
      %dma_wait3A_81 = arith.constant 0 : i32
      %dma_wait3A_82 = tpu.memref_slice %arg12[%add3A_60, %dma_wait3A_81] : memref<10240x128xf32, #tpu.memory_space<vmem_shared>> -> memref<80x128xf32, #tpu.memory_space<vmem_shared>>
      tpu.wait_dma2 semaphore(%run_scoped3A : memref<!tpu.dma_semaphore, #tpu.memory_space<semaphore_mem>>) src(%dma_wait3A_82 : memref<80x128xf32, #tpu.memory_space<vmem_shared>>) dst(%arg9 : memref<80x128xf32, #tpu.memory_space<vmem>>)
      tpu.yield
    }) : () -> ()
    %add3A_61 = arith.constant 400 : i32
    %add3A_62 = arith.addi %mul3A_2, %add3A_61 : i32
    "tpu.region"() ({
      %run_scoped3A = tpu.sem_alloc : memref<!tpu.dma_semaphore, #tpu.memory_space<semaphore_mem>>
      %dma_start3A = arith.constant 0 : i32
      %dma_start3A_77 = tpu.memref_slice %arg5[%arg0, %add3A_62, %dma_start3A] : memref<2x10240x128xf32, #tpu.memory_space<hbm>> -> memref<1x80x128xf32, #tpu.memory_space<hbm>>
      %dma_start3A_78 = tpu.memref_squeeze %dma_start3A_77 : memref<1x80x128xf32, #tpu.memory_space<hbm>> -> memref<80x128xf32, #tpu.memory_space<hbm>>
      %dma_start3A_79 = arith.constant 0 : i32
      %dma_start3A_80 = tpu.memref_slice %arg5[%arg0, %add3A_62, %dma_start3A_79] : memref<2x10240x128xf32, #tpu.memory_space<hbm>> -> memref<1x80x128xf32, #tpu.memory_space<hbm>>
      %dma_start3A_81 = tpu.memref_squeeze %dma_start3A_80 : memref<1x80x128xf32, #tpu.memory_space<hbm>> -> memref<80x128xf32, #tpu.memory_space<hbm>>
      tpu.enqueue_dma source(%arg9 : memref<80x128xf32, #tpu.memory_space<vmem>>) target(%dma_start3A_81 : memref<80x128xf32, #tpu.memory_space<hbm>>) target_semaphore(%run_scoped3A : memref<!tpu.dma_semaphore, #tpu.memory_space<semaphore_mem>>)
      %dma_wait3A = arith.constant 0 : i32
      %dma_wait3A_82 = tpu.memref_slice %arg5[%arg0, %add3A_62, %dma_wait3A] : memref<2x10240x128xf32, #tpu.memory_space<hbm>> -> memref<1x80x128xf32, #tpu.memory_space<hbm>>
      %dma_wait3A_83 = tpu.memref_squeeze %dma_wait3A_82 : memref<1x80x128xf32, #tpu.memory_space<hbm>> -> memref<80x128xf32, #tpu.memory_space<hbm>>
      %dma_wait3A_84 = arith.constant 0 : i32
      %dma_wait3A_85 = tpu.memref_slice %arg5[%arg0, %add3A_62, %dma_wait3A_84] : memref<2x10240x128xf32, #tpu.memory_space<hbm>> -> memref<1x80x128xf32, #tpu.memory_space<hbm>>
      %dma_wait3A_86 = tpu.memref_squeeze %dma_wait3A_85 : memref<1x80x128xf32, #tpu.memory_space<hbm>> -> memref<80x128xf32, #tpu.memory_space<hbm>>
      tpu.wait_dma2 semaphore(%run_scoped3A : memref<!tpu.dma_semaphore, #tpu.memory_space<semaphore_mem>>) src(%arg9 : memref<80x128xf32, #tpu.memory_space<vmem>>) dst(%dma_wait3A_86 : memref<80x128xf32, #tpu.memory_space<hbm>>)
      tpu.yield
    }) : () -> ()
    %add3A_63 = arith.constant 480 : i32
    %add3A_64 = arith.addi %mul3A_2, %add3A_63 : i32
    "tpu.region"() ({
      %run_scoped3A = tpu.sem_alloc : memref<!tpu.dma_semaphore, #tpu.memory_space<semaphore_mem>>
      %dma_start3A = arith.constant 0 : i32
      %dma_start3A_77 = tpu.memref_slice %arg12[%add3A_64, %dma_start3A] : memref<10240x128xf32, #tpu.memory_space<vmem_shared>> -> memref<80x128xf32, #tpu.memory_space<vmem_shared>>
      %dma_start3A_78 = arith.constant 0 : i32
      %dma_start3A_79 = tpu.memref_slice %arg12[%add3A_64, %dma_start3A_78] : memref<10240x128xf32, #tpu.memory_space<vmem_shared>> -> memref<80x128xf32, #tpu.memory_space<vmem_shared>>
      tpu.enqueue_dma source(%dma_start3A_79 : memref<80x128xf32, #tpu.memory_space<vmem_shared>>) target(%arg9 : memref<80x128xf32, #tpu.memory_space<vmem>>) target_semaphore(%run_scoped3A : memref<!tpu.dma_semaphore, #tpu.memory_space<semaphore_mem>>)
      %dma_wait3A = arith.constant 0 : i32
      %dma_wait3A_80 = tpu.memref_slice %arg12[%add3A_64, %dma_wait3A] : memref<10240x128xf32, #tpu.memory_space<vmem_shared>> -> memref<80x128xf32, #tpu.memory_space<vmem_shared>>
      %dma_wait3A_81 = arith.constant 0 : i32
      %dma_wait3A_82 = tpu.memref_slice %arg12[%add3A_64, %dma_wait3A_81] : memref<10240x128xf32, #tpu.memory_space<vmem_shared>> -> memref<80x128xf32, #tpu.memory_space<vmem_shared>>
      tpu.wait_dma2 semaphore(%run_scoped3A : memref<!tpu.dma_semaphore, #tpu.memory_space<semaphore_mem>>) src(%dma_wait3A_82 : memref<80x128xf32, #tpu.memory_space<vmem_shared>>) dst(%arg9 : memref<80x128xf32, #tpu.memory_space<vmem>>)
      tpu.yield
    }) : () -> ()
    %add3A_65 = arith.constant 480 : i32
    %add3A_66 = arith.addi %mul3A_2, %add3A_65 : i32
    "tpu.region"() ({
      %run_scoped3A = tpu.sem_alloc : memref<!tpu.dma_semaphore, #tpu.memory_space<semaphore_mem>>
      %dma_start3A = arith.constant 0 : i32
      %dma_start3A_77 = tpu.memref_slice %arg5[%arg0, %add3A_66, %dma_start3A] : memref<2x10240x128xf32, #tpu.memory_space<hbm>> -> memref<1x80x128xf32, #tpu.memory_space<hbm>>
      %dma_start3A_78 = tpu.memref_squeeze %dma_start3A_77 : memref<1x80x128xf32, #tpu.memory_space<hbm>> -> memref<80x128xf32, #tpu.memory_space<hbm>>
      %dma_start3A_79 = arith.constant 0 : i32
      %dma_start3A_80 = tpu.memref_slice %arg5[%arg0, %add3A_66, %dma_start3A_79] : memref<2x10240x128xf32, #tpu.memory_space<hbm>> -> memref<1x80x128xf32, #tpu.memory_space<hbm>>
      %dma_start3A_81 = tpu.memref_squeeze %dma_start3A_80 : memref<1x80x128xf32, #tpu.memory_space<hbm>> -> memref<80x128xf32, #tpu.memory_space<hbm>>
      tpu.enqueue_dma source(%arg9 : memref<80x128xf32, #tpu.memory_space<vmem>>) target(%dma_start3A_81 : memref<80x128xf32, #tpu.memory_space<hbm>>) target_semaphore(%run_scoped3A : memref<!tpu.dma_semaphore, #tpu.memory_space<semaphore_mem>>)
      %dma_wait3A = arith.constant 0 : i32
      %dma_wait3A_82 = tpu.memref_slice %arg5[%arg0, %add3A_66, %dma_wait3A] : memref<2x10240x128xf32, #tpu.memory_space<hbm>> -> memref<1x80x128xf32, #tpu.memory_space<hbm>>
      %dma_wait3A_83 = tpu.memref_squeeze %dma_wait3A_82 : memref<1x80x128xf32, #tpu.memory_space<hbm>> -> memref<80x128xf32, #tpu.memory_space<hbm>>
      %dma_wait3A_84 = arith.constant 0 : i32
      %dma_wait3A_85 = tpu.memref_slice %arg5[%arg0, %add3A_66, %dma_wait3A_84] : memref<2x10240x128xf32, #tpu.memory_space<hbm>> -> memref<1x80x128xf32, #tpu.memory_space<hbm>>
      %dma_wait3A_86 = tpu.memref_squeeze %dma_wait3A_85 : memref<1x80x128xf32, #tpu.memory_space<hbm>> -> memref<80x128xf32, #tpu.memory_space<hbm>>
      tpu.wait_dma2 semaphore(%run_scoped3A : memref<!tpu.dma_semaphore, #tpu.memory_space<semaphore_mem>>) src(%arg9 : memref<80x128xf32, #tpu.memory_space<vmem>>) dst(%dma_wait3A_86 : memref<80x128xf32, #tpu.memory_space<hbm>>)
      tpu.yield
    }) : () -> ()
    %add3A_67 = arith.constant 560 : i32
    %add3A_68 = arith.addi %mul3A_2, %add3A_67 : i32
    "tpu.region"() ({
      %run_scoped3A = tpu.sem_alloc : memref<!tpu.dma_semaphore, #tpu.memory_space<semaphore_mem>>
      %dma_start3A = arith.constant 0 : i32
      %dma_start3A_77 = tpu.memref_slice %arg12[%add3A_68, %dma_start3A] : memref<10240x128xf32, #tpu.memory_space<vmem_shared>> -> memref<80x128xf32, #tpu.memory_space<vmem_shared>>
      %dma_start3A_78 = arith.constant 0 : i32
      %dma_start3A_79 = tpu.memref_slice %arg12[%add3A_68, %dma_start3A_78] : memref<10240x128xf32, #tpu.memory_space<vmem_shared>> -> memref<80x128xf32, #tpu.memory_space<vmem_shared>>
      tpu.enqueue_dma source(%dma_start3A_79 : memref<80x128xf32, #tpu.memory_space<vmem_shared>>) target(%arg9 : memref<80x128xf32, #tpu.memory_space<vmem>>) target_semaphore(%run_scoped3A : memref<!tpu.dma_semaphore, #tpu.memory_space<semaphore_mem>>)
      %dma_wait3A = arith.constant 0 : i32
      %dma_wait3A_80 = tpu.memref_slice %arg12[%add3A_68, %dma_wait3A] : memref<10240x128xf32, #tpu.memory_space<vmem_shared>> -> memref<80x128xf32, #tpu.memory_space<vmem_shared>>
      %dma_wait3A_81 = arith.constant 0 : i32
      %dma_wait3A_82 = tpu.memref_slice %arg12[%add3A_68, %dma_wait3A_81] : memref<10240x128xf32, #tpu.memory_space<vmem_shared>> -> memref<80x128xf32, #tpu.memory_space<vmem_shared>>
      tpu.wait_dma2 semaphore(%run_scoped3A : memref<!tpu.dma_semaphore, #tpu.memory_space<semaphore_mem>>) src(%dma_wait3A_82 : memref<80x128xf32, #tpu.memory_space<vmem_shared>>) dst(%arg9 : memref<80x128xf32, #tpu.memory_space<vmem>>)
      tpu.yield
    }) : () -> ()
    %add3A_69 = arith.constant 560 : i32
    %add3A_70 = arith.addi %mul3A_2, %add3A_69 : i32
    "tpu.region"() ({
      %run_scoped3A = tpu.sem_alloc : memref<!tpu.dma_semaphore, #tpu.memory_space<semaphore_mem>>
      %dma_start3A = arith.constant 0 : i32
      %dma_start3A_77 = tpu.memref_slice %arg5[%arg0, %add3A_70, %dma_start3A] : memref<2x10240x128xf32, #tpu.memory_space<hbm>> -> memref<1x80x128xf32, #tpu.memory_space<hbm>>
      %dma_start3A_78 = tpu.memref_squeeze %dma_start3A_77 : memref<1x80x128xf32, #tpu.memory_space<hbm>> -> memref<80x128xf32, #tpu.memory_space<hbm>>
      %dma_start3A_79 = arith.constant 0 : i32
      %dma_start3A_80 = tpu.memref_slice %arg5[%arg0, %add3A_70, %dma_start3A_79] : memref<2x10240x128xf32, #tpu.memory_space<hbm>> -> memref<1x80x128xf32, #tpu.memory_space<hbm>>
      %dma_start3A_81 = tpu.memref_squeeze %dma_start3A_80 : memref<1x80x128xf32, #tpu.memory_space<hbm>> -> memref<80x128xf32, #tpu.memory_space<hbm>>
      tpu.enqueue_dma source(%arg9 : memref<80x128xf32, #tpu.memory_space<vmem>>) target(%dma_start3A_81 : memref<80x128xf32, #tpu.memory_space<hbm>>) target_semaphore(%run_scoped3A : memref<!tpu.dma_semaphore, #tpu.memory_space<semaphore_mem>>)
      %dma_wait3A = arith.constant 0 : i32
      %dma_wait3A_82 = tpu.memref_slice %arg5[%arg0, %add3A_70, %dma_wait3A] : memref<2x10240x128xf32, #tpu.memory_space<hbm>> -> memref<1x80x128xf32, #tpu.memory_space<hbm>>
      %dma_wait3A_83 = tpu.memref_squeeze %dma_wait3A_82 : memref<1x80x128xf32, #tpu.memory_space<hbm>> -> memref<80x128xf32, #tpu.memory_space<hbm>>
      %dma_wait3A_84 = arith.constant 0 : i32
      %dma_wait3A_85 = tpu.memref_slice %arg5[%arg0, %add3A_70, %dma_wait3A_84] : memref<2x10240x128xf32, #tpu.memory_space<hbm>> -> memref<1x80x128xf32, #tpu.memory_space<hbm>>
      %dma_wait3A_86 = tpu.memref_squeeze %dma_wait3A_85 : memref<1x80x128xf32, #tpu.memory_space<hbm>> -> memref<80x128xf32, #tpu.memory_space<hbm>>
      tpu.wait_dma2 semaphore(%run_scoped3A : memref<!tpu.dma_semaphore, #tpu.memory_space<semaphore_mem>>) src(%arg9 : memref<80x128xf32, #tpu.memory_space<vmem>>) dst(%dma_wait3A_86 : memref<80x128xf32, #tpu.memory_space<hbm>>)
      tpu.yield
    }) : () -> ()
    %scan3A_71 = arith.constant 0 : i32
    %scan3A_72 = arith.constant 0 : i32
    %scan3A_73 = arith.constant 80 : i32
    %scan3A_74 = arith.addi %scan3A_72, %scan3A_73 : i32
    %scan3A_75 = arith.constant 1 : i32
    scf.for %scan3A_77 = %scan3A_72 to %scan3A_74 step %scan3A_75  : i32 {
      %mul3A_78 = arith.constant 128 : i32
      %mul3A_79 = arith.muli %scan3A_77, %mul3A_78 : i32
      %add3A_80 = arith.constant 0 : i32
      %add3A_81 = arith.addi %mul3A_79, %add3A_80 : i32
      %get3A = arith.index_cast %add3A_81 : i32 to index
      %get3A_82 = tpu.vector_load %arg10[%get3A] {strides = array<i32>} : memref<10240xi32, #tpu.memory_space<vmem>>, vector<16xi32>,
      %swap3A = arith.index_cast %scan3A_77 : i32 to index
      %swap3A_83 = arith.constant 0 : index
      %swap3A_84 = tpu.vector_load %arg11[%swap3A, %swap3A_83] {strides = array<i32>} : memref<80x128xi32, #tpu.memory_space<vmem>>, vector<16xi32>,
      tpu.vector_store %arg11[%swap3A, %swap3A_83], %get3A_82 {strides = array<i32>} : memref<80x128xi32, #tpu.memory_space<vmem>>, vector<16xi32>,
      %mul3A_85 = arith.constant 128 : i32
      %mul3A_86 = arith.muli %scan3A_77, %mul3A_85 : i32
      %add3A_87 = arith.constant 16 : i32
      %add3A_88 = arith.addi %mul3A_86, %add3A_87 : i32
      %get3A_89 = arith.index_cast %add3A_88 : i32 to index
      %get3A_90 = tpu.vector_load %arg10[%get3A_89] {strides = array<i32>} : memref<10240xi32, #tpu.memory_space<vmem>>, vector<16xi32>,
      %swap3A_91 = arith.index_cast %scan3A_77 : i32 to index
      %swap3A_92 = arith.constant 16 : index
      %swap3A_93 = tpu.vector_load %arg11[%swap3A_91, %swap3A_92] {strides = array<i32>} : memref<80x128xi32, #tpu.memory_space<vmem>>, vector<16xi32>,
      tpu.vector_store %arg11[%swap3A_91, %swap3A_92], %get3A_90 {strides = array<i32>} : memref<80x128xi32, #tpu.memory_space<vmem>>, vector<16xi32>,
      %mul3A_94 = arith.constant 128 : i32
      %mul3A_95 = arith.muli %scan3A_77, %mul3A_94 : i32
      %add3A_96 = arith.constant 32 : i32
      %add3A_97 = arith.addi %mul3A_95, %add3A_96 : i32
      %get3A_98 = arith.index_cast %add3A_97 : i32 to index
      %get3A_99 = tpu.vector_load %arg10[%get3A_98] {strides = array<i32>} : memref<10240xi32, #tpu.memory_space<vmem>>, vector<16xi32>,
      %swap3A_100 = arith.index_cast %scan3A_77 : i32 to index
      %swap3A_101 = arith.constant 32 : index
      %swap3A_102 = tpu.vector_load %arg11[%swap3A_100, %swap3A_101] {strides = array<i32>} : memref<80x128xi32, #tpu.memory_space<vmem>>, vector<16xi32>,
      tpu.vector_store %arg11[%swap3A_100, %swap3A_101], %get3A_99 {strides = array<i32>} : memref<80x128xi32, #tpu.memory_space<vmem>>, vector<16xi32>,
      %mul3A_103 = arith.constant 128 : i32
      %mul3A_104 = arith.muli %scan3A_77, %mul3A_103 : i32
      %add3A_105 = arith.constant 48 : i32
      %add3A_106 = arith.addi %mul3A_104, %add3A_105 : i32
      %get3A_107 = arith.index_cast %add3A_106 : i32 to index
      %get3A_108 = tpu.vector_load %arg10[%get3A_107] {strides = array<i32>} : memref<10240xi32, #tpu.memory_space<vmem>>, vector<16xi32>,
      %swap3A_109 = arith.index_cast %scan3A_77 : i32 to index
      %swap3A_110 = arith.constant 48 : index
      %swap3A_111 = tpu.vector_load %arg11[%swap3A_109, %swap3A_110] {strides = array<i32>} : memref<80x128xi32, #tpu.memory_space<vmem>>, vector<16xi32>,
      tpu.vector_store %arg11[%swap3A_109, %swap3A_110], %get3A_108 {strides = array<i32>} : memref<80x128xi32, #tpu.memory_space<vmem>>, vector<16xi32>,
      %mul3A_112 = arith.constant 128 : i32
      %mul3A_113 = arith.muli %scan3A_77, %mul3A_112 : i32
      %add3A_114 = arith.constant 64 : i32
      %add3A_115 = arith.addi %mul3A_113, %add3A_114 : i32
      %get3A_116 = arith.index_cast %add3A_115 : i32 to index
      %get3A_117 = tpu.vector_load %arg10[%get3A_116] {strides = array<i32>} : memref<10240xi32, #tpu.memory_space<vmem>>, vector<16xi32>,
      %swap3A_118 = arith.index_cast %scan3A_77 : i32 to index
      %swap3A_119 = arith.constant 64 : index
      %swap3A_120 = tpu.vector_load %arg11[%swap3A_118, %swap3A_119] {strides = array<i32>} : memref<80x128xi32, #tpu.memory_space<vmem>>, vector<16xi32>,
      tpu.vector_store %arg11[%swap3A_118, %swap3A_119], %get3A_117 {strides = array<i32>} : memref<80x128xi32, #tpu.memory_space<vmem>>, vector<16xi32>,
      %mul3A_121 = arith.constant 128 : i32
      %mul3A_122 = arith.muli %scan3A_77, %mul3A_121 : i32
      %add3A_123 = arith.constant 80 : i32
      %add3A_124 = arith.addi %mul3A_122, %add3A_123 : i32
      %get3A_125 = arith.index_cast %add3A_124 : i32 to index
      %get3A_126 = tpu.vector_load %arg10[%get3A_125] {strides = array<i32>} : memref<10240xi32, #tpu.memory_space<vmem>>, vector<16xi32>,
      %swap3A_127 = arith.index_cast %scan3A_77 : i32 to index
      %swap3A_128 = arith.constant 80 : index
      %swap3A_129 = tpu.vector_load %arg11[%swap3A_127, %swap3A_128] {strides = array<i32>} : memref<80x128xi32, #tpu.memory_space<vmem>>, vector<16xi32>,
      tpu.vector_store %arg11[%swap3A_127, %swap3A_128], %get3A_126 {strides = array<i32>} : memref<80x128xi32, #tpu.memory_space<vmem>>, vector<16xi32>,
      %mul3A_130 = arith.constant 128 : i32
      %mul3A_131 = arith.muli %scan3A_77, %mul3A_130 : i32
      %add3A_132 = arith.constant 96 : i32
      %add3A_133 = arith.addi %mul3A_131, %add3A_132 : i32
      %get3A_134 = arith.index_cast %add3A_133 : i32 to index
      %get3A_135 = tpu.vector_load %arg10[%get3A_134] {strides = array<i32>} : memref<10240xi32, #tpu.memory_space<vmem>>, vector<16xi32>,
      %swap3A_136 = arith.index_cast %scan3A_77 : i32 to index
      %swap3A_137 = arith.constant 96 : index
      %swap3A_138 = tpu.vector_load %arg11[%swap3A_136, %swap3A_137] {strides = array<i32>} : memref<80x128xi32, #tpu.memory_space<vmem>>, vector<16xi32>,
      tpu.vector_store %arg11[%swap3A_136, %swap3A_137], %get3A_135 {strides = array<i32>} : memref<80x128xi32, #tpu.memory_space<vmem>>, vector<16xi32>,
      %mul3A_139 = arith.constant 128 : i32
      %mul3A_140 = arith.muli %scan3A_77, %mul3A_139 : i32
      %add3A_141 = arith.constant 112 : i32
      %add3A_142 = arith.addi %mul3A_140, %add3A_141 : i32
      %get3A_143 = arith.index_cast %add3A_142 : i32 to index
      %get3A_144 = tpu.vector_load %arg10[%get3A_143] {strides = array<i32>} : memref<10240xi32, #tpu.memory_space<vmem>>, vector<16xi32>,
      %swap3A_145 = arith.index_cast %scan3A_77 : i32 to index
      %swap3A_146 = arith.constant 112 : index
      %swap3A_147 = tpu.vector_load %arg11[%swap3A_145, %swap3A_146] {strides = array<i32>} : memref<80x128xi32, #tpu.memory_space<vmem>>, vector<16xi32>,
      tpu.vector_store %arg11[%swap3A_145, %swap3A_146], %get3A_144 {strides = array<i32>} : memref<80x128xi32, #tpu.memory_space<vmem>>, vector<16xi32>,
    }
    %scan3A_76 = arith.constant 80 : i32
    "tpu.region"() ({
      %run_scoped3A = tpu.sem_alloc : memref<!tpu.dma_semaphore, #tpu.memory_space<semaphore_mem>>
      %dma_start3A = arith.constant 0 : i32
      %dma_start3A_77 = arith.constant 0 : i32
      %dma_start3A_78 = tpu.memref_slice %arg6[%arg0, %arg1, %dma_start3A, %dma_start3A_77] : memref<2x16x80x128xi32, #tpu.memory_space<hbm>> -> memref<1x1x80x128xi32, #tpu.memory_space<hbm>>
      %dma_start3A_79 = tpu.memref_squeeze %dma_start3A_78 : memref<1x1x80x128xi32, #tpu.memory_space<hbm>> -> memref<80x128xi32, #tpu.memory_space<hbm>>
      %dma_start3A_80 = arith.constant 0 : i32
      %dma_start3A_81 = arith.constant 0 : i32
      %dma_start3A_82 = tpu.memref_slice %arg6[%arg0, %arg1, %dma_start3A_80, %dma_start3A_81] : memref<2x16x80x128xi32, #tpu.memory_space<hbm>> -> memref<1x1x80x128xi32, #tpu.memory_space<hbm>>
      %dma_start3A_83 = tpu.memref_squeeze %dma_start3A_82 : memref<1x1x80x128xi32, #tpu.memory_space<hbm>> -> memref<80x128xi32, #tpu.memory_space<hbm>>
      tpu.enqueue_dma source(%arg11 : memref<80x128xi32, #tpu.memory_space<vmem>>) target(%dma_start3A_83 : memref<80x128xi32, #tpu.memory_space<hbm>>) target_semaphore(%run_scoped3A : memref<!tpu.dma_semaphore, #tpu.memory_space<semaphore_mem>>)
      %dma_wait3A = arith.constant 0 : i32
      %dma_wait3A_84 = arith.constant 0 : i32
      %dma_wait3A_85 = tpu.memref_slice %arg6[%arg0, %arg1, %dma_wait3A, %dma_wait3A_84] : memref<2x16x80x128xi32, #tpu.memory_space<hbm>> -> memref<1x1x80x128xi32, #tpu.memory_space<hbm>>
      %dma_wait3A_86 = tpu.memref_squeeze %dma_wait3A_85 : memref<1x1x80x128xi32, #tpu.memory_space<hbm>> -> memref<80x128xi32, #tpu.memory_space<hbm>>
      %dma_wait3A_87 = arith.constant 0 : i32
      %dma_wait3A_88 = arith.constant 0 : i32
      %dma_wait3A_89 = tpu.memref_slice %arg6[%arg0, %arg1, %dma_wait3A_87, %dma_wait3A_88] : memref<2x16x80x128xi32, #tpu.memory_space<hbm>> -> memref<1x1x80x128xi32, #tpu.memory_space<hbm>>
      %dma_wait3A_90 = tpu.memref_squeeze %dma_wait3A_89 : memref<1x1x80x128xi32, #tpu.memory_space<hbm>> -> memref<80x128xi32, #tpu.memory_space<hbm>>
      tpu.wait_dma2 semaphore(%run_scoped3A : memref<!tpu.dma_semaphore, #tpu.memory_space<semaphore_mem>>) src(%arg11 : memref<80x128xi32, #tpu.memory_space<vmem>>) dst(%dma_wait3A_90 : memref<80x128xi32, #tpu.memory_space<hbm>>)
      tpu.yield
    }) : () -> ()
    return
  }
}

#map = affine_map<(d0, d1) -> (0, 0)>
#map1 = affine_map<(d0, d1) -> (0)>
#map2 = affine_map<(d0, d1) -> (0, 0, 0)>
module attributes {stable_mosaic.version = 14 : i64} {
  func.func @_seg_body(%arg0: i32, %arg1: i32, %arg2: memref<10240x128xf32, #tpu.memory_space<hbm>>, %arg3: memref<320000xi32, #tpu.memory_space<hbm>>, %arg4: memref<320000xi32, #tpu.memory_space<hbm>>, %arg5: memref<2x10240x128xf32, #tpu.memory_space<hbm>>, %arg6: memref<80xi32, #tpu.memory_space<vmem>>, %arg7: memref<80xi32, #tpu.memory_space<vmem>>, %arg8: memref<80x128xf32, #tpu.memory_space<vmem>>, %arg9: memref<10240x128xf32, #tpu.memory_space<vmem_shared>>, %arg10: memref<!tpu.dma_semaphore, #tpu.memory_space<semaphore_mem>>) attributes {dimension_semantics = [#tpu.dimension_semantics<core_parallel>, #tpu.dimension_semantics<subcore_parallel>], iteration_bounds = array<i64: 2, 16>, scalar_prefetch = 0 : i64, scratch_operands = 5 : i64, tpu.core_type = #tpu.core_type<sc_vector_subcore>, window_params = [{transform_indices = #map}, {transform_indices = #map1}, {transform_indices = #map1}, {transform_indices = #map2}]} {
    %mul3A = arith.constant 2 : i32
    %mul3A_0 = arith.muli %arg1, %mul3A : i32
    %add3A = arith.addi %mul3A_0, %arg0 : i32
    %mul3A_1 = arith.constant 640 : i32
    %mul3A_2 = arith.muli %arg1, %mul3A_1 : i32
    %scan3A = arith.constant 0 : i32
    %scan3A_3 = arith.constant 0 : i32
    %scan3A_4 = arith.constant 80 : i32
    %scan3A_5 = arith.addi %scan3A_3, %scan3A_4 : i32
    %scan3A_6 = arith.constant 1 : i32
    scf.for %scan3A_65 = %scan3A_3 to %scan3A_5 step %scan3A_6  : i32 {
      %broadcast_in_dim3A = arith.constant 0.000000e+00 : f32
      %broadcast_in_dim3A_66 = vector.broadcast %broadcast_in_dim3A : f32 to vector<16xf32>
      %swap3A = arith.index_cast %scan3A_65 : i32 to index
      %swap3A_67 = arith.constant 0 : index
      %swap3A_68 = tpu.vector_load %arg8[%swap3A, %swap3A_67] {strides = array<i32>} : memref<80x128xf32, #tpu.memory_space<vmem>>, vector<16xf32>,
      tpu.vector_store %arg8[%swap3A, %swap3A_67], %broadcast_in_dim3A_66 {strides = array<i32>} : memref<80x128xf32, #tpu.memory_space<vmem>>, vector<16xf32>,
      %broadcast_in_dim3A_69 = arith.constant 0.000000e+00 : f32
      %broadcast_in_dim3A_70 = vector.broadcast %broadcast_in_dim3A_69 : f32 to vector<16xf32>
      %swap3A_71 = arith.index_cast %scan3A_65 : i32 to index
      %swap3A_72 = arith.constant 16 : index
      %swap3A_73 = tpu.vector_load %arg8[%swap3A_71, %swap3A_72] {strides = array<i32>} : memref<80x128xf32, #tpu.memory_space<vmem>>, vector<16xf32>,
      tpu.vector_store %arg8[%swap3A_71, %swap3A_72], %broadcast_in_dim3A_70 {strides = array<i32>} : memref<80x128xf32, #tpu.memory_space<vmem>>, vector<16xf32>,
      %broadcast_in_dim3A_74 = arith.constant 0.000000e+00 : f32
      %broadcast_in_dim3A_75 = vector.broadcast %broadcast_in_dim3A_74 : f32 to vector<16xf32>
      %swap3A_76 = arith.index_cast %scan3A_65 : i32 to index
      %swap3A_77 = arith.constant 32 : index
      %swap3A_78 = tpu.vector_load %arg8[%swap3A_76, %swap3A_77] {strides = array<i32>} : memref<80x128xf32, #tpu.memory_space<vmem>>, vector<16xf32>,
      tpu.vector_store %arg8[%swap3A_76, %swap3A_77], %broadcast_in_dim3A_75 {strides = array<i32>} : memref<80x128xf32, #tpu.memory_space<vmem>>, vector<16xf32>,
      %broadcast_in_dim3A_79 = arith.constant 0.000000e+00 : f32
      %broadcast_in_dim3A_80 = vector.broadcast %broadcast_in_dim3A_79 : f32 to vector<16xf32>
      %swap3A_81 = arith.index_cast %scan3A_65 : i32 to index
      %swap3A_82 = arith.constant 48 : index
      %swap3A_83 = tpu.vector_load %arg8[%swap3A_81, %swap3A_82] {strides = array<i32>} : memref<80x128xf32, #tpu.memory_space<vmem>>, vector<16xf32>,
      tpu.vector_store %arg8[%swap3A_81, %swap3A_82], %broadcast_in_dim3A_80 {strides = array<i32>} : memref<80x128xf32, #tpu.memory_space<vmem>>, vector<16xf32>,
      %broadcast_in_dim3A_84 = arith.constant 0.000000e+00 : f32
      %broadcast_in_dim3A_85 = vector.broadcast %broadcast_in_dim3A_84 : f32 to vector<16xf32>
      %swap3A_86 = arith.index_cast %scan3A_65 : i32 to index
      %swap3A_87 = arith.constant 64 : index
      %swap3A_88 = tpu.vector_load %arg8[%swap3A_86, %swap3A_87] {strides = array<i32>} : memref<80x128xf32, #tpu.memory_space<vmem>>, vector<16xf32>,
      tpu.vector_store %arg8[%swap3A_86, %swap3A_87], %broadcast_in_dim3A_85 {strides = array<i32>} : memref<80x128xf32, #tpu.memory_space<vmem>>, vector<16xf32>,
      %broadcast_in_dim3A_89 = arith.constant 0.000000e+00 : f32
      %broadcast_in_dim3A_90 = vector.broadcast %broadcast_in_dim3A_89 : f32 to vector<16xf32>
      %swap3A_91 = arith.index_cast %scan3A_65 : i32 to index
      %swap3A_92 = arith.constant 80 : index
      %swap3A_93 = tpu.vector_load %arg8[%swap3A_91, %swap3A_92] {strides = array<i32>} : memref<80x128xf32, #tpu.memory_space<vmem>>, vector<16xf32>,
      tpu.vector_store %arg8[%swap3A_91, %swap3A_92], %broadcast_in_dim3A_90 {strides = array<i32>} : memref<80x128xf32, #tpu.memory_space<vmem>>, vector<16xf32>,
      %broadcast_in_dim3A_94 = arith.constant 0.000000e+00 : f32
      %broadcast_in_dim3A_95 = vector.broadcast %broadcast_in_dim3A_94 : f32 to vector<16xf32>
      %swap3A_96 = arith.index_cast %scan3A_65 : i32 to index
      %swap3A_97 = arith.constant 96 : index
      %swap3A_98 = tpu.vector_load %arg8[%swap3A_96, %swap3A_97] {strides = array<i32>} : memref<80x128xf32, #tpu.memory_space<vmem>>, vector<16xf32>,
      tpu.vector_store %arg8[%swap3A_96, %swap3A_97], %broadcast_in_dim3A_95 {strides = array<i32>} : memref<80x128xf32, #tpu.memory_space<vmem>>, vector<16xf32>,
      %broadcast_in_dim3A_99 = arith.constant 0.000000e+00 : f32
      %broadcast_in_dim3A_100 = vector.broadcast %broadcast_in_dim3A_99 : f32 to vector<16xf32>
      %swap3A_101 = arith.index_cast %scan3A_65 : i32 to index
      %swap3A_102 = arith.constant 112 : index
      %swap3A_103 = tpu.vector_load %arg8[%swap3A_101, %swap3A_102] {strides = array<i32>} : memref<80x128xf32, #tpu.memory_space<vmem>>, vector<16xf32>,
      tpu.vector_store %arg8[%swap3A_101, %swap3A_102], %broadcast_in_dim3A_100 {strides = array<i32>} : memref<80x128xf32, #tpu.memory_space<vmem>>, vector<16xf32>,
    }
    %scan3A_7 = arith.constant 80 : i32
    %add3A_8 = arith.constant 0 : i32
    %add3A_9 = arith.addi %mul3A_2, %add3A_8 : i32
    "tpu.region"() ({
      %run_scoped3A = tpu.sem_alloc : memref<!tpu.dma_semaphore, #tpu.memory_space<semaphore_mem>>
      %dma_start3A = arith.constant 0 : i32
      %dma_start3A_65 = tpu.memref_slice %arg9[%add3A_9, %dma_start3A] : memref<10240x128xf32, #tpu.memory_space<vmem_shared>> -> memref<80x128xf32, #tpu.memory_space<vmem_shared>>
      %dma_start3A_66 = arith.constant 0 : i32
      %dma_start3A_67 = tpu.memref_slice %arg9[%add3A_9, %dma_start3A_66] : memref<10240x128xf32, #tpu.memory_space<vmem_shared>> -> memref<80x128xf32, #tpu.memory_space<vmem_shared>>
      tpu.enqueue_dma source(%arg8 : memref<80x128xf32, #tpu.memory_space<vmem>>) target(%dma_start3A_67 : memref<80x128xf32, #tpu.memory_space<vmem_shared>>) target_semaphore(%run_scoped3A : memref<!tpu.dma_semaphore, #tpu.memory_space<semaphore_mem>>)
      %dma_wait3A = arith.constant 0 : i32
      %dma_wait3A_68 = tpu.memref_slice %arg9[%add3A_9, %dma_wait3A] : memref<10240x128xf32, #tpu.memory_space<vmem_shared>> -> memref<80x128xf32, #tpu.memory_space<vmem_shared>>
      %dma_wait3A_69 = arith.constant 0 : i32
      %dma_wait3A_70 = tpu.memref_slice %arg9[%add3A_9, %dma_wait3A_69] : memref<10240x128xf32, #tpu.memory_space<vmem_shared>> -> memref<80x128xf32, #tpu.memory_space<vmem_shared>>
      tpu.wait_dma2 semaphore(%run_scoped3A : memref<!tpu.dma_semaphore, #tpu.memory_space<semaphore_mem>>) src(%arg8 : memref<80x128xf32, #tpu.memory_space<vmem>>) dst(%dma_wait3A_70 : memref<80x128xf32, #tpu.memory_space<vmem_shared>>)
      tpu.yield
    }) : () -> ()
    %add3A_10 = arith.constant 80 : i32
    %add3A_11 = arith.addi %mul3A_2, %add3A_10 : i32
    "tpu.region"() ({
      %run_scoped3A = tpu.sem_alloc : memref<!tpu.dma_semaphore, #tpu.memory_space<semaphore_mem>>
      %dma_start3A = arith.constant 0 : i32
      %dma_start3A_65 = tpu.memref_slice %arg9[%add3A_11, %dma_start3A] : memref<10240x128xf32, #tpu.memory_space<vmem_shared>> -> memref<80x128xf32, #tpu.memory_space<vmem_shared>>
      %dma_start3A_66 = arith.constant 0 : i32
      %dma_start3A_67 = tpu.memref_slice %arg9[%add3A_11, %dma_start3A_66] : memref<10240x128xf32, #tpu.memory_space<vmem_shared>> -> memref<80x128xf32, #tpu.memory_space<vmem_shared>>
      tpu.enqueue_dma source(%arg8 : memref<80x128xf32, #tpu.memory_space<vmem>>) target(%dma_start3A_67 : memref<80x128xf32, #tpu.memory_space<vmem_shared>>) target_semaphore(%run_scoped3A : memref<!tpu.dma_semaphore, #tpu.memory_space<semaphore_mem>>)
      %dma_wait3A = arith.constant 0 : i32
      %dma_wait3A_68 = tpu.memref_slice %arg9[%add3A_11, %dma_wait3A] : memref<10240x128xf32, #tpu.memory_space<vmem_shared>> -> memref<80x128xf32, #tpu.memory_space<vmem_shared>>
      %dma_wait3A_69 = arith.constant 0 : i32
      %dma_wait3A_70 = tpu.memref_slice %arg9[%add3A_11, %dma_wait3A_69] : memref<10240x128xf32, #tpu.memory_space<vmem_shared>> -> memref<80x128xf32, #tpu.memory_space<vmem_shared>>
      tpu.wait_dma2 semaphore(%run_scoped3A : memref<!tpu.dma_semaphore, #tpu.memory_space<semaphore_mem>>) src(%arg8 : memref<80x128xf32, #tpu.memory_space<vmem>>) dst(%dma_wait3A_70 : memref<80x128xf32, #tpu.memory_space<vmem_shared>>)
      tpu.yield
    }) : () -> ()
    %add3A_12 = arith.constant 160 : i32
    %add3A_13 = arith.addi %mul3A_2, %add3A_12 : i32
    "tpu.region"() ({
      %run_scoped3A = tpu.sem_alloc : memref<!tpu.dma_semaphore, #tpu.memory_space<semaphore_mem>>
      %dma_start3A = arith.constant 0 : i32
      %dma_start3A_65 = tpu.memref_slice %arg9[%add3A_13, %dma_start3A] : memref<10240x128xf32, #tpu.memory_space<vmem_shared>> -> memref<80x128xf32, #tpu.memory_space<vmem_shared>>
      %dma_start3A_66 = arith.constant 0 : i32
      %dma_start3A_67 = tpu.memref_slice %arg9[%add3A_13, %dma_start3A_66] : memref<10240x128xf32, #tpu.memory_space<vmem_shared>> -> memref<80x128xf32, #tpu.memory_space<vmem_shared>>
      tpu.enqueue_dma source(%arg8 : memref<80x128xf32, #tpu.memory_space<vmem>>) target(%dma_start3A_67 : memref<80x128xf32, #tpu.memory_space<vmem_shared>>) target_semaphore(%run_scoped3A : memref<!tpu.dma_semaphore, #tpu.memory_space<semaphore_mem>>)
      %dma_wait3A = arith.constant 0 : i32
      %dma_wait3A_68 = tpu.memref_slice %arg9[%add3A_13, %dma_wait3A] : memref<10240x128xf32, #tpu.memory_space<vmem_shared>> -> memref<80x128xf32, #tpu.memory_space<vmem_shared>>
      %dma_wait3A_69 = arith.constant 0 : i32
      %dma_wait3A_70 = tpu.memref_slice %arg9[%add3A_13, %dma_wait3A_69] : memref<10240x128xf32, #tpu.memory_space<vmem_shared>> -> memref<80x128xf32, #tpu.memory_space<vmem_shared>>
      tpu.wait_dma2 semaphore(%run_scoped3A : memref<!tpu.dma_semaphore, #tpu.memory_space<semaphore_mem>>) src(%arg8 : memref<80x128xf32, #tpu.memory_space<vmem>>) dst(%dma_wait3A_70 : memref<80x128xf32, #tpu.memory_space<vmem_shared>>)
      tpu.yield
    }) : () -> ()
    %add3A_14 = arith.constant 240 : i32
    %add3A_15 = arith.addi %mul3A_2, %add3A_14 : i32
    "tpu.region"() ({
      %run_scoped3A = tpu.sem_alloc : memref<!tpu.dma_semaphore, #tpu.memory_space<semaphore_mem>>
      %dma_start3A = arith.constant 0 : i32
      %dma_start3A_65 = tpu.memref_slice %arg9[%add3A_15, %dma_start3A] : memref<10240x128xf32, #tpu.memory_space<vmem_shared>> -> memref<80x128xf32, #tpu.memory_space<vmem_shared>>
      %dma_start3A_66 = arith.constant 0 : i32
      %dma_start3A_67 = tpu.memref_slice %arg9[%add3A_15, %dma_start3A_66] : memref<10240x128xf32, #tpu.memory_space<vmem_shared>> -> memref<80x128xf32, #tpu.memory_space<vmem_shared>>
      tpu.enqueue_dma source(%arg8 : memref<80x128xf32, #tpu.memory_space<vmem>>) target(%dma_start3A_67 : memref<80x128xf32, #tpu.memory_space<vmem_shared>>) target_semaphore(%run_scoped3A : memref<!tpu.dma_semaphore, #tpu.memory_space<semaphore_mem>>)
      %dma_wait3A = arith.constant 0 : i32
      %dma_wait3A_68 = tpu.memref_slice %arg9[%add3A_15, %dma_wait3A] : memref<10240x128xf32, #tpu.memory_space<vmem_shared>> -> memref<80x128xf32, #tpu.memory_space<vmem_shared>>
      %dma_wait3A_69 = arith.constant 0 : i32
      %dma_wait3A_70 = tpu.memref_slice %arg9[%add3A_15, %dma_wait3A_69] : memref<10240x128xf32, #tpu.memory_space<vmem_shared>> -> memref<80x128xf32, #tpu.memory_space<vmem_shared>>
      tpu.wait_dma2 semaphore(%run_scoped3A : memref<!tpu.dma_semaphore, #tpu.memory_space<semaphore_mem>>) src(%arg8 : memref<80x128xf32, #tpu.memory_space<vmem>>) dst(%dma_wait3A_70 : memref<80x128xf32, #tpu.memory_space<vmem_shared>>)
      tpu.yield
    }) : () -> ()
    %add3A_16 = arith.constant 320 : i32
    %add3A_17 = arith.addi %mul3A_2, %add3A_16 : i32
    "tpu.region"() ({
      %run_scoped3A = tpu.sem_alloc : memref<!tpu.dma_semaphore, #tpu.memory_space<semaphore_mem>>
      %dma_start3A = arith.constant 0 : i32
      %dma_start3A_65 = tpu.memref_slice %arg9[%add3A_17, %dma_start3A] : memref<10240x128xf32, #tpu.memory_space<vmem_shared>> -> memref<80x128xf32, #tpu.memory_space<vmem_shared>>
      %dma_start3A_66 = arith.constant 0 : i32
      %dma_start3A_67 = tpu.memref_slice %arg9[%add3A_17, %dma_start3A_66] : memref<10240x128xf32, #tpu.memory_space<vmem_shared>> -> memref<80x128xf32, #tpu.memory_space<vmem_shared>>
      tpu.enqueue_dma source(%arg8 : memref<80x128xf32, #tpu.memory_space<vmem>>) target(%dma_start3A_67 : memref<80x128xf32, #tpu.memory_space<vmem_shared>>) target_semaphore(%run_scoped3A : memref<!tpu.dma_semaphore, #tpu.memory_space<semaphore_mem>>)
      %dma_wait3A = arith.constant 0 : i32
      %dma_wait3A_68 = tpu.memref_slice %arg9[%add3A_17, %dma_wait3A] : memref<10240x128xf32, #tpu.memory_space<vmem_shared>> -> memref<80x128xf32, #tpu.memory_space<vmem_shared>>
      %dma_wait3A_69 = arith.constant 0 : i32
      %dma_wait3A_70 = tpu.memref_slice %arg9[%add3A_17, %dma_wait3A_69] : memref<10240x128xf32, #tpu.memory_space<vmem_shared>> -> memref<80x128xf32, #tpu.memory_space<vmem_shared>>
      tpu.wait_dma2 semaphore(%run_scoped3A : memref<!tpu.dma_semaphore, #tpu.memory_space<semaphore_mem>>) src(%arg8 : memref<80x128xf32, #tpu.memory_space<vmem>>) dst(%dma_wait3A_70 : memref<80x128xf32, #tpu.memory_space<vmem_shared>>)
      tpu.yield
    }) : () -> ()
    %add3A_18 = arith.constant 400 : i32
    %add3A_19 = arith.addi %mul3A_2, %add3A_18 : i32
    "tpu.region"() ({
      %run_scoped3A = tpu.sem_alloc : memref<!tpu.dma_semaphore, #tpu.memory_space<semaphore_mem>>
      %dma_start3A = arith.constant 0 : i32
      %dma_start3A_65 = tpu.memref_slice %arg9[%add3A_19, %dma_start3A] : memref<10240x128xf32, #tpu.memory_space<vmem_shared>> -> memref<80x128xf32, #tpu.memory_space<vmem_shared>>
      %dma_start3A_66 = arith.constant 0 : i32
      %dma_start3A_67 = tpu.memref_slice %arg9[%add3A_19, %dma_start3A_66] : memref<10240x128xf32, #tpu.memory_space<vmem_shared>> -> memref<80x128xf32, #tpu.memory_space<vmem_shared>>
      tpu.enqueue_dma source(%arg8 : memref<80x128xf32, #tpu.memory_space<vmem>>) target(%dma_start3A_67 : memref<80x128xf32, #tpu.memory_space<vmem_shared>>) target_semaphore(%run_scoped3A : memref<!tpu.dma_semaphore, #tpu.memory_space<semaphore_mem>>)
      %dma_wait3A = arith.constant 0 : i32
      %dma_wait3A_68 = tpu.memref_slice %arg9[%add3A_19, %dma_wait3A] : memref<10240x128xf32, #tpu.memory_space<vmem_shared>> -> memref<80x128xf32, #tpu.memory_space<vmem_shared>>
      %dma_wait3A_69 = arith.constant 0 : i32
      %dma_wait3A_70 = tpu.memref_slice %arg9[%add3A_19, %dma_wait3A_69] : memref<10240x128xf32, #tpu.memory_space<vmem_shared>> -> memref<80x128xf32, #tpu.memory_space<vmem_shared>>
      tpu.wait_dma2 semaphore(%run_scoped3A : memref<!tpu.dma_semaphore, #tpu.memory_space<semaphore_mem>>) src(%arg8 : memref<80x128xf32, #tpu.memory_space<vmem>>) dst(%dma_wait3A_70 : memref<80x128xf32, #tpu.memory_space<vmem_shared>>)
      tpu.yield
    }) : () -> ()
    %add3A_20 = arith.constant 480 : i32
    %add3A_21 = arith.addi %mul3A_2, %add3A_20 : i32
    "tpu.region"() ({
      %run_scoped3A = tpu.sem_alloc : memref<!tpu.dma_semaphore, #tpu.memory_space<semaphore_mem>>
      %dma_start3A = arith.constant 0 : i32
      %dma_start3A_65 = tpu.memref_slice %arg9[%add3A_21, %dma_start3A] : memref<10240x128xf32, #tpu.memory_space<vmem_shared>> -> memref<80x128xf32, #tpu.memory_space<vmem_shared>>
      %dma_start3A_66 = arith.constant 0 : i32
      %dma_start3A_67 = tpu.memref_slice %arg9[%add3A_21, %dma_start3A_66] : memref<10240x128xf32, #tpu.memory_space<vmem_shared>> -> memref<80x128xf32, #tpu.memory_space<vmem_shared>>
      tpu.enqueue_dma source(%arg8 : memref<80x128xf32, #tpu.memory_space<vmem>>) target(%dma_start3A_67 : memref<80x128xf32, #tpu.memory_space<vmem_shared>>) target_semaphore(%run_scoped3A : memref<!tpu.dma_semaphore, #tpu.memory_space<semaphore_mem>>)
      %dma_wait3A = arith.constant 0 : i32
      %dma_wait3A_68 = tpu.memref_slice %arg9[%add3A_21, %dma_wait3A] : memref<10240x128xf32, #tpu.memory_space<vmem_shared>> -> memref<80x128xf32, #tpu.memory_space<vmem_shared>>
      %dma_wait3A_69 = arith.constant 0 : i32
      %dma_wait3A_70 = tpu.memref_slice %arg9[%add3A_21, %dma_wait3A_69] : memref<10240x128xf32, #tpu.memory_space<vmem_shared>> -> memref<80x128xf32, #tpu.memory_space<vmem_shared>>
      tpu.wait_dma2 semaphore(%run_scoped3A : memref<!tpu.dma_semaphore, #tpu.memory_space<semaphore_mem>>) src(%arg8 : memref<80x128xf32, #tpu.memory_space<vmem>>) dst(%dma_wait3A_70 : memref<80x128xf32, #tpu.memory_space<vmem_shared>>)
      tpu.yield
    }) : () -> ()
    %add3A_22 = arith.constant 560 : i32
    %add3A_23 = arith.addi %mul3A_2, %add3A_22 : i32
    "tpu.region"() ({
      %run_scoped3A = tpu.sem_alloc : memref<!tpu.dma_semaphore, #tpu.memory_space<semaphore_mem>>
      %dma_start3A = arith.constant 0 : i32
      %dma_start3A_65 = tpu.memref_slice %arg9[%add3A_23, %dma_start3A] : memref<10240x128xf32, #tpu.memory_space<vmem_shared>> -> memref<80x128xf32, #tpu.memory_space<vmem_shared>>
      %dma_start3A_66 = arith.constant 0 : i32
      %dma_start3A_67 = tpu.memref_slice %arg9[%add3A_23, %dma_start3A_66] : memref<10240x128xf32, #tpu.memory_space<vmem_shared>> -> memref<80x128xf32, #tpu.memory_space<vmem_shared>>
      tpu.enqueue_dma source(%arg8 : memref<80x128xf32, #tpu.memory_space<vmem>>) target(%dma_start3A_67 : memref<80x128xf32, #tpu.memory_space<vmem_shared>>) target_semaphore(%run_scoped3A : memref<!tpu.dma_semaphore, #tpu.memory_space<semaphore_mem>>)
      %dma_wait3A = arith.constant 0 : i32
      %dma_wait3A_68 = tpu.memref_slice %arg9[%add3A_23, %dma_wait3A] : memref<10240x128xf32, #tpu.memory_space<vmem_shared>> -> memref<80x128xf32, #tpu.memory_space<vmem_shared>>
      %dma_wait3A_69 = arith.constant 0 : i32
      %dma_wait3A_70 = tpu.memref_slice %arg9[%add3A_23, %dma_wait3A_69] : memref<10240x128xf32, #tpu.memory_space<vmem_shared>> -> memref<80x128xf32, #tpu.memory_space<vmem_shared>>
      tpu.wait_dma2 semaphore(%run_scoped3A : memref<!tpu.dma_semaphore, #tpu.memory_space<semaphore_mem>>) src(%arg8 : memref<80x128xf32, #tpu.memory_space<vmem>>) dst(%dma_wait3A_70 : memref<80x128xf32, #tpu.memory_space<vmem_shared>>)
      tpu.yield
    }) : () -> ()
    %barrier3A = arith.constant 0 : index
    tpu.barrier barrier_id(%barrier3A)
    %mul3A_24 = arith.constant 10000 : i32
    %mul3A_25 = arith.muli %add3A, %mul3A_24 : i32
    %scan3A_26 = arith.constant 0 : i32
    %scan3A_27 = arith.constant 0 : i32
    %scan3A_28 = arith.constant 125 : i32
    %scan3A_29 = arith.addi %scan3A_27, %scan3A_28 : i32
    %scan3A_30 = arith.constant 1 : i32
    scf.for %scan3A_65 = %scan3A_27 to %scan3A_29 step %scan3A_30  : i32 {
      %mul3A_66 = arith.constant 80 : i32
      %mul3A_67 = arith.muli %scan3A_65, %mul3A_66 : i32
      %add3A_68 = arith.addi %mul3A_25, %mul3A_67 : i32
      %multiple_of3A = tpu.assume_multiple %add3A_68, 8 : i32
      "tpu.region"() ({
        %run_scoped3A = tpu.sem_alloc : memref<!tpu.dma_semaphore, #tpu.memory_space<semaphore_mem>>
        %dma_start3A_73 = tpu.memref_slice %arg3[%multiple_of3A] : memref<320000xi32, #tpu.memory_space<hbm>> -> memref<80xi32, #tpu.memory_space<hbm>>
        %dma_start3A_74 = tpu.memref_slice %arg3[%multiple_of3A] : memref<320000xi32, #tpu.memory_space<hbm>> -> memref<80xi32, #tpu.memory_space<hbm>>
        tpu.enqueue_dma source(%dma_start3A_74 : memref<80xi32, #tpu.memory_space<hbm>>) target(%arg6 : memref<80xi32, #tpu.memory_space<vmem>>) target_semaphore(%run_scoped3A : memref<!tpu.dma_semaphore, #tpu.memory_space<semaphore_mem>>)
        %dma_wait3A_75 = tpu.memref_slice %arg3[%multiple_of3A] : memref<320000xi32, #tpu.memory_space<hbm>> -> memref<80xi32, #tpu.memory_space<hbm>>
        %dma_wait3A_76 = tpu.memref_slice %arg3[%multiple_of3A] : memref<320000xi32, #tpu.memory_space<hbm>> -> memref<80xi32, #tpu.memory_space<hbm>>
        tpu.wait_dma2 semaphore(%run_scoped3A : memref<!tpu.dma_semaphore, #tpu.memory_space<semaphore_mem>>) src(%dma_wait3A_76 : memref<80xi32, #tpu.memory_space<hbm>>) dst(%arg6 : memref<80xi32, #tpu.memory_space<vmem>>)
        tpu.yield
      }) : () -> ()
      "tpu.region"() ({
        %run_scoped3A = tpu.sem_alloc : memref<!tpu.dma_semaphore, #tpu.memory_space<semaphore_mem>>
        %dma_start3A_73 = tpu.memref_slice %arg4[%multiple_of3A] : memref<320000xi32, #tpu.memory_space<hbm>> -> memref<80xi32, #tpu.memory_space<hbm>>
        %dma_start3A_74 = tpu.memref_slice %arg4[%multiple_of3A] : memref<320000xi32, #tpu.memory_space<hbm>> -> memref<80xi32, #tpu.memory_space<hbm>>
        tpu.enqueue_dma source(%dma_start3A_74 : memref<80xi32, #tpu.memory_space<hbm>>) target(%arg7 : memref<80xi32, #tpu.memory_space<vmem>>) target_semaphore(%run_scoped3A : memref<!tpu.dma_semaphore, #tpu.memory_space<semaphore_mem>>)
        %dma_wait3A_75 = tpu.memref_slice %arg4[%multiple_of3A] : memref<320000xi32, #tpu.memory_space<hbm>> -> memref<80xi32, #tpu.memory_space<hbm>>
        %dma_wait3A_76 = tpu.memref_slice %arg4[%multiple_of3A] : memref<320000xi32, #tpu.memory_space<hbm>> -> memref<80xi32, #tpu.memory_space<hbm>>
        tpu.wait_dma2 semaphore(%run_scoped3A : memref<!tpu.dma_semaphore, #tpu.memory_space<semaphore_mem>>) src(%dma_wait3A_76 : memref<80xi32, #tpu.memory_space<hbm>>) dst(%arg7 : memref<80xi32, #tpu.memory_space<vmem>>)
        tpu.yield
      }) : () -> ()
      %dma_start3A = arith.constant 0 : i32
      %dma_start3A_69 = arith.constant 0 : i32
      %dma_start3A_70 = tpu.memref_slice %arg2[%dma_start3A, %dma_start3A_69] : memref<10240x128xf32, #tpu.memory_space<hbm>> -> memref<10240x128xf32, #tpu.memory_space<hbm>>
      tpu.enqueue_indirect_dma source(%dma_start3A_70 : memref<10240x128xf32, #tpu.memory_space<hbm>>) target(%arg8 : memref<80x128xf32, #tpu.memory_space<vmem>>) offsets(%arg6 : memref<80xi32, #tpu.memory_space<vmem>>) semaphore(%arg10 : memref<!tpu.dma_semaphore, #tpu.memory_space<semaphore_mem>>)
      %dma_wait3A = arith.constant 0 : i32
      %dma_wait3A_71 = arith.constant 0 : i32
      %dma_wait3A_72 = tpu.memref_slice %arg2[%dma_wait3A, %dma_wait3A_71] : memref<10240x128xf32, #tpu.memory_space<hbm>> -> memref<10240x128xf32, #tpu.memory_space<hbm>>
      tpu.wait_indirect_dma semaphore(%arg10 : memref<!tpu.dma_semaphore, #tpu.memory_space<semaphore_mem>>) src(%dma_wait3A_72 : memref<10240x128xf32, #tpu.memory_space<hbm>>) dst(%arg8 : memref<80x128xf32, #tpu.memory_space<vmem>>)
      "tpu.region"() ({
        %run_scoped3A = tpu.sem_alloc : memref<!tpu.dma_semaphore, #tpu.memory_space<semaphore_mem>>
        %dma_start3A_73 = arith.constant 0 : i32
        %dma_start3A_74 = arith.constant 0 : i32
        %dma_start3A_75 = tpu.memref_slice %arg9[%dma_start3A_73, %dma_start3A_74] : memref<10240x128xf32, #tpu.memory_space<vmem_shared>> -> memref<10240x128xf32, #tpu.memory_space<vmem_shared>>
        tpu.enqueue_indirect_dma source(%arg8 : memref<80x128xf32, #tpu.memory_space<vmem>>) target(%dma_start3A_75 : memref<10240x128xf32, #tpu.memory_space<vmem_shared>>) offsets(%arg7 : memref<80xi32, #tpu.memory_space<vmem>>) semaphore(%run_scoped3A : memref<!tpu.dma_semaphore, #tpu.memory_space<semaphore_mem>>) {add = true}
        %dma_wait3A_76 = arith.constant 0 : i32
        %dma_wait3A_77 = arith.constant 0 : i32
        %dma_wait3A_78 = tpu.memref_slice %arg9[%dma_wait3A_76, %dma_wait3A_77] : memref<10240x128xf32, #tpu.memory_space<vmem_shared>> -> memref<10240x128xf32, #tpu.memory_space<vmem_shared>>
        tpu.wait_indirect_dma semaphore(%run_scoped3A : memref<!tpu.dma_semaphore, #tpu.memory_space<semaphore_mem>>) src(%arg8 : memref<80x128xf32, #tpu.memory_space<vmem>>) dst(%dma_wait3A_78 : memref<10240x128xf32, #tpu.memory_space<vmem_shared>>)
        tpu.yield
      }) : () -> ()
    }
    %scan3A_31 = arith.constant 125 : i32
    %barrier3A_32 = arith.constant 0 : index
    tpu.barrier barrier_id(%barrier3A_32)
    %add3A_33 = arith.constant 0 : i32
    %add3A_34 = arith.addi %mul3A_2, %add3A_33 : i32
    "tpu.region"() ({
      %run_scoped3A = tpu.sem_alloc : memref<!tpu.dma_semaphore, #tpu.memory_space<semaphore_mem>>
      %dma_start3A = arith.constant 0 : i32
      %dma_start3A_65 = tpu.memref_slice %arg9[%add3A_34, %dma_start3A] : memref<10240x128xf32, #tpu.memory_space<vmem_shared>> -> memref<80x128xf32, #tpu.memory_space<vmem_shared>>
      %dma_start3A_66 = arith.constant 0 : i32
      %dma_start3A_67 = tpu.memref_slice %arg9[%add3A_34, %dma_start3A_66] : memref<10240x128xf32, #tpu.memory_space<vmem_shared>> -> memref<80x128xf32, #tpu.memory_space<vmem_shared>>
      tpu.enqueue_dma source(%dma_start3A_67 : memref<80x128xf32, #tpu.memory_space<vmem_shared>>) target(%arg8 : memref<80x128xf32, #tpu.memory_space<vmem>>) target_semaphore(%run_scoped3A : memref<!tpu.dma_semaphore, #tpu.memory_space<semaphore_mem>>)
      %dma_wait3A = arith.constant 0 : i32
      %dma_wait3A_68 = tpu.memref_slice %arg9[%add3A_34, %dma_wait3A] : memref<10240x128xf32, #tpu.memory_space<vmem_shared>> -> memref<80x128xf32, #tpu.memory_space<vmem_shared>>
      %dma_wait3A_69 = arith.constant 0 : i32
      %dma_wait3A_70 = tpu.memref_slice %arg9[%add3A_34, %dma_wait3A_69] : memref<10240x128xf32, #tpu.memory_space<vmem_shared>> -> memref<80x128xf32, #tpu.memory_space<vmem_shared>>
      tpu.wait_dma2 semaphore(%run_scoped3A : memref<!tpu.dma_semaphore, #tpu.memory_space<semaphore_mem>>) src(%dma_wait3A_70 : memref<80x128xf32, #tpu.memory_space<vmem_shared>>) dst(%arg8 : memref<80x128xf32, #tpu.memory_space<vmem>>)
      tpu.yield
    }) : () -> ()
    %add3A_35 = arith.constant 0 : i32
    %add3A_36 = arith.addi %mul3A_2, %add3A_35 : i32
    "tpu.region"() ({
      %run_scoped3A = tpu.sem_alloc : memref<!tpu.dma_semaphore, #tpu.memory_space<semaphore_mem>>
      %dma_start3A = arith.constant 0 : i32
      %dma_start3A_65 = tpu.memref_slice %arg5[%arg0, %add3A_36, %dma_start3A] : memref<2x10240x128xf32, #tpu.memory_space<hbm>> -> memref<1x80x128xf32, #tpu.memory_space<hbm>>
      %dma_start3A_66 = tpu.memref_squeeze %dma_start3A_65 : memref<1x80x128xf32, #tpu.memory_space<hbm>> -> memref<80x128xf32, #tpu.memory_space<hbm>>
      %dma_start3A_67 = arith.constant 0 : i32
      %dma_start3A_68 = tpu.memref_slice %arg5[%arg0, %add3A_36, %dma_start3A_67] : memref<2x10240x128xf32, #tpu.memory_space<hbm>> -> memref<1x80x128xf32, #tpu.memory_space<hbm>>
      %dma_start3A_69 = tpu.memref_squeeze %dma_start3A_68 : memref<1x80x128xf32, #tpu.memory_space<hbm>> -> memref<80x128xf32, #tpu.memory_space<hbm>>
      tpu.enqueue_dma source(%arg8 : memref<80x128xf32, #tpu.memory_space<vmem>>) target(%dma_start3A_69 : memref<80x128xf32, #tpu.memory_space<hbm>>) target_semaphore(%run_scoped3A : memref<!tpu.dma_semaphore, #tpu.memory_space<semaphore_mem>>)
      %dma_wait3A = arith.constant 0 : i32
      %dma_wait3A_70 = tpu.memref_slice %arg5[%arg0, %add3A_36, %dma_wait3A] : memref<2x10240x128xf32, #tpu.memory_space<hbm>> -> memref<1x80x128xf32, #tpu.memory_space<hbm>>
      %dma_wait3A_71 = tpu.memref_squeeze %dma_wait3A_70 : memref<1x80x128xf32, #tpu.memory_space<hbm>> -> memref<80x128xf32, #tpu.memory_space<hbm>>
      %dma_wait3A_72 = arith.constant 0 : i32
      %dma_wait3A_73 = tpu.memref_slice %arg5[%arg0, %add3A_36, %dma_wait3A_72] : memref<2x10240x128xf32, #tpu.memory_space<hbm>> -> memref<1x80x128xf32, #tpu.memory_space<hbm>>
      %dma_wait3A_74 = tpu.memref_squeeze %dma_wait3A_73 : memref<1x80x128xf32, #tpu.memory_space<hbm>> -> memref<80x128xf32, #tpu.memory_space<hbm>>
      tpu.wait_dma2 semaphore(%run_scoped3A : memref<!tpu.dma_semaphore, #tpu.memory_space<semaphore_mem>>) src(%arg8 : memref<80x128xf32, #tpu.memory_space<vmem>>) dst(%dma_wait3A_74 : memref<80x128xf32, #tpu.memory_space<hbm>>)
      tpu.yield
    }) : () -> ()
    %add3A_37 = arith.constant 80 : i32
    %add3A_38 = arith.addi %mul3A_2, %add3A_37 : i32
    "tpu.region"() ({
      %run_scoped3A = tpu.sem_alloc : memref<!tpu.dma_semaphore, #tpu.memory_space<semaphore_mem>>
      %dma_start3A = arith.constant 0 : i32
      %dma_start3A_65 = tpu.memref_slice %arg9[%add3A_38, %dma_start3A] : memref<10240x128xf32, #tpu.memory_space<vmem_shared>> -> memref<80x128xf32, #tpu.memory_space<vmem_shared>>
      %dma_start3A_66 = arith.constant 0 : i32
      %dma_start3A_67 = tpu.memref_slice %arg9[%add3A_38, %dma_start3A_66] : memref<10240x128xf32, #tpu.memory_space<vmem_shared>> -> memref<80x128xf32, #tpu.memory_space<vmem_shared>>
      tpu.enqueue_dma source(%dma_start3A_67 : memref<80x128xf32, #tpu.memory_space<vmem_shared>>) target(%arg8 : memref<80x128xf32, #tpu.memory_space<vmem>>) target_semaphore(%run_scoped3A : memref<!tpu.dma_semaphore, #tpu.memory_space<semaphore_mem>>)
      %dma_wait3A = arith.constant 0 : i32
      %dma_wait3A_68 = tpu.memref_slice %arg9[%add3A_38, %dma_wait3A] : memref<10240x128xf32, #tpu.memory_space<vmem_shared>> -> memref<80x128xf32, #tpu.memory_space<vmem_shared>>
      %dma_wait3A_69 = arith.constant 0 : i32
      %dma_wait3A_70 = tpu.memref_slice %arg9[%add3A_38, %dma_wait3A_69] : memref<10240x128xf32, #tpu.memory_space<vmem_shared>> -> memref<80x128xf32, #tpu.memory_space<vmem_shared>>
      tpu.wait_dma2 semaphore(%run_scoped3A : memref<!tpu.dma_semaphore, #tpu.memory_space<semaphore_mem>>) src(%dma_wait3A_70 : memref<80x128xf32, #tpu.memory_space<vmem_shared>>) dst(%arg8 : memref<80x128xf32, #tpu.memory_space<vmem>>)
      tpu.yield
    }) : () -> ()
    %add3A_39 = arith.constant 80 : i32
    %add3A_40 = arith.addi %mul3A_2, %add3A_39 : i32
    "tpu.region"() ({
      %run_scoped3A = tpu.sem_alloc : memref<!tpu.dma_semaphore, #tpu.memory_space<semaphore_mem>>
      %dma_start3A = arith.constant 0 : i32
      %dma_start3A_65 = tpu.memref_slice %arg5[%arg0, %add3A_40, %dma_start3A] : memref<2x10240x128xf32, #tpu.memory_space<hbm>> -> memref<1x80x128xf32, #tpu.memory_space<hbm>>
      %dma_start3A_66 = tpu.memref_squeeze %dma_start3A_65 : memref<1x80x128xf32, #tpu.memory_space<hbm>> -> memref<80x128xf32, #tpu.memory_space<hbm>>
      %dma_start3A_67 = arith.constant 0 : i32
      %dma_start3A_68 = tpu.memref_slice %arg5[%arg0, %add3A_40, %dma_start3A_67] : memref<2x10240x128xf32, #tpu.memory_space<hbm>> -> memref<1x80x128xf32, #tpu.memory_space<hbm>>
      %dma_start3A_69 = tpu.memref_squeeze %dma_start3A_68 : memref<1x80x128xf32, #tpu.memory_space<hbm>> -> memref<80x128xf32, #tpu.memory_space<hbm>>
      tpu.enqueue_dma source(%arg8 : memref<80x128xf32, #tpu.memory_space<vmem>>) target(%dma_start3A_69 : memref<80x128xf32, #tpu.memory_space<hbm>>) target_semaphore(%run_scoped3A : memref<!tpu.dma_semaphore, #tpu.memory_space<semaphore_mem>>)
      %dma_wait3A = arith.constant 0 : i32
      %dma_wait3A_70 = tpu.memref_slice %arg5[%arg0, %add3A_40, %dma_wait3A] : memref<2x10240x128xf32, #tpu.memory_space<hbm>> -> memref<1x80x128xf32, #tpu.memory_space<hbm>>
      %dma_wait3A_71 = tpu.memref_squeeze %dma_wait3A_70 : memref<1x80x128xf32, #tpu.memory_space<hbm>> -> memref<80x128xf32, #tpu.memory_space<hbm>>
      %dma_wait3A_72 = arith.constant 0 : i32
      %dma_wait3A_73 = tpu.memref_slice %arg5[%arg0, %add3A_40, %dma_wait3A_72] : memref<2x10240x128xf32, #tpu.memory_space<hbm>> -> memref<1x80x128xf32, #tpu.memory_space<hbm>>
      %dma_wait3A_74 = tpu.memref_squeeze %dma_wait3A_73 : memref<1x80x128xf32, #tpu.memory_space<hbm>> -> memref<80x128xf32, #tpu.memory_space<hbm>>
      tpu.wait_dma2 semaphore(%run_scoped3A : memref<!tpu.dma_semaphore, #tpu.memory_space<semaphore_mem>>) src(%arg8 : memref<80x128xf32, #tpu.memory_space<vmem>>) dst(%dma_wait3A_74 : memref<80x128xf32, #tpu.memory_space<hbm>>)
      tpu.yield
    }) : () -> ()
    %add3A_41 = arith.constant 160 : i32
    %add3A_42 = arith.addi %mul3A_2, %add3A_41 : i32
    "tpu.region"() ({
      %run_scoped3A = tpu.sem_alloc : memref<!tpu.dma_semaphore, #tpu.memory_space<semaphore_mem>>
      %dma_start3A = arith.constant 0 : i32
      %dma_start3A_65 = tpu.memref_slice %arg9[%add3A_42, %dma_start3A] : memref<10240x128xf32, #tpu.memory_space<vmem_shared>> -> memref<80x128xf32, #tpu.memory_space<vmem_shared>>
      %dma_start3A_66 = arith.constant 0 : i32
      %dma_start3A_67 = tpu.memref_slice %arg9[%add3A_42, %dma_start3A_66] : memref<10240x128xf32, #tpu.memory_space<vmem_shared>> -> memref<80x128xf32, #tpu.memory_space<vmem_shared>>
      tpu.enqueue_dma source(%dma_start3A_67 : memref<80x128xf32, #tpu.memory_space<vmem_shared>>) target(%arg8 : memref<80x128xf32, #tpu.memory_space<vmem>>) target_semaphore(%run_scoped3A : memref<!tpu.dma_semaphore, #tpu.memory_space<semaphore_mem>>)
      %dma_wait3A = arith.constant 0 : i32
      %dma_wait3A_68 = tpu.memref_slice %arg9[%add3A_42, %dma_wait3A] : memref<10240x128xf32, #tpu.memory_space<vmem_shared>> -> memref<80x128xf32, #tpu.memory_space<vmem_shared>>
      %dma_wait3A_69 = arith.constant 0 : i32
      %dma_wait3A_70 = tpu.memref_slice %arg9[%add3A_42, %dma_wait3A_69] : memref<10240x128xf32, #tpu.memory_space<vmem_shared>> -> memref<80x128xf32, #tpu.memory_space<vmem_shared>>
      tpu.wait_dma2 semaphore(%run_scoped3A : memref<!tpu.dma_semaphore, #tpu.memory_space<semaphore_mem>>) src(%dma_wait3A_70 : memref<80x128xf32, #tpu.memory_space<vmem_shared>>) dst(%arg8 : memref<80x128xf32, #tpu.memory_space<vmem>>)
      tpu.yield
    }) : () -> ()
    %add3A_43 = arith.constant 160 : i32
    %add3A_44 = arith.addi %mul3A_2, %add3A_43 : i32
    "tpu.region"() ({
      %run_scoped3A = tpu.sem_alloc : memref<!tpu.dma_semaphore, #tpu.memory_space<semaphore_mem>>
      %dma_start3A = arith.constant 0 : i32
      %dma_start3A_65 = tpu.memref_slice %arg5[%arg0, %add3A_44, %dma_start3A] : memref<2x10240x128xf32, #tpu.memory_space<hbm>> -> memref<1x80x128xf32, #tpu.memory_space<hbm>>
      %dma_start3A_66 = tpu.memref_squeeze %dma_start3A_65 : memref<1x80x128xf32, #tpu.memory_space<hbm>> -> memref<80x128xf32, #tpu.memory_space<hbm>>
      %dma_start3A_67 = arith.constant 0 : i32
      %dma_start3A_68 = tpu.memref_slice %arg5[%arg0, %add3A_44, %dma_start3A_67] : memref<2x10240x128xf32, #tpu.memory_space<hbm>> -> memref<1x80x128xf32, #tpu.memory_space<hbm>>
      %dma_start3A_69 = tpu.memref_squeeze %dma_start3A_68 : memref<1x80x128xf32, #tpu.memory_space<hbm>> -> memref<80x128xf32, #tpu.memory_space<hbm>>
      tpu.enqueue_dma source(%arg8 : memref<80x128xf32, #tpu.memory_space<vmem>>) target(%dma_start3A_69 : memref<80x128xf32, #tpu.memory_space<hbm>>) target_semaphore(%run_scoped3A : memref<!tpu.dma_semaphore, #tpu.memory_space<semaphore_mem>>)
      %dma_wait3A = arith.constant 0 : i32
      %dma_wait3A_70 = tpu.memref_slice %arg5[%arg0, %add3A_44, %dma_wait3A] : memref<2x10240x128xf32, #tpu.memory_space<hbm>> -> memref<1x80x128xf32, #tpu.memory_space<hbm>>
      %dma_wait3A_71 = tpu.memref_squeeze %dma_wait3A_70 : memref<1x80x128xf32, #tpu.memory_space<hbm>> -> memref<80x128xf32, #tpu.memory_space<hbm>>
      %dma_wait3A_72 = arith.constant 0 : i32
      %dma_wait3A_73 = tpu.memref_slice %arg5[%arg0, %add3A_44, %dma_wait3A_72] : memref<2x10240x128xf32, #tpu.memory_space<hbm>> -> memref<1x80x128xf32, #tpu.memory_space<hbm>>
      %dma_wait3A_74 = tpu.memref_squeeze %dma_wait3A_73 : memref<1x80x128xf32, #tpu.memory_space<hbm>> -> memref<80x128xf32, #tpu.memory_space<hbm>>
      tpu.wait_dma2 semaphore(%run_scoped3A : memref<!tpu.dma_semaphore, #tpu.memory_space<semaphore_mem>>) src(%arg8 : memref<80x128xf32, #tpu.memory_space<vmem>>) dst(%dma_wait3A_74 : memref<80x128xf32, #tpu.memory_space<hbm>>)
      tpu.yield
    }) : () -> ()
    %add3A_45 = arith.constant 240 : i32
    %add3A_46 = arith.addi %mul3A_2, %add3A_45 : i32
    "tpu.region"() ({
      %run_scoped3A = tpu.sem_alloc : memref<!tpu.dma_semaphore, #tpu.memory_space<semaphore_mem>>
      %dma_start3A = arith.constant 0 : i32
      %dma_start3A_65 = tpu.memref_slice %arg9[%add3A_46, %dma_start3A] : memref<10240x128xf32, #tpu.memory_space<vmem_shared>> -> memref<80x128xf32, #tpu.memory_space<vmem_shared>>
      %dma_start3A_66 = arith.constant 0 : i32
      %dma_start3A_67 = tpu.memref_slice %arg9[%add3A_46, %dma_start3A_66] : memref<10240x128xf32, #tpu.memory_space<vmem_shared>> -> memref<80x128xf32, #tpu.memory_space<vmem_shared>>
      tpu.enqueue_dma source(%dma_start3A_67 : memref<80x128xf32, #tpu.memory_space<vmem_shared>>) target(%arg8 : memref<80x128xf32, #tpu.memory_space<vmem>>) target_semaphore(%run_scoped3A : memref<!tpu.dma_semaphore, #tpu.memory_space<semaphore_mem>>)
      %dma_wait3A = arith.constant 0 : i32
      %dma_wait3A_68 = tpu.memref_slice %arg9[%add3A_46, %dma_wait3A] : memref<10240x128xf32, #tpu.memory_space<vmem_shared>> -> memref<80x128xf32, #tpu.memory_space<vmem_shared>>
      %dma_wait3A_69 = arith.constant 0 : i32
      %dma_wait3A_70 = tpu.memref_slice %arg9[%add3A_46, %dma_wait3A_69] : memref<10240x128xf32, #tpu.memory_space<vmem_shared>> -> memref<80x128xf32, #tpu.memory_space<vmem_shared>>
      tpu.wait_dma2 semaphore(%run_scoped3A : memref<!tpu.dma_semaphore, #tpu.memory_space<semaphore_mem>>) src(%dma_wait3A_70 : memref<80x128xf32, #tpu.memory_space<vmem_shared>>) dst(%arg8 : memref<80x128xf32, #tpu.memory_space<vmem>>)
      tpu.yield
    }) : () -> ()
    %add3A_47 = arith.constant 240 : i32
    %add3A_48 = arith.addi %mul3A_2, %add3A_47 : i32
    "tpu.region"() ({
      %run_scoped3A = tpu.sem_alloc : memref<!tpu.dma_semaphore, #tpu.memory_space<semaphore_mem>>
      %dma_start3A = arith.constant 0 : i32
      %dma_start3A_65 = tpu.memref_slice %arg5[%arg0, %add3A_48, %dma_start3A] : memref<2x10240x128xf32, #tpu.memory_space<hbm>> -> memref<1x80x128xf32, #tpu.memory_space<hbm>>
      %dma_start3A_66 = tpu.memref_squeeze %dma_start3A_65 : memref<1x80x128xf32, #tpu.memory_space<hbm>> -> memref<80x128xf32, #tpu.memory_space<hbm>>
      %dma_start3A_67 = arith.constant 0 : i32
      %dma_start3A_68 = tpu.memref_slice %arg5[%arg0, %add3A_48, %dma_start3A_67] : memref<2x10240x128xf32, #tpu.memory_space<hbm>> -> memref<1x80x128xf32, #tpu.memory_space<hbm>>
      %dma_start3A_69 = tpu.memref_squeeze %dma_start3A_68 : memref<1x80x128xf32, #tpu.memory_space<hbm>> -> memref<80x128xf32, #tpu.memory_space<hbm>>
      tpu.enqueue_dma source(%arg8 : memref<80x128xf32, #tpu.memory_space<vmem>>) target(%dma_start3A_69 : memref<80x128xf32, #tpu.memory_space<hbm>>) target_semaphore(%run_scoped3A : memref<!tpu.dma_semaphore, #tpu.memory_space<semaphore_mem>>)
      %dma_wait3A = arith.constant 0 : i32
      %dma_wait3A_70 = tpu.memref_slice %arg5[%arg0, %add3A_48, %dma_wait3A] : memref<2x10240x128xf32, #tpu.memory_space<hbm>> -> memref<1x80x128xf32, #tpu.memory_space<hbm>>
      %dma_wait3A_71 = tpu.memref_squeeze %dma_wait3A_70 : memref<1x80x128xf32, #tpu.memory_space<hbm>> -> memref<80x128xf32, #tpu.memory_space<hbm>>
      %dma_wait3A_72 = arith.constant 0 : i32
      %dma_wait3A_73 = tpu.memref_slice %arg5[%arg0, %add3A_48, %dma_wait3A_72] : memref<2x10240x128xf32, #tpu.memory_space<hbm>> -> memref<1x80x128xf32, #tpu.memory_space<hbm>>
      %dma_wait3A_74 = tpu.memref_squeeze %dma_wait3A_73 : memref<1x80x128xf32, #tpu.memory_space<hbm>> -> memref<80x128xf32, #tpu.memory_space<hbm>>
      tpu.wait_dma2 semaphore(%run_scoped3A : memref<!tpu.dma_semaphore, #tpu.memory_space<semaphore_mem>>) src(%arg8 : memref<80x128xf32, #tpu.memory_space<vmem>>) dst(%dma_wait3A_74 : memref<80x128xf32, #tpu.memory_space<hbm>>)
      tpu.yield
    }) : () -> ()
    %add3A_49 = arith.constant 320 : i32
    %add3A_50 = arith.addi %mul3A_2, %add3A_49 : i32
    "tpu.region"() ({
      %run_scoped3A = tpu.sem_alloc : memref<!tpu.dma_semaphore, #tpu.memory_space<semaphore_mem>>
      %dma_start3A = arith.constant 0 : i32
      %dma_start3A_65 = tpu.memref_slice %arg9[%add3A_50, %dma_start3A] : memref<10240x128xf32, #tpu.memory_space<vmem_shared>> -> memref<80x128xf32, #tpu.memory_space<vmem_shared>>
      %dma_start3A_66 = arith.constant 0 : i32
      %dma_start3A_67 = tpu.memref_slice %arg9[%add3A_50, %dma_start3A_66] : memref<10240x128xf32, #tpu.memory_space<vmem_shared>> -> memref<80x128xf32, #tpu.memory_space<vmem_shared>>
      tpu.enqueue_dma source(%dma_start3A_67 : memref<80x128xf32, #tpu.memory_space<vmem_shared>>) target(%arg8 : memref<80x128xf32, #tpu.memory_space<vmem>>) target_semaphore(%run_scoped3A : memref<!tpu.dma_semaphore, #tpu.memory_space<semaphore_mem>>)
      %dma_wait3A = arith.constant 0 : i32
      %dma_wait3A_68 = tpu.memref_slice %arg9[%add3A_50, %dma_wait3A] : memref<10240x128xf32, #tpu.memory_space<vmem_shared>> -> memref<80x128xf32, #tpu.memory_space<vmem_shared>>
      %dma_wait3A_69 = arith.constant 0 : i32
      %dma_wait3A_70 = tpu.memref_slice %arg9[%add3A_50, %dma_wait3A_69] : memref<10240x128xf32, #tpu.memory_space<vmem_shared>> -> memref<80x128xf32, #tpu.memory_space<vmem_shared>>
      tpu.wait_dma2 semaphore(%run_scoped3A : memref<!tpu.dma_semaphore, #tpu.memory_space<semaphore_mem>>) src(%dma_wait3A_70 : memref<80x128xf32, #tpu.memory_space<vmem_shared>>) dst(%arg8 : memref<80x128xf32, #tpu.memory_space<vmem>>)
      tpu.yield
    }) : () -> ()
    %add3A_51 = arith.constant 320 : i32
    %add3A_52 = arith.addi %mul3A_2, %add3A_51 : i32
    "tpu.region"() ({
      %run_scoped3A = tpu.sem_alloc : memref<!tpu.dma_semaphore, #tpu.memory_space<semaphore_mem>>
      %dma_start3A = arith.constant 0 : i32
      %dma_start3A_65 = tpu.memref_slice %arg5[%arg0, %add3A_52, %dma_start3A] : memref<2x10240x128xf32, #tpu.memory_space<hbm>> -> memref<1x80x128xf32, #tpu.memory_space<hbm>>
      %dma_start3A_66 = tpu.memref_squeeze %dma_start3A_65 : memref<1x80x128xf32, #tpu.memory_space<hbm>> -> memref<80x128xf32, #tpu.memory_space<hbm>>
      %dma_start3A_67 = arith.constant 0 : i32
      %dma_start3A_68 = tpu.memref_slice %arg5[%arg0, %add3A_52, %dma_start3A_67] : memref<2x10240x128xf32, #tpu.memory_space<hbm>> -> memref<1x80x128xf32, #tpu.memory_space<hbm>>
      %dma_start3A_69 = tpu.memref_squeeze %dma_start3A_68 : memref<1x80x128xf32, #tpu.memory_space<hbm>> -> memref<80x128xf32, #tpu.memory_space<hbm>>
      tpu.enqueue_dma source(%arg8 : memref<80x128xf32, #tpu.memory_space<vmem>>) target(%dma_start3A_69 : memref<80x128xf32, #tpu.memory_space<hbm>>) target_semaphore(%run_scoped3A : memref<!tpu.dma_semaphore, #tpu.memory_space<semaphore_mem>>)
      %dma_wait3A = arith.constant 0 : i32
      %dma_wait3A_70 = tpu.memref_slice %arg5[%arg0, %add3A_52, %dma_wait3A] : memref<2x10240x128xf32, #tpu.memory_space<hbm>> -> memref<1x80x128xf32, #tpu.memory_space<hbm>>
      %dma_wait3A_71 = tpu.memref_squeeze %dma_wait3A_70 : memref<1x80x128xf32, #tpu.memory_space<hbm>> -> memref<80x128xf32, #tpu.memory_space<hbm>>
      %dma_wait3A_72 = arith.constant 0 : i32
      %dma_wait3A_73 = tpu.memref_slice %arg5[%arg0, %add3A_52, %dma_wait3A_72] : memref<2x10240x128xf32, #tpu.memory_space<hbm>> -> memref<1x80x128xf32, #tpu.memory_space<hbm>>
      %dma_wait3A_74 = tpu.memref_squeeze %dma_wait3A_73 : memref<1x80x128xf32, #tpu.memory_space<hbm>> -> memref<80x128xf32, #tpu.memory_space<hbm>>
      tpu.wait_dma2 semaphore(%run_scoped3A : memref<!tpu.dma_semaphore, #tpu.memory_space<semaphore_mem>>) src(%arg8 : memref<80x128xf32, #tpu.memory_space<vmem>>) dst(%dma_wait3A_74 : memref<80x128xf32, #tpu.memory_space<hbm>>)
      tpu.yield
    }) : () -> ()
    %add3A_53 = arith.constant 400 : i32
    %add3A_54 = arith.addi %mul3A_2, %add3A_53 : i32
    "tpu.region"() ({
      %run_scoped3A = tpu.sem_alloc : memref<!tpu.dma_semaphore, #tpu.memory_space<semaphore_mem>>
      %dma_start3A = arith.constant 0 : i32
      %dma_start3A_65 = tpu.memref_slice %arg9[%add3A_54, %dma_start3A] : memref<10240x128xf32, #tpu.memory_space<vmem_shared>> -> memref<80x128xf32, #tpu.memory_space<vmem_shared>>
      %dma_start3A_66 = arith.constant 0 : i32
      %dma_start3A_67 = tpu.memref_slice %arg9[%add3A_54, %dma_start3A_66] : memref<10240x128xf32, #tpu.memory_space<vmem_shared>> -> memref<80x128xf32, #tpu.memory_space<vmem_shared>>
      tpu.enqueue_dma source(%dma_start3A_67 : memref<80x128xf32, #tpu.memory_space<vmem_shared>>) target(%arg8 : memref<80x128xf32, #tpu.memory_space<vmem>>) target_semaphore(%run_scoped3A : memref<!tpu.dma_semaphore, #tpu.memory_space<semaphore_mem>>)
      %dma_wait3A = arith.constant 0 : i32
      %dma_wait3A_68 = tpu.memref_slice %arg9[%add3A_54, %dma_wait3A] : memref<10240x128xf32, #tpu.memory_space<vmem_shared>> -> memref<80x128xf32, #tpu.memory_space<vmem_shared>>
      %dma_wait3A_69 = arith.constant 0 : i32
      %dma_wait3A_70 = tpu.memref_slice %arg9[%add3A_54, %dma_wait3A_69] : memref<10240x128xf32, #tpu.memory_space<vmem_shared>> -> memref<80x128xf32, #tpu.memory_space<vmem_shared>>
      tpu.wait_dma2 semaphore(%run_scoped3A : memref<!tpu.dma_semaphore, #tpu.memory_space<semaphore_mem>>) src(%dma_wait3A_70 : memref<80x128xf32, #tpu.memory_space<vmem_shared>>) dst(%arg8 : memref<80x128xf32, #tpu.memory_space<vmem>>)
      tpu.yield
    }) : () -> ()
    %add3A_55 = arith.constant 400 : i32
    %add3A_56 = arith.addi %mul3A_2, %add3A_55 : i32
    "tpu.region"() ({
      %run_scoped3A = tpu.sem_alloc : memref<!tpu.dma_semaphore, #tpu.memory_space<semaphore_mem>>
      %dma_start3A = arith.constant 0 : i32
      %dma_start3A_65 = tpu.memref_slice %arg5[%arg0, %add3A_56, %dma_start3A] : memref<2x10240x128xf32, #tpu.memory_space<hbm>> -> memref<1x80x128xf32, #tpu.memory_space<hbm>>
      %dma_start3A_66 = tpu.memref_squeeze %dma_start3A_65 : memref<1x80x128xf32, #tpu.memory_space<hbm>> -> memref<80x128xf32, #tpu.memory_space<hbm>>
      %dma_start3A_67 = arith.constant 0 : i32
      %dma_start3A_68 = tpu.memref_slice %arg5[%arg0, %add3A_56, %dma_start3A_67] : memref<2x10240x128xf32, #tpu.memory_space<hbm>> -> memref<1x80x128xf32, #tpu.memory_space<hbm>>
      %dma_start3A_69 = tpu.memref_squeeze %dma_start3A_68 : memref<1x80x128xf32, #tpu.memory_space<hbm>> -> memref<80x128xf32, #tpu.memory_space<hbm>>
      tpu.enqueue_dma source(%arg8 : memref<80x128xf32, #tpu.memory_space<vmem>>) target(%dma_start3A_69 : memref<80x128xf32, #tpu.memory_space<hbm>>) target_semaphore(%run_scoped3A : memref<!tpu.dma_semaphore, #tpu.memory_space<semaphore_mem>>)
      %dma_wait3A = arith.constant 0 : i32
      %dma_wait3A_70 = tpu.memref_slice %arg5[%arg0, %add3A_56, %dma_wait3A] : memref<2x10240x128xf32, #tpu.memory_space<hbm>> -> memref<1x80x128xf32, #tpu.memory_space<hbm>>
      %dma_wait3A_71 = tpu.memref_squeeze %dma_wait3A_70 : memref<1x80x128xf32, #tpu.memory_space<hbm>> -> memref<80x128xf32, #tpu.memory_space<hbm>>
      %dma_wait3A_72 = arith.constant 0 : i32
      %dma_wait3A_73 = tpu.memref_slice %arg5[%arg0, %add3A_56, %dma_wait3A_72] : memref<2x10240x128xf32, #tpu.memory_space<hbm>> -> memref<1x80x128xf32, #tpu.memory_space<hbm>>
      %dma_wait3A_74 = tpu.memref_squeeze %dma_wait3A_73 : memref<1x80x128xf32, #tpu.memory_space<hbm>> -> memref<80x128xf32, #tpu.memory_space<hbm>>
      tpu.wait_dma2 semaphore(%run_scoped3A : memref<!tpu.dma_semaphore, #tpu.memory_space<semaphore_mem>>) src(%arg8 : memref<80x128xf32, #tpu.memory_space<vmem>>) dst(%dma_wait3A_74 : memref<80x128xf32, #tpu.memory_space<hbm>>)
      tpu.yield
    }) : () -> ()
    %add3A_57 = arith.constant 480 : i32
    %add3A_58 = arith.addi %mul3A_2, %add3A_57 : i32
    "tpu.region"() ({
      %run_scoped3A = tpu.sem_alloc : memref<!tpu.dma_semaphore, #tpu.memory_space<semaphore_mem>>
      %dma_start3A = arith.constant 0 : i32
      %dma_start3A_65 = tpu.memref_slice %arg9[%add3A_58, %dma_start3A] : memref<10240x128xf32, #tpu.memory_space<vmem_shared>> -> memref<80x128xf32, #tpu.memory_space<vmem_shared>>
      %dma_start3A_66 = arith.constant 0 : i32
      %dma_start3A_67 = tpu.memref_slice %arg9[%add3A_58, %dma_start3A_66] : memref<10240x128xf32, #tpu.memory_space<vmem_shared>> -> memref<80x128xf32, #tpu.memory_space<vmem_shared>>
      tpu.enqueue_dma source(%dma_start3A_67 : memref<80x128xf32, #tpu.memory_space<vmem_shared>>) target(%arg8 : memref<80x128xf32, #tpu.memory_space<vmem>>) target_semaphore(%run_scoped3A : memref<!tpu.dma_semaphore, #tpu.memory_space<semaphore_mem>>)
      %dma_wait3A = arith.constant 0 : i32
      %dma_wait3A_68 = tpu.memref_slice %arg9[%add3A_58, %dma_wait3A] : memref<10240x128xf32, #tpu.memory_space<vmem_shared>> -> memref<80x128xf32, #tpu.memory_space<vmem_shared>>
      %dma_wait3A_69 = arith.constant 0 : i32
      %dma_wait3A_70 = tpu.memref_slice %arg9[%add3A_58, %dma_wait3A_69] : memref<10240x128xf32, #tpu.memory_space<vmem_shared>> -> memref<80x128xf32, #tpu.memory_space<vmem_shared>>
      tpu.wait_dma2 semaphore(%run_scoped3A : memref<!tpu.dma_semaphore, #tpu.memory_space<semaphore_mem>>) src(%dma_wait3A_70 : memref<80x128xf32, #tpu.memory_space<vmem_shared>>) dst(%arg8 : memref<80x128xf32, #tpu.memory_space<vmem>>)
      tpu.yield
    }) : () -> ()
    %add3A_59 = arith.constant 480 : i32
    %add3A_60 = arith.addi %mul3A_2, %add3A_59 : i32
    "tpu.region"() ({
      %run_scoped3A = tpu.sem_alloc : memref<!tpu.dma_semaphore, #tpu.memory_space<semaphore_mem>>
      %dma_start3A = arith.constant 0 : i32
      %dma_start3A_65 = tpu.memref_slice %arg5[%arg0, %add3A_60, %dma_start3A] : memref<2x10240x128xf32, #tpu.memory_space<hbm>> -> memref<1x80x128xf32, #tpu.memory_space<hbm>>
      %dma_start3A_66 = tpu.memref_squeeze %dma_start3A_65 : memref<1x80x128xf32, #tpu.memory_space<hbm>> -> memref<80x128xf32, #tpu.memory_space<hbm>>
      %dma_start3A_67 = arith.constant 0 : i32
      %dma_start3A_68 = tpu.memref_slice %arg5[%arg0, %add3A_60, %dma_start3A_67] : memref<2x10240x128xf32, #tpu.memory_space<hbm>> -> memref<1x80x128xf32, #tpu.memory_space<hbm>>
      %dma_start3A_69 = tpu.memref_squeeze %dma_start3A_68 : memref<1x80x128xf32, #tpu.memory_space<hbm>> -> memref<80x128xf32, #tpu.memory_space<hbm>>
      tpu.enqueue_dma source(%arg8 : memref<80x128xf32, #tpu.memory_space<vmem>>) target(%dma_start3A_69 : memref<80x128xf32, #tpu.memory_space<hbm>>) target_semaphore(%run_scoped3A : memref<!tpu.dma_semaphore, #tpu.memory_space<semaphore_mem>>)
      %dma_wait3A = arith.constant 0 : i32
      %dma_wait3A_70 = tpu.memref_slice %arg5[%arg0, %add3A_60, %dma_wait3A] : memref<2x10240x128xf32, #tpu.memory_space<hbm>> -> memref<1x80x128xf32, #tpu.memory_space<hbm>>
      %dma_wait3A_71 = tpu.memref_squeeze %dma_wait3A_70 : memref<1x80x128xf32, #tpu.memory_space<hbm>> -> memref<80x128xf32, #tpu.memory_space<hbm>>
      %dma_wait3A_72 = arith.constant 0 : i32
      %dma_wait3A_73 = tpu.memref_slice %arg5[%arg0, %add3A_60, %dma_wait3A_72] : memref<2x10240x128xf32, #tpu.memory_space<hbm>> -> memref<1x80x128xf32, #tpu.memory_space<hbm>>
      %dma_wait3A_74 = tpu.memref_squeeze %dma_wait3A_73 : memref<1x80x128xf32, #tpu.memory_space<hbm>> -> memref<80x128xf32, #tpu.memory_space<hbm>>
      tpu.wait_dma2 semaphore(%run_scoped3A : memref<!tpu.dma_semaphore, #tpu.memory_space<semaphore_mem>>) src(%arg8 : memref<80x128xf32, #tpu.memory_space<vmem>>) dst(%dma_wait3A_74 : memref<80x128xf32, #tpu.memory_space<hbm>>)
      tpu.yield
    }) : () -> ()
    %add3A_61 = arith.constant 560 : i32
    %add3A_62 = arith.addi %mul3A_2, %add3A_61 : i32
    "tpu.region"() ({
      %run_scoped3A = tpu.sem_alloc : memref<!tpu.dma_semaphore, #tpu.memory_space<semaphore_mem>>
      %dma_start3A = arith.constant 0 : i32
      %dma_start3A_65 = tpu.memref_slice %arg9[%add3A_62, %dma_start3A] : memref<10240x128xf32, #tpu.memory_space<vmem_shared>> -> memref<80x128xf32, #tpu.memory_space<vmem_shared>>
      %dma_start3A_66 = arith.constant 0 : i32
      %dma_start3A_67 = tpu.memref_slice %arg9[%add3A_62, %dma_start3A_66] : memref<10240x128xf32, #tpu.memory_space<vmem_shared>> -> memref<80x128xf32, #tpu.memory_space<vmem_shared>>
      tpu.enqueue_dma source(%dma_start3A_67 : memref<80x128xf32, #tpu.memory_space<vmem_shared>>) target(%arg8 : memref<80x128xf32, #tpu.memory_space<vmem>>) target_semaphore(%run_scoped3A : memref<!tpu.dma_semaphore, #tpu.memory_space<semaphore_mem>>)
      %dma_wait3A = arith.constant 0 : i32
      %dma_wait3A_68 = tpu.memref_slice %arg9[%add3A_62, %dma_wait3A] : memref<10240x128xf32, #tpu.memory_space<vmem_shared>> -> memref<80x128xf32, #tpu.memory_space<vmem_shared>>
      %dma_wait3A_69 = arith.constant 0 : i32
      %dma_wait3A_70 = tpu.memref_slice %arg9[%add3A_62, %dma_wait3A_69] : memref<10240x128xf32, #tpu.memory_space<vmem_shared>> -> memref<80x128xf32, #tpu.memory_space<vmem_shared>>
      tpu.wait_dma2 semaphore(%run_scoped3A : memref<!tpu.dma_semaphore, #tpu.memory_space<semaphore_mem>>) src(%dma_wait3A_70 : memref<80x128xf32, #tpu.memory_space<vmem_shared>>) dst(%arg8 : memref<80x128xf32, #tpu.memory_space<vmem>>)
      tpu.yield
    }) : () -> ()
    %add3A_63 = arith.constant 560 : i32
    %add3A_64 = arith.addi %mul3A_2, %add3A_63 : i32
    "tpu.region"() ({
      %run_scoped3A = tpu.sem_alloc : memref<!tpu.dma_semaphore, #tpu.memory_space<semaphore_mem>>
      %dma_start3A = arith.constant 0 : i32
      %dma_start3A_65 = tpu.memref_slice %arg5[%arg0, %add3A_64, %dma_start3A] : memref<2x10240x128xf32, #tpu.memory_space<hbm>> -> memref<1x80x128xf32, #tpu.memory_space<hbm>>
      %dma_start3A_66 = tpu.memref_squeeze %dma_start3A_65 : memref<1x80x128xf32, #tpu.memory_space<hbm>> -> memref<80x128xf32, #tpu.memory_space<hbm>>
      %dma_start3A_67 = arith.constant 0 : i32
      %dma_start3A_68 = tpu.memref_slice %arg5[%arg0, %add3A_64, %dma_start3A_67] : memref<2x10240x128xf32, #tpu.memory_space<hbm>> -> memref<1x80x128xf32, #tpu.memory_space<hbm>>
      %dma_start3A_69 = tpu.memref_squeeze %dma_start3A_68 : memref<1x80x128xf32, #tpu.memory_space<hbm>> -> memref<80x128xf32, #tpu.memory_space<hbm>>
      tpu.enqueue_dma source(%arg8 : memref<80x128xf32, #tpu.memory_space<vmem>>) target(%dma_start3A_69 : memref<80x128xf32, #tpu.memory_space<hbm>>) target_semaphore(%run_scoped3A : memref<!tpu.dma_semaphore, #tpu.memory_space<semaphore_mem>>)
      %dma_wait3A = arith.constant 0 : i32
      %dma_wait3A_70 = tpu.memref_slice %arg5[%arg0, %add3A_64, %dma_wait3A] : memref<2x10240x128xf32, #tpu.memory_space<hbm>> -> memref<1x80x128xf32, #tpu.memory_space<hbm>>
      %dma_wait3A_71 = tpu.memref_squeeze %dma_wait3A_70 : memref<1x80x128xf32, #tpu.memory_space<hbm>> -> memref<80x128xf32, #tpu.memory_space<hbm>>
      %dma_wait3A_72 = arith.constant 0 : i32
      %dma_wait3A_73 = tpu.memref_slice %arg5[%arg0, %add3A_64, %dma_wait3A_72] : memref<2x10240x128xf32, #tpu.memory_space<hbm>> -> memref<1x80x128xf32, #tpu.memory_space<hbm>>
      %dma_wait3A_74 = tpu.memref_squeeze %dma_wait3A_73 : memref<1x80x128xf32, #tpu.memory_space<hbm>> -> memref<80x128xf32, #tpu.memory_space<hbm>>
      tpu.wait_dma2 semaphore(%run_scoped3A : memref<!tpu.dma_semaphore, #tpu.memory_space<semaphore_mem>>) src(%arg8 : memref<80x128xf32, #tpu.memory_space<vmem>>) dst(%dma_wait3A_74 : memref<80x128xf32, #tpu.memory_space<hbm>>)
      tpu.yield
    }) : () -> ()
    return
  }
}

#map = affine_map<(d0, d1) -> (0, 0)>
#map1 = affine_map<(d0, d1) -> (0)>
#map2 = affine_map<(d0, d1) -> (0, 0, 0)>
module attributes {stable_mosaic.version = 14 : i64} {
  func.func @_seg_body(%arg0: i32, %arg1: i32, %arg2: memref<10240x128xf32, #tpu.memory_space<hbm>>, %arg3: memref<320000xi32, #tpu.memory_space<hbm>>, %arg4: memref<320000xi32, #tpu.memory_space<hbm>>, %arg5: memref<2x10240x128xf32, #tpu.memory_space<hbm>>, %arg6: memref<80xi32, #tpu.memory_space<vmem>>, %arg7: memref<80xi32, #tpu.memory_space<vmem>>, %arg8: memref<80x128xf32, #tpu.memory_space<vmem>>, %arg9: memref<10240x128xf32, #tpu.memory_space<vmem_shared>>, %arg10: memref<!tpu.dma_semaphore, #tpu.memory_space<semaphore_mem>>) attributes {dimension_semantics = [#tpu.dimension_semantics<core_parallel>, #tpu.dimension_semantics<subcore_parallel>], iteration_bounds = array<i64: 2, 16>, scalar_prefetch = 0 : i64, scratch_operands = 5 : i64, tpu.core_type = #tpu.core_type<sc_vector_subcore>, window_params = [{transform_indices = #map}, {transform_indices = #map1}, {transform_indices = #map1}, {transform_indices = #map2}]} {
    %mul3A = arith.constant 2 : i32
    %mul3A_0 = arith.muli %arg1, %mul3A : i32
    %add3A = arith.addi %mul3A_0, %arg0 : i32
    %mul3A_1 = arith.constant 640 : i32
    %mul3A_2 = arith.muli %arg1, %mul3A_1 : i32
    %scan3A = arith.constant 0 : i32
    %scan3A_3 = arith.constant 0 : i32
    %scan3A_4 = arith.constant 80 : i32
    %scan3A_5 = arith.addi %scan3A_3, %scan3A_4 : i32
    %scan3A_6 = arith.constant 1 : i32
    scf.for %scan3A_65 = %scan3A_3 to %scan3A_5 step %scan3A_6  : i32 {
      %broadcast_in_dim3A = arith.constant 0.000000e+00 : f32
      %broadcast_in_dim3A_66 = vector.broadcast %broadcast_in_dim3A : f32 to vector<16xf32>
      %swap3A = arith.index_cast %scan3A_65 : i32 to index
      %swap3A_67 = arith.constant 0 : index
      %swap3A_68 = tpu.vector_load %arg8[%swap3A, %swap3A_67] {strides = array<i32>} : memref<80x128xf32, #tpu.memory_space<vmem>>, vector<16xf32>,
      tpu.vector_store %arg8[%swap3A, %swap3A_67], %broadcast_in_dim3A_66 {strides = array<i32>} : memref<80x128xf32, #tpu.memory_space<vmem>>, vector<16xf32>,
      %broadcast_in_dim3A_69 = arith.constant 0.000000e+00 : f32
      %broadcast_in_dim3A_70 = vector.broadcast %broadcast_in_dim3A_69 : f32 to vector<16xf32>
      %swap3A_71 = arith.index_cast %scan3A_65 : i32 to index
      %swap3A_72 = arith.constant 16 : index
      %swap3A_73 = tpu.vector_load %arg8[%swap3A_71, %swap3A_72] {strides = array<i32>} : memref<80x128xf32, #tpu.memory_space<vmem>>, vector<16xf32>,
      tpu.vector_store %arg8[%swap3A_71, %swap3A_72], %broadcast_in_dim3A_70 {strides = array<i32>} : memref<80x128xf32, #tpu.memory_space<vmem>>, vector<16xf32>,
      %broadcast_in_dim3A_74 = arith.constant 0.000000e+00 : f32
      %broadcast_in_dim3A_75 = vector.broadcast %broadcast_in_dim3A_74 : f32 to vector<16xf32>
      %swap3A_76 = arith.index_cast %scan3A_65 : i32 to index
      %swap3A_77 = arith.constant 32 : index
      %swap3A_78 = tpu.vector_load %arg8[%swap3A_76, %swap3A_77] {strides = array<i32>} : memref<80x128xf32, #tpu.memory_space<vmem>>, vector<16xf32>,
      tpu.vector_store %arg8[%swap3A_76, %swap3A_77], %broadcast_in_dim3A_75 {strides = array<i32>} : memref<80x128xf32, #tpu.memory_space<vmem>>, vector<16xf32>,
      %broadcast_in_dim3A_79 = arith.constant 0.000000e+00 : f32
      %broadcast_in_dim3A_80 = vector.broadcast %broadcast_in_dim3A_79 : f32 to vector<16xf32>
      %swap3A_81 = arith.index_cast %scan3A_65 : i32 to index
      %swap3A_82 = arith.constant 48 : index
      %swap3A_83 = tpu.vector_load %arg8[%swap3A_81, %swap3A_82] {strides = array<i32>} : memref<80x128xf32, #tpu.memory_space<vmem>>, vector<16xf32>,
      tpu.vector_store %arg8[%swap3A_81, %swap3A_82], %broadcast_in_dim3A_80 {strides = array<i32>} : memref<80x128xf32, #tpu.memory_space<vmem>>, vector<16xf32>,
      %broadcast_in_dim3A_84 = arith.constant 0.000000e+00 : f32
      %broadcast_in_dim3A_85 = vector.broadcast %broadcast_in_dim3A_84 : f32 to vector<16xf32>
      %swap3A_86 = arith.index_cast %scan3A_65 : i32 to index
      %swap3A_87 = arith.constant 64 : index
      %swap3A_88 = tpu.vector_load %arg8[%swap3A_86, %swap3A_87] {strides = array<i32>} : memref<80x128xf32, #tpu.memory_space<vmem>>, vector<16xf32>,
      tpu.vector_store %arg8[%swap3A_86, %swap3A_87], %broadcast_in_dim3A_85 {strides = array<i32>} : memref<80x128xf32, #tpu.memory_space<vmem>>, vector<16xf32>,
      %broadcast_in_dim3A_89 = arith.constant 0.000000e+00 : f32
      %broadcast_in_dim3A_90 = vector.broadcast %broadcast_in_dim3A_89 : f32 to vector<16xf32>
      %swap3A_91 = arith.index_cast %scan3A_65 : i32 to index
      %swap3A_92 = arith.constant 80 : index
      %swap3A_93 = tpu.vector_load %arg8[%swap3A_91, %swap3A_92] {strides = array<i32>} : memref<80x128xf32, #tpu.memory_space<vmem>>, vector<16xf32>,
      tpu.vector_store %arg8[%swap3A_91, %swap3A_92], %broadcast_in_dim3A_90 {strides = array<i32>} : memref<80x128xf32, #tpu.memory_space<vmem>>, vector<16xf32>,
      %broadcast_in_dim3A_94 = arith.constant 0.000000e+00 : f32
      %broadcast_in_dim3A_95 = vector.broadcast %broadcast_in_dim3A_94 : f32 to vector<16xf32>
      %swap3A_96 = arith.index_cast %scan3A_65 : i32 to index
      %swap3A_97 = arith.constant 96 : index
      %swap3A_98 = tpu.vector_load %arg8[%swap3A_96, %swap3A_97] {strides = array<i32>} : memref<80x128xf32, #tpu.memory_space<vmem>>, vector<16xf32>,
      tpu.vector_store %arg8[%swap3A_96, %swap3A_97], %broadcast_in_dim3A_95 {strides = array<i32>} : memref<80x128xf32, #tpu.memory_space<vmem>>, vector<16xf32>,
      %broadcast_in_dim3A_99 = arith.constant 0.000000e+00 : f32
      %broadcast_in_dim3A_100 = vector.broadcast %broadcast_in_dim3A_99 : f32 to vector<16xf32>
      %swap3A_101 = arith.index_cast %scan3A_65 : i32 to index
      %swap3A_102 = arith.constant 112 : index
      %swap3A_103 = tpu.vector_load %arg8[%swap3A_101, %swap3A_102] {strides = array<i32>} : memref<80x128xf32, #tpu.memory_space<vmem>>, vector<16xf32>,
      tpu.vector_store %arg8[%swap3A_101, %swap3A_102], %broadcast_in_dim3A_100 {strides = array<i32>} : memref<80x128xf32, #tpu.memory_space<vmem>>, vector<16xf32>,
    }
    %scan3A_7 = arith.constant 80 : i32
    %add3A_8 = arith.constant 0 : i32
    %add3A_9 = arith.addi %mul3A_2, %add3A_8 : i32
    "tpu.region"() ({
      %run_scoped3A = tpu.sem_alloc : memref<!tpu.dma_semaphore, #tpu.memory_space<semaphore_mem>>
      %dma_start3A = arith.constant 0 : i32
      %dma_start3A_65 = tpu.memref_slice %arg9[%add3A_9, %dma_start3A] : memref<10240x128xf32, #tpu.memory_space<vmem_shared>> -> memref<80x128xf32, #tpu.memory_space<vmem_shared>>
      %dma_start3A_66 = arith.constant 0 : i32
      %dma_start3A_67 = tpu.memref_slice %arg9[%add3A_9, %dma_start3A_66] : memref<10240x128xf32, #tpu.memory_space<vmem_shared>> -> memref<80x128xf32, #tpu.memory_space<vmem_shared>>
      tpu.enqueue_dma source(%arg8 : memref<80x128xf32, #tpu.memory_space<vmem>>) target(%dma_start3A_67 : memref<80x128xf32, #tpu.memory_space<vmem_shared>>) target_semaphore(%run_scoped3A : memref<!tpu.dma_semaphore, #tpu.memory_space<semaphore_mem>>)
      %dma_wait3A = arith.constant 0 : i32
      %dma_wait3A_68 = tpu.memref_slice %arg9[%add3A_9, %dma_wait3A] : memref<10240x128xf32, #tpu.memory_space<vmem_shared>> -> memref<80x128xf32, #tpu.memory_space<vmem_shared>>
      %dma_wait3A_69 = arith.constant 0 : i32
      %dma_wait3A_70 = tpu.memref_slice %arg9[%add3A_9, %dma_wait3A_69] : memref<10240x128xf32, #tpu.memory_space<vmem_shared>> -> memref<80x128xf32, #tpu.memory_space<vmem_shared>>
      tpu.wait_dma2 semaphore(%run_scoped3A : memref<!tpu.dma_semaphore, #tpu.memory_space<semaphore_mem>>) src(%arg8 : memref<80x128xf32, #tpu.memory_space<vmem>>) dst(%dma_wait3A_70 : memref<80x128xf32, #tpu.memory_space<vmem_shared>>)
      tpu.yield
    }) : () -> ()
    %add3A_10 = arith.constant 80 : i32
    %add3A_11 = arith.addi %mul3A_2, %add3A_10 : i32
    "tpu.region"() ({
      %run_scoped3A = tpu.sem_alloc : memref<!tpu.dma_semaphore, #tpu.memory_space<semaphore_mem>>
      %dma_start3A = arith.constant 0 : i32
      %dma_start3A_65 = tpu.memref_slice %arg9[%add3A_11, %dma_start3A] : memref<10240x128xf32, #tpu.memory_space<vmem_shared>> -> memref<80x128xf32, #tpu.memory_space<vmem_shared>>
      %dma_start3A_66 = arith.constant 0 : i32
      %dma_start3A_67 = tpu.memref_slice %arg9[%add3A_11, %dma_start3A_66] : memref<10240x128xf32, #tpu.memory_space<vmem_shared>> -> memref<80x128xf32, #tpu.memory_space<vmem_shared>>
      tpu.enqueue_dma source(%arg8 : memref<80x128xf32, #tpu.memory_space<vmem>>) target(%dma_start3A_67 : memref<80x128xf32, #tpu.memory_space<vmem_shared>>) target_semaphore(%run_scoped3A : memref<!tpu.dma_semaphore, #tpu.memory_space<semaphore_mem>>)
      %dma_wait3A = arith.constant 0 : i32
      %dma_wait3A_68 = tpu.memref_slice %arg9[%add3A_11, %dma_wait3A] : memref<10240x128xf32, #tpu.memory_space<vmem_shared>> -> memref<80x128xf32, #tpu.memory_space<vmem_shared>>
      %dma_wait3A_69 = arith.constant 0 : i32
      %dma_wait3A_70 = tpu.memref_slice %arg9[%add3A_11, %dma_wait3A_69] : memref<10240x128xf32, #tpu.memory_space<vmem_shared>> -> memref<80x128xf32, #tpu.memory_space<vmem_shared>>
      tpu.wait_dma2 semaphore(%run_scoped3A : memref<!tpu.dma_semaphore, #tpu.memory_space<semaphore_mem>>) src(%arg8 : memref<80x128xf32, #tpu.memory_space<vmem>>) dst(%dma_wait3A_70 : memref<80x128xf32, #tpu.memory_space<vmem_shared>>)
      tpu.yield
    }) : () -> ()
    %add3A_12 = arith.constant 160 : i32
    %add3A_13 = arith.addi %mul3A_2, %add3A_12 : i32
    "tpu.region"() ({
      %run_scoped3A = tpu.sem_alloc : memref<!tpu.dma_semaphore, #tpu.memory_space<semaphore_mem>>
      %dma_start3A = arith.constant 0 : i32
      %dma_start3A_65 = tpu.memref_slice %arg9[%add3A_13, %dma_start3A] : memref<10240x128xf32, #tpu.memory_space<vmem_shared>> -> memref<80x128xf32, #tpu.memory_space<vmem_shared>>
      %dma_start3A_66 = arith.constant 0 : i32
      %dma_start3A_67 = tpu.memref_slice %arg9[%add3A_13, %dma_start3A_66] : memref<10240x128xf32, #tpu.memory_space<vmem_shared>> -> memref<80x128xf32, #tpu.memory_space<vmem_shared>>
      tpu.enqueue_dma source(%arg8 : memref<80x128xf32, #tpu.memory_space<vmem>>) target(%dma_start3A_67 : memref<80x128xf32, #tpu.memory_space<vmem_shared>>) target_semaphore(%run_scoped3A : memref<!tpu.dma_semaphore, #tpu.memory_space<semaphore_mem>>)
      %dma_wait3A = arith.constant 0 : i32
      %dma_wait3A_68 = tpu.memref_slice %arg9[%add3A_13, %dma_wait3A] : memref<10240x128xf32, #tpu.memory_space<vmem_shared>> -> memref<80x128xf32, #tpu.memory_space<vmem_shared>>
      %dma_wait3A_69 = arith.constant 0 : i32
      %dma_wait3A_70 = tpu.memref_slice %arg9[%add3A_13, %dma_wait3A_69] : memref<10240x128xf32, #tpu.memory_space<vmem_shared>> -> memref<80x128xf32, #tpu.memory_space<vmem_shared>>
      tpu.wait_dma2 semaphore(%run_scoped3A : memref<!tpu.dma_semaphore, #tpu.memory_space<semaphore_mem>>) src(%arg8 : memref<80x128xf32, #tpu.memory_space<vmem>>) dst(%dma_wait3A_70 : memref<80x128xf32, #tpu.memory_space<vmem_shared>>)
      tpu.yield
    }) : () -> ()
    %add3A_14 = arith.constant 240 : i32
    %add3A_15 = arith.addi %mul3A_2, %add3A_14 : i32
    "tpu.region"() ({
      %run_scoped3A = tpu.sem_alloc : memref<!tpu.dma_semaphore, #tpu.memory_space<semaphore_mem>>
      %dma_start3A = arith.constant 0 : i32
      %dma_start3A_65 = tpu.memref_slice %arg9[%add3A_15, %dma_start3A] : memref<10240x128xf32, #tpu.memory_space<vmem_shared>> -> memref<80x128xf32, #tpu.memory_space<vmem_shared>>
      %dma_start3A_66 = arith.constant 0 : i32
      %dma_start3A_67 = tpu.memref_slice %arg9[%add3A_15, %dma_start3A_66] : memref<10240x128xf32, #tpu.memory_space<vmem_shared>> -> memref<80x128xf32, #tpu.memory_space<vmem_shared>>
      tpu.enqueue_dma source(%arg8 : memref<80x128xf32, #tpu.memory_space<vmem>>) target(%dma_start3A_67 : memref<80x128xf32, #tpu.memory_space<vmem_shared>>) target_semaphore(%run_scoped3A : memref<!tpu.dma_semaphore, #tpu.memory_space<semaphore_mem>>)
      %dma_wait3A = arith.constant 0 : i32
      %dma_wait3A_68 = tpu.memref_slice %arg9[%add3A_15, %dma_wait3A] : memref<10240x128xf32, #tpu.memory_space<vmem_shared>> -> memref<80x128xf32, #tpu.memory_space<vmem_shared>>
      %dma_wait3A_69 = arith.constant 0 : i32
      %dma_wait3A_70 = tpu.memref_slice %arg9[%add3A_15, %dma_wait3A_69] : memref<10240x128xf32, #tpu.memory_space<vmem_shared>> -> memref<80x128xf32, #tpu.memory_space<vmem_shared>>
      tpu.wait_dma2 semaphore(%run_scoped3A : memref<!tpu.dma_semaphore, #tpu.memory_space<semaphore_mem>>) src(%arg8 : memref<80x128xf32, #tpu.memory_space<vmem>>) dst(%dma_wait3A_70 : memref<80x128xf32, #tpu.memory_space<vmem_shared>>)
      tpu.yield
    }) : () -> ()
    %add3A_16 = arith.constant 320 : i32
    %add3A_17 = arith.addi %mul3A_2, %add3A_16 : i32
    "tpu.region"() ({
      %run_scoped3A = tpu.sem_alloc : memref<!tpu.dma_semaphore, #tpu.memory_space<semaphore_mem>>
      %dma_start3A = arith.constant 0 : i32
      %dma_start3A_65 = tpu.memref_slice %arg9[%add3A_17, %dma_start3A] : memref<10240x128xf32, #tpu.memory_space<vmem_shared>> -> memref<80x128xf32, #tpu.memory_space<vmem_shared>>
      %dma_start3A_66 = arith.constant 0 : i32
      %dma_start3A_67 = tpu.memref_slice %arg9[%add3A_17, %dma_start3A_66] : memref<10240x128xf32, #tpu.memory_space<vmem_shared>> -> memref<80x128xf32, #tpu.memory_space<vmem_shared>>
      tpu.enqueue_dma source(%arg8 : memref<80x128xf32, #tpu.memory_space<vmem>>) target(%dma_start3A_67 : memref<80x128xf32, #tpu.memory_space<vmem_shared>>) target_semaphore(%run_scoped3A : memref<!tpu.dma_semaphore, #tpu.memory_space<semaphore_mem>>)
      %dma_wait3A = arith.constant 0 : i32
      %dma_wait3A_68 = tpu.memref_slice %arg9[%add3A_17, %dma_wait3A] : memref<10240x128xf32, #tpu.memory_space<vmem_shared>> -> memref<80x128xf32, #tpu.memory_space<vmem_shared>>
      %dma_wait3A_69 = arith.constant 0 : i32
      %dma_wait3A_70 = tpu.memref_slice %arg9[%add3A_17, %dma_wait3A_69] : memref<10240x128xf32, #tpu.memory_space<vmem_shared>> -> memref<80x128xf32, #tpu.memory_space<vmem_shared>>
      tpu.wait_dma2 semaphore(%run_scoped3A : memref<!tpu.dma_semaphore, #tpu.memory_space<semaphore_mem>>) src(%arg8 : memref<80x128xf32, #tpu.memory_space<vmem>>) dst(%dma_wait3A_70 : memref<80x128xf32, #tpu.memory_space<vmem_shared>>)
      tpu.yield
    }) : () -> ()
    %add3A_18 = arith.constant 400 : i32
    %add3A_19 = arith.addi %mul3A_2, %add3A_18 : i32
    "tpu.region"() ({
      %run_scoped3A = tpu.sem_alloc : memref<!tpu.dma_semaphore, #tpu.memory_space<semaphore_mem>>
      %dma_start3A = arith.constant 0 : i32
      %dma_start3A_65 = tpu.memref_slice %arg9[%add3A_19, %dma_start3A] : memref<10240x128xf32, #tpu.memory_space<vmem_shared>> -> memref<80x128xf32, #tpu.memory_space<vmem_shared>>
      %dma_start3A_66 = arith.constant 0 : i32
      %dma_start3A_67 = tpu.memref_slice %arg9[%add3A_19, %dma_start3A_66] : memref<10240x128xf32, #tpu.memory_space<vmem_shared>> -> memref<80x128xf32, #tpu.memory_space<vmem_shared>>
      tpu.enqueue_dma source(%arg8 : memref<80x128xf32, #tpu.memory_space<vmem>>) target(%dma_start3A_67 : memref<80x128xf32, #tpu.memory_space<vmem_shared>>) target_semaphore(%run_scoped3A : memref<!tpu.dma_semaphore, #tpu.memory_space<semaphore_mem>>)
      %dma_wait3A = arith.constant 0 : i32
      %dma_wait3A_68 = tpu.memref_slice %arg9[%add3A_19, %dma_wait3A] : memref<10240x128xf32, #tpu.memory_space<vmem_shared>> -> memref<80x128xf32, #tpu.memory_space<vmem_shared>>
      %dma_wait3A_69 = arith.constant 0 : i32
      %dma_wait3A_70 = tpu.memref_slice %arg9[%add3A_19, %dma_wait3A_69] : memref<10240x128xf32, #tpu.memory_space<vmem_shared>> -> memref<80x128xf32, #tpu.memory_space<vmem_shared>>
      tpu.wait_dma2 semaphore(%run_scoped3A : memref<!tpu.dma_semaphore, #tpu.memory_space<semaphore_mem>>) src(%arg8 : memref<80x128xf32, #tpu.memory_space<vmem>>) dst(%dma_wait3A_70 : memref<80x128xf32, #tpu.memory_space<vmem_shared>>)
      tpu.yield
    }) : () -> ()
    %add3A_20 = arith.constant 480 : i32
    %add3A_21 = arith.addi %mul3A_2, %add3A_20 : i32
    "tpu.region"() ({
      %run_scoped3A = tpu.sem_alloc : memref<!tpu.dma_semaphore, #tpu.memory_space<semaphore_mem>>
      %dma_start3A = arith.constant 0 : i32
      %dma_start3A_65 = tpu.memref_slice %arg9[%add3A_21, %dma_start3A] : memref<10240x128xf32, #tpu.memory_space<vmem_shared>> -> memref<80x128xf32, #tpu.memory_space<vmem_shared>>
      %dma_start3A_66 = arith.constant 0 : i32
      %dma_start3A_67 = tpu.memref_slice %arg9[%add3A_21, %dma_start3A_66] : memref<10240x128xf32, #tpu.memory_space<vmem_shared>> -> memref<80x128xf32, #tpu.memory_space<vmem_shared>>
      tpu.enqueue_dma source(%arg8 : memref<80x128xf32, #tpu.memory_space<vmem>>) target(%dma_start3A_67 : memref<80x128xf32, #tpu.memory_space<vmem_shared>>) target_semaphore(%run_scoped3A : memref<!tpu.dma_semaphore, #tpu.memory_space<semaphore_mem>>)
      %dma_wait3A = arith.constant 0 : i32
      %dma_wait3A_68 = tpu.memref_slice %arg9[%add3A_21, %dma_wait3A] : memref<10240x128xf32, #tpu.memory_space<vmem_shared>> -> memref<80x128xf32, #tpu.memory_space<vmem_shared>>
      %dma_wait3A_69 = arith.constant 0 : i32
      %dma_wait3A_70 = tpu.memref_slice %arg9[%add3A_21, %dma_wait3A_69] : memref<10240x128xf32, #tpu.memory_space<vmem_shared>> -> memref<80x128xf32, #tpu.memory_space<vmem_shared>>
      tpu.wait_dma2 semaphore(%run_scoped3A : memref<!tpu.dma_semaphore, #tpu.memory_space<semaphore_mem>>) src(%arg8 : memref<80x128xf32, #tpu.memory_space<vmem>>) dst(%dma_wait3A_70 : memref<80x128xf32, #tpu.memory_space<vmem_shared>>)
      tpu.yield
    }) : () -> ()
    %add3A_22 = arith.constant 560 : i32
    %add3A_23 = arith.addi %mul3A_2, %add3A_22 : i32
    "tpu.region"() ({
      %run_scoped3A = tpu.sem_alloc : memref<!tpu.dma_semaphore, #tpu.memory_space<semaphore_mem>>
      %dma_start3A = arith.constant 0 : i32
      %dma_start3A_65 = tpu.memref_slice %arg9[%add3A_23, %dma_start3A] : memref<10240x128xf32, #tpu.memory_space<vmem_shared>> -> memref<80x128xf32, #tpu.memory_space<vmem_shared>>
      %dma_start3A_66 = arith.constant 0 : i32
      %dma_start3A_67 = tpu.memref_slice %arg9[%add3A_23, %dma_start3A_66] : memref<10240x128xf32, #tpu.memory_space<vmem_shared>> -> memref<80x128xf32, #tpu.memory_space<vmem_shared>>
      tpu.enqueue_dma source(%arg8 : memref<80x128xf32, #tpu.memory_space<vmem>>) target(%dma_start3A_67 : memref<80x128xf32, #tpu.memory_space<vmem_shared>>) target_semaphore(%run_scoped3A : memref<!tpu.dma_semaphore, #tpu.memory_space<semaphore_mem>>)
      %dma_wait3A = arith.constant 0 : i32
      %dma_wait3A_68 = tpu.memref_slice %arg9[%add3A_23, %dma_wait3A] : memref<10240x128xf32, #tpu.memory_space<vmem_shared>> -> memref<80x128xf32, #tpu.memory_space<vmem_shared>>
      %dma_wait3A_69 = arith.constant 0 : i32
      %dma_wait3A_70 = tpu.memref_slice %arg9[%add3A_23, %dma_wait3A_69] : memref<10240x128xf32, #tpu.memory_space<vmem_shared>> -> memref<80x128xf32, #tpu.memory_space<vmem_shared>>
      tpu.wait_dma2 semaphore(%run_scoped3A : memref<!tpu.dma_semaphore, #tpu.memory_space<semaphore_mem>>) src(%arg8 : memref<80x128xf32, #tpu.memory_space<vmem>>) dst(%dma_wait3A_70 : memref<80x128xf32, #tpu.memory_space<vmem_shared>>)
      tpu.yield
    }) : () -> ()
    %barrier3A = arith.constant 0 : index
    tpu.barrier barrier_id(%barrier3A)
    %mul3A_24 = arith.constant 10000 : i32
    %mul3A_25 = arith.muli %add3A, %mul3A_24 : i32
    %scan3A_26 = arith.constant 0 : i32
    %scan3A_27 = arith.constant 0 : i32
    %scan3A_28 = arith.constant 125 : i32
    %scan3A_29 = arith.addi %scan3A_27, %scan3A_28 : i32
    %scan3A_30 = arith.constant 1 : i32
    scf.for %scan3A_65 = %scan3A_27 to %scan3A_29 step %scan3A_30  : i32 {
      %mul3A_66 = arith.constant 80 : i32
      %mul3A_67 = arith.muli %scan3A_65, %mul3A_66 : i32
      %add3A_68 = arith.addi %mul3A_25, %mul3A_67 : i32
      %multiple_of3A = tpu.assume_multiple %add3A_68, 8 : i32
      "tpu.region"() ({
        %run_scoped3A = tpu.sem_alloc : memref<!tpu.dma_semaphore, #tpu.memory_space<semaphore_mem>>
        %dma_start3A_73 = tpu.memref_slice %arg3[%multiple_of3A] : memref<320000xi32, #tpu.memory_space<hbm>> -> memref<80xi32, #tpu.memory_space<hbm>>
        %dma_start3A_74 = tpu.memref_slice %arg3[%multiple_of3A] : memref<320000xi32, #tpu.memory_space<hbm>> -> memref<80xi32, #tpu.memory_space<hbm>>
        tpu.enqueue_dma source(%dma_start3A_74 : memref<80xi32, #tpu.memory_space<hbm>>) target(%arg6 : memref<80xi32, #tpu.memory_space<vmem>>) target_semaphore(%run_scoped3A : memref<!tpu.dma_semaphore, #tpu.memory_space<semaphore_mem>>)
        %dma_wait3A_75 = tpu.memref_slice %arg3[%multiple_of3A] : memref<320000xi32, #tpu.memory_space<hbm>> -> memref<80xi32, #tpu.memory_space<hbm>>
        %dma_wait3A_76 = tpu.memref_slice %arg3[%multiple_of3A] : memref<320000xi32, #tpu.memory_space<hbm>> -> memref<80xi32, #tpu.memory_space<hbm>>
        tpu.wait_dma2 semaphore(%run_scoped3A : memref<!tpu.dma_semaphore, #tpu.memory_space<semaphore_mem>>) src(%dma_wait3A_76 : memref<80xi32, #tpu.memory_space<hbm>>) dst(%arg6 : memref<80xi32, #tpu.memory_space<vmem>>)
        tpu.yield
      }) : () -> ()
      "tpu.region"() ({
        %run_scoped3A = tpu.sem_alloc : memref<!tpu.dma_semaphore, #tpu.memory_space<semaphore_mem>>
        %dma_start3A_73 = tpu.memref_slice %arg4[%multiple_of3A] : memref<320000xi32, #tpu.memory_space<hbm>> -> memref<80xi32, #tpu.memory_space<hbm>>
        %dma_start3A_74 = tpu.memref_slice %arg4[%multiple_of3A] : memref<320000xi32, #tpu.memory_space<hbm>> -> memref<80xi32, #tpu.memory_space<hbm>>
        tpu.enqueue_dma source(%dma_start3A_74 : memref<80xi32, #tpu.memory_space<hbm>>) target(%arg7 : memref<80xi32, #tpu.memory_space<vmem>>) target_semaphore(%run_scoped3A : memref<!tpu.dma_semaphore, #tpu.memory_space<semaphore_mem>>)
        %dma_wait3A_75 = tpu.memref_slice %arg4[%multiple_of3A] : memref<320000xi32, #tpu.memory_space<hbm>> -> memref<80xi32, #tpu.memory_space<hbm>>
        %dma_wait3A_76 = tpu.memref_slice %arg4[%multiple_of3A] : memref<320000xi32, #tpu.memory_space<hbm>> -> memref<80xi32, #tpu.memory_space<hbm>>
        tpu.wait_dma2 semaphore(%run_scoped3A : memref<!tpu.dma_semaphore, #tpu.memory_space<semaphore_mem>>) src(%dma_wait3A_76 : memref<80xi32, #tpu.memory_space<hbm>>) dst(%arg7 : memref<80xi32, #tpu.memory_space<vmem>>)
        tpu.yield
      }) : () -> ()
      %dma_start3A = arith.constant 0 : i32
      %dma_start3A_69 = arith.constant 0 : i32
      %dma_start3A_70 = tpu.memref_slice %arg2[%dma_start3A, %dma_start3A_69] : memref<10240x128xf32, #tpu.memory_space<hbm>> -> memref<10240x128xf32, #tpu.memory_space<hbm>>
      tpu.enqueue_indirect_dma source(%dma_start3A_70 : memref<10240x128xf32, #tpu.memory_space<hbm>>) target(%arg8 : memref<80x128xf32, #tpu.memory_space<vmem>>) offsets(%arg6 : memref<80xi32, #tpu.memory_space<vmem>>) semaphore(%arg10 : memref<!tpu.dma_semaphore, #tpu.memory_space<semaphore_mem>>)
      %dma_wait3A = arith.constant 0 : i32
      %dma_wait3A_71 = arith.constant 0 : i32
      %dma_wait3A_72 = tpu.memref_slice %arg2[%dma_wait3A, %dma_wait3A_71] : memref<10240x128xf32, #tpu.memory_space<hbm>> -> memref<10240x128xf32, #tpu.memory_space<hbm>>
      tpu.wait_indirect_dma semaphore(%arg10 : memref<!tpu.dma_semaphore, #tpu.memory_space<semaphore_mem>>) src(%dma_wait3A_72 : memref<10240x128xf32, #tpu.memory_space<hbm>>) dst(%arg8 : memref<80x128xf32, #tpu.memory_space<vmem>>)
      "tpu.region"() ({
        %run_scoped3A = tpu.sem_alloc : memref<!tpu.dma_semaphore, #tpu.memory_space<semaphore_mem>>
        %dma_start3A_73 = arith.constant 0 : i32
        %dma_start3A_74 = arith.constant 0 : i32
        %dma_start3A_75 = tpu.memref_slice %arg9[%dma_start3A_73, %dma_start3A_74] : memref<10240x128xf32, #tpu.memory_space<vmem_shared>> -> memref<10240x128xf32, #tpu.memory_space<vmem_shared>>
        tpu.enqueue_indirect_dma source(%arg8 : memref<80x128xf32, #tpu.memory_space<vmem>>) target(%dma_start3A_75 : memref<10240x128xf32, #tpu.memory_space<vmem_shared>>) offsets(%arg7 : memref<80xi32, #tpu.memory_space<vmem>>) semaphore(%run_scoped3A : memref<!tpu.dma_semaphore, #tpu.memory_space<semaphore_mem>>) {add = true}
        %dma_wait3A_76 = arith.constant 0 : i32
        %dma_wait3A_77 = arith.constant 0 : i32
        %dma_wait3A_78 = tpu.memref_slice %arg9[%dma_wait3A_76, %dma_wait3A_77] : memref<10240x128xf32, #tpu.memory_space<vmem_shared>> -> memref<10240x128xf32, #tpu.memory_space<vmem_shared>>
        tpu.wait_indirect_dma semaphore(%run_scoped3A : memref<!tpu.dma_semaphore, #tpu.memory_space<semaphore_mem>>) src(%arg8 : memref<80x128xf32, #tpu.memory_space<vmem>>) dst(%dma_wait3A_78 : memref<10240x128xf32, #tpu.memory_space<vmem_shared>>)
        tpu.yield
      }) : () -> ()
    }
    %scan3A_31 = arith.constant 125 : i32
    %barrier3A_32 = arith.constant 0 : index
    tpu.barrier barrier_id(%barrier3A_32)
    %add3A_33 = arith.constant 0 : i32
    %add3A_34 = arith.addi %mul3A_2, %add3A_33 : i32
    "tpu.region"() ({
      %run_scoped3A = tpu.sem_alloc : memref<!tpu.dma_semaphore, #tpu.memory_space<semaphore_mem>>
      %dma_start3A = arith.constant 0 : i32
      %dma_start3A_65 = tpu.memref_slice %arg9[%add3A_34, %dma_start3A] : memref<10240x128xf32, #tpu.memory_space<vmem_shared>> -> memref<80x128xf32, #tpu.memory_space<vmem_shared>>
      %dma_start3A_66 = arith.constant 0 : i32
      %dma_start3A_67 = tpu.memref_slice %arg9[%add3A_34, %dma_start3A_66] : memref<10240x128xf32, #tpu.memory_space<vmem_shared>> -> memref<80x128xf32, #tpu.memory_space<vmem_shared>>
      tpu.enqueue_dma source(%dma_start3A_67 : memref<80x128xf32, #tpu.memory_space<vmem_shared>>) target(%arg8 : memref<80x128xf32, #tpu.memory_space<vmem>>) target_semaphore(%run_scoped3A : memref<!tpu.dma_semaphore, #tpu.memory_space<semaphore_mem>>)
      %dma_wait3A = arith.constant 0 : i32
      %dma_wait3A_68 = tpu.memref_slice %arg9[%add3A_34, %dma_wait3A] : memref<10240x128xf32, #tpu.memory_space<vmem_shared>> -> memref<80x128xf32, #tpu.memory_space<vmem_shared>>
      %dma_wait3A_69 = arith.constant 0 : i32
      %dma_wait3A_70 = tpu.memref_slice %arg9[%add3A_34, %dma_wait3A_69] : memref<10240x128xf32, #tpu.memory_space<vmem_shared>> -> memref<80x128xf32, #tpu.memory_space<vmem_shared>>
      tpu.wait_dma2 semaphore(%run_scoped3A : memref<!tpu.dma_semaphore, #tpu.memory_space<semaphore_mem>>) src(%dma_wait3A_70 : memref<80x128xf32, #tpu.memory_space<vmem_shared>>) dst(%arg8 : memref<80x128xf32, #tpu.memory_space<vmem>>)
      tpu.yield
    }) : () -> ()
    %add3A_35 = arith.constant 0 : i32
    %add3A_36 = arith.addi %mul3A_2, %add3A_35 : i32
    "tpu.region"() ({
      %run_scoped3A = tpu.sem_alloc : memref<!tpu.dma_semaphore, #tpu.memory_space<semaphore_mem>>
      %dma_start3A = arith.constant 0 : i32
      %dma_start3A_65 = tpu.memref_slice %arg5[%arg0, %add3A_36, %dma_start3A] : memref<2x10240x128xf32, #tpu.memory_space<hbm>> -> memref<1x80x128xf32, #tpu.memory_space<hbm>>
      %dma_start3A_66 = tpu.memref_squeeze %dma_start3A_65 : memref<1x80x128xf32, #tpu.memory_space<hbm>> -> memref<80x128xf32, #tpu.memory_space<hbm>>
      %dma_start3A_67 = arith.constant 0 : i32
      %dma_start3A_68 = tpu.memref_slice %arg5[%arg0, %add3A_36, %dma_start3A_67] : memref<2x10240x128xf32, #tpu.memory_space<hbm>> -> memref<1x80x128xf32, #tpu.memory_space<hbm>>
      %dma_start3A_69 = tpu.memref_squeeze %dma_start3A_68 : memref<1x80x128xf32, #tpu.memory_space<hbm>> -> memref<80x128xf32, #tpu.memory_space<hbm>>
      tpu.enqueue_dma source(%arg8 : memref<80x128xf32, #tpu.memory_space<vmem>>) target(%dma_start3A_69 : memref<80x128xf32, #tpu.memory_space<hbm>>) target_semaphore(%run_scoped3A : memref<!tpu.dma_semaphore, #tpu.memory_space<semaphore_mem>>)
      %dma_wait3A = arith.constant 0 : i32
      %dma_wait3A_70 = tpu.memref_slice %arg5[%arg0, %add3A_36, %dma_wait3A] : memref<2x10240x128xf32, #tpu.memory_space<hbm>> -> memref<1x80x128xf32, #tpu.memory_space<hbm>>
      %dma_wait3A_71 = tpu.memref_squeeze %dma_wait3A_70 : memref<1x80x128xf32, #tpu.memory_space<hbm>> -> memref<80x128xf32, #tpu.memory_space<hbm>>
      %dma_wait3A_72 = arith.constant 0 : i32
      %dma_wait3A_73 = tpu.memref_slice %arg5[%arg0, %add3A_36, %dma_wait3A_72] : memref<2x10240x128xf32, #tpu.memory_space<hbm>> -> memref<1x80x128xf32, #tpu.memory_space<hbm>>
      %dma_wait3A_74 = tpu.memref_squeeze %dma_wait3A_73 : memref<1x80x128xf32, #tpu.memory_space<hbm>> -> memref<80x128xf32, #tpu.memory_space<hbm>>
      tpu.wait_dma2 semaphore(%run_scoped3A : memref<!tpu.dma_semaphore, #tpu.memory_space<semaphore_mem>>) src(%arg8 : memref<80x128xf32, #tpu.memory_space<vmem>>) dst(%dma_wait3A_74 : memref<80x128xf32, #tpu.memory_space<hbm>>)
      tpu.yield
    }) : () -> ()
    %add3A_37 = arith.constant 80 : i32
    %add3A_38 = arith.addi %mul3A_2, %add3A_37 : i32
    "tpu.region"() ({
      %run_scoped3A = tpu.sem_alloc : memref<!tpu.dma_semaphore, #tpu.memory_space<semaphore_mem>>
      %dma_start3A = arith.constant 0 : i32
      %dma_start3A_65 = tpu.memref_slice %arg9[%add3A_38, %dma_start3A] : memref<10240x128xf32, #tpu.memory_space<vmem_shared>> -> memref<80x128xf32, #tpu.memory_space<vmem_shared>>
      %dma_start3A_66 = arith.constant 0 : i32
      %dma_start3A_67 = tpu.memref_slice %arg9[%add3A_38, %dma_start3A_66] : memref<10240x128xf32, #tpu.memory_space<vmem_shared>> -> memref<80x128xf32, #tpu.memory_space<vmem_shared>>
      tpu.enqueue_dma source(%dma_start3A_67 : memref<80x128xf32, #tpu.memory_space<vmem_shared>>) target(%arg8 : memref<80x128xf32, #tpu.memory_space<vmem>>) target_semaphore(%run_scoped3A : memref<!tpu.dma_semaphore, #tpu.memory_space<semaphore_mem>>)
      %dma_wait3A = arith.constant 0 : i32
      %dma_wait3A_68 = tpu.memref_slice %arg9[%add3A_38, %dma_wait3A] : memref<10240x128xf32, #tpu.memory_space<vmem_shared>> -> memref<80x128xf32, #tpu.memory_space<vmem_shared>>
      %dma_wait3A_69 = arith.constant 0 : i32
      %dma_wait3A_70 = tpu.memref_slice %arg9[%add3A_38, %dma_wait3A_69] : memref<10240x128xf32, #tpu.memory_space<vmem_shared>> -> memref<80x128xf32, #tpu.memory_space<vmem_shared>>
      tpu.wait_dma2 semaphore(%run_scoped3A : memref<!tpu.dma_semaphore, #tpu.memory_space<semaphore_mem>>) src(%dma_wait3A_70 : memref<80x128xf32, #tpu.memory_space<vmem_shared>>) dst(%arg8 : memref<80x128xf32, #tpu.memory_space<vmem>>)
      tpu.yield
    }) : () -> ()
    %add3A_39 = arith.constant 80 : i32
    %add3A_40 = arith.addi %mul3A_2, %add3A_39 : i32
    "tpu.region"() ({
      %run_scoped3A = tpu.sem_alloc : memref<!tpu.dma_semaphore, #tpu.memory_space<semaphore_mem>>
      %dma_start3A = arith.constant 0 : i32
      %dma_start3A_65 = tpu.memref_slice %arg5[%arg0, %add3A_40, %dma_start3A] : memref<2x10240x128xf32, #tpu.memory_space<hbm>> -> memref<1x80x128xf32, #tpu.memory_space<hbm>>
      %dma_start3A_66 = tpu.memref_squeeze %dma_start3A_65 : memref<1x80x128xf32, #tpu.memory_space<hbm>> -> memref<80x128xf32, #tpu.memory_space<hbm>>
      %dma_start3A_67 = arith.constant 0 : i32
      %dma_start3A_68 = tpu.memref_slice %arg5[%arg0, %add3A_40, %dma_start3A_67] : memref<2x10240x128xf32, #tpu.memory_space<hbm>> -> memref<1x80x128xf32, #tpu.memory_space<hbm>>
      %dma_start3A_69 = tpu.memref_squeeze %dma_start3A_68 : memref<1x80x128xf32, #tpu.memory_space<hbm>> -> memref<80x128xf32, #tpu.memory_space<hbm>>
      tpu.enqueue_dma source(%arg8 : memref<80x128xf32, #tpu.memory_space<vmem>>) target(%dma_start3A_69 : memref<80x128xf32, #tpu.memory_space<hbm>>) target_semaphore(%run_scoped3A : memref<!tpu.dma_semaphore, #tpu.memory_space<semaphore_mem>>)
      %dma_wait3A = arith.constant 0 : i32
      %dma_wait3A_70 = tpu.memref_slice %arg5[%arg0, %add3A_40, %dma_wait3A] : memref<2x10240x128xf32, #tpu.memory_space<hbm>> -> memref<1x80x128xf32, #tpu.memory_space<hbm>>
      %dma_wait3A_71 = tpu.memref_squeeze %dma_wait3A_70 : memref<1x80x128xf32, #tpu.memory_space<hbm>> -> memref<80x128xf32, #tpu.memory_space<hbm>>
      %dma_wait3A_72 = arith.constant 0 : i32
      %dma_wait3A_73 = tpu.memref_slice %arg5[%arg0, %add3A_40, %dma_wait3A_72] : memref<2x10240x128xf32, #tpu.memory_space<hbm>> -> memref<1x80x128xf32, #tpu.memory_space<hbm>>
      %dma_wait3A_74 = tpu.memref_squeeze %dma_wait3A_73 : memref<1x80x128xf32, #tpu.memory_space<hbm>> -> memref<80x128xf32, #tpu.memory_space<hbm>>
      tpu.wait_dma2 semaphore(%run_scoped3A : memref<!tpu.dma_semaphore, #tpu.memory_space<semaphore_mem>>) src(%arg8 : memref<80x128xf32, #tpu.memory_space<vmem>>) dst(%dma_wait3A_74 : memref<80x128xf32, #tpu.memory_space<hbm>>)
      tpu.yield
    }) : () -> ()
    %add3A_41 = arith.constant 160 : i32
    %add3A_42 = arith.addi %mul3A_2, %add3A_41 : i32
    "tpu.region"() ({
      %run_scoped3A = tpu.sem_alloc : memref<!tpu.dma_semaphore, #tpu.memory_space<semaphore_mem>>
      %dma_start3A = arith.constant 0 : i32
      %dma_start3A_65 = tpu.memref_slice %arg9[%add3A_42, %dma_start3A] : memref<10240x128xf32, #tpu.memory_space<vmem_shared>> -> memref<80x128xf32, #tpu.memory_space<vmem_shared>>
      %dma_start3A_66 = arith.constant 0 : i32
      %dma_start3A_67 = tpu.memref_slice %arg9[%add3A_42, %dma_start3A_66] : memref<10240x128xf32, #tpu.memory_space<vmem_shared>> -> memref<80x128xf32, #tpu.memory_space<vmem_shared>>
      tpu.enqueue_dma source(%dma_start3A_67 : memref<80x128xf32, #tpu.memory_space<vmem_shared>>) target(%arg8 : memref<80x128xf32, #tpu.memory_space<vmem>>) target_semaphore(%run_scoped3A : memref<!tpu.dma_semaphore, #tpu.memory_space<semaphore_mem>>)
      %dma_wait3A = arith.constant 0 : i32
      %dma_wait3A_68 = tpu.memref_slice %arg9[%add3A_42, %dma_wait3A] : memref<10240x128xf32, #tpu.memory_space<vmem_shared>> -> memref<80x128xf32, #tpu.memory_space<vmem_shared>>
      %dma_wait3A_69 = arith.constant 0 : i32
      %dma_wait3A_70 = tpu.memref_slice %arg9[%add3A_42, %dma_wait3A_69] : memref<10240x128xf32, #tpu.memory_space<vmem_shared>> -> memref<80x128xf32, #tpu.memory_space<vmem_shared>>
      tpu.wait_dma2 semaphore(%run_scoped3A : memref<!tpu.dma_semaphore, #tpu.memory_space<semaphore_mem>>) src(%dma_wait3A_70 : memref<80x128xf32, #tpu.memory_space<vmem_shared>>) dst(%arg8 : memref<80x128xf32, #tpu.memory_space<vmem>>)
      tpu.yield
    }) : () -> ()
    %add3A_43 = arith.constant 160 : i32
    %add3A_44 = arith.addi %mul3A_2, %add3A_43 : i32
    "tpu.region"() ({
      %run_scoped3A = tpu.sem_alloc : memref<!tpu.dma_semaphore, #tpu.memory_space<semaphore_mem>>
      %dma_start3A = arith.constant 0 : i32
      %dma_start3A_65 = tpu.memref_slice %arg5[%arg0, %add3A_44, %dma_start3A] : memref<2x10240x128xf32, #tpu.memory_space<hbm>> -> memref<1x80x128xf32, #tpu.memory_space<hbm>>
      %dma_start3A_66 = tpu.memref_squeeze %dma_start3A_65 : memref<1x80x128xf32, #tpu.memory_space<hbm>> -> memref<80x128xf32, #tpu.memory_space<hbm>>
      %dma_start3A_67 = arith.constant 0 : i32
      %dma_start3A_68 = tpu.memref_slice %arg5[%arg0, %add3A_44, %dma_start3A_67] : memref<2x10240x128xf32, #tpu.memory_space<hbm>> -> memref<1x80x128xf32, #tpu.memory_space<hbm>>
      %dma_start3A_69 = tpu.memref_squeeze %dma_start3A_68 : memref<1x80x128xf32, #tpu.memory_space<hbm>> -> memref<80x128xf32, #tpu.memory_space<hbm>>
      tpu.enqueue_dma source(%arg8 : memref<80x128xf32, #tpu.memory_space<vmem>>) target(%dma_start3A_69 : memref<80x128xf32, #tpu.memory_space<hbm>>) target_semaphore(%run_scoped3A : memref<!tpu.dma_semaphore, #tpu.memory_space<semaphore_mem>>)
      %dma_wait3A = arith.constant 0 : i32
      %dma_wait3A_70 = tpu.memref_slice %arg5[%arg0, %add3A_44, %dma_wait3A] : memref<2x10240x128xf32, #tpu.memory_space<hbm>> -> memref<1x80x128xf32, #tpu.memory_space<hbm>>
      %dma_wait3A_71 = tpu.memref_squeeze %dma_wait3A_70 : memref<1x80x128xf32, #tpu.memory_space<hbm>> -> memref<80x128xf32, #tpu.memory_space<hbm>>
      %dma_wait3A_72 = arith.constant 0 : i32
      %dma_wait3A_73 = tpu.memref_slice %arg5[%arg0, %add3A_44, %dma_wait3A_72] : memref<2x10240x128xf32, #tpu.memory_space<hbm>> -> memref<1x80x128xf32, #tpu.memory_space<hbm>>
      %dma_wait3A_74 = tpu.memref_squeeze %dma_wait3A_73 : memref<1x80x128xf32, #tpu.memory_space<hbm>> -> memref<80x128xf32, #tpu.memory_space<hbm>>
      tpu.wait_dma2 semaphore(%run_scoped3A : memref<!tpu.dma_semaphore, #tpu.memory_space<semaphore_mem>>) src(%arg8 : memref<80x128xf32, #tpu.memory_space<vmem>>) dst(%dma_wait3A_74 : memref<80x128xf32, #tpu.memory_space<hbm>>)
      tpu.yield
    }) : () -> ()
    %add3A_45 = arith.constant 240 : i32
    %add3A_46 = arith.addi %mul3A_2, %add3A_45 : i32
    "tpu.region"() ({
      %run_scoped3A = tpu.sem_alloc : memref<!tpu.dma_semaphore, #tpu.memory_space<semaphore_mem>>
      %dma_start3A = arith.constant 0 : i32
      %dma_start3A_65 = tpu.memref_slice %arg9[%add3A_46, %dma_start3A] : memref<10240x128xf32, #tpu.memory_space<vmem_shared>> -> memref<80x128xf32, #tpu.memory_space<vmem_shared>>
      %dma_start3A_66 = arith.constant 0 : i32
      %dma_start3A_67 = tpu.memref_slice %arg9[%add3A_46, %dma_start3A_66] : memref<10240x128xf32, #tpu.memory_space<vmem_shared>> -> memref<80x128xf32, #tpu.memory_space<vmem_shared>>
      tpu.enqueue_dma source(%dma_start3A_67 : memref<80x128xf32, #tpu.memory_space<vmem_shared>>) target(%arg8 : memref<80x128xf32, #tpu.memory_space<vmem>>) target_semaphore(%run_scoped3A : memref<!tpu.dma_semaphore, #tpu.memory_space<semaphore_mem>>)
      %dma_wait3A = arith.constant 0 : i32
      %dma_wait3A_68 = tpu.memref_slice %arg9[%add3A_46, %dma_wait3A] : memref<10240x128xf32, #tpu.memory_space<vmem_shared>> -> memref<80x128xf32, #tpu.memory_space<vmem_shared>>
      %dma_wait3A_69 = arith.constant 0 : i32
      %dma_wait3A_70 = tpu.memref_slice %arg9[%add3A_46, %dma_wait3A_69] : memref<10240x128xf32, #tpu.memory_space<vmem_shared>> -> memref<80x128xf32, #tpu.memory_space<vmem_shared>>
      tpu.wait_dma2 semaphore(%run_scoped3A : memref<!tpu.dma_semaphore, #tpu.memory_space<semaphore_mem>>) src(%dma_wait3A_70 : memref<80x128xf32, #tpu.memory_space<vmem_shared>>) dst(%arg8 : memref<80x128xf32, #tpu.memory_space<vmem>>)
      tpu.yield
    }) : () -> ()
    %add3A_47 = arith.constant 240 : i32
    %add3A_48 = arith.addi %mul3A_2, %add3A_47 : i32
    "tpu.region"() ({
      %run_scoped3A = tpu.sem_alloc : memref<!tpu.dma_semaphore, #tpu.memory_space<semaphore_mem>>
      %dma_start3A = arith.constant 0 : i32
      %dma_start3A_65 = tpu.memref_slice %arg5[%arg0, %add3A_48, %dma_start3A] : memref<2x10240x128xf32, #tpu.memory_space<hbm>> -> memref<1x80x128xf32, #tpu.memory_space<hbm>>
      %dma_start3A_66 = tpu.memref_squeeze %dma_start3A_65 : memref<1x80x128xf32, #tpu.memory_space<hbm>> -> memref<80x128xf32, #tpu.memory_space<hbm>>
      %dma_start3A_67 = arith.constant 0 : i32
      %dma_start3A_68 = tpu.memref_slice %arg5[%arg0, %add3A_48, %dma_start3A_67] : memref<2x10240x128xf32, #tpu.memory_space<hbm>> -> memref<1x80x128xf32, #tpu.memory_space<hbm>>
      %dma_start3A_69 = tpu.memref_squeeze %dma_start3A_68 : memref<1x80x128xf32, #tpu.memory_space<hbm>> -> memref<80x128xf32, #tpu.memory_space<hbm>>
      tpu.enqueue_dma source(%arg8 : memref<80x128xf32, #tpu.memory_space<vmem>>) target(%dma_start3A_69 : memref<80x128xf32, #tpu.memory_space<hbm>>) target_semaphore(%run_scoped3A : memref<!tpu.dma_semaphore, #tpu.memory_space<semaphore_mem>>)
      %dma_wait3A = arith.constant 0 : i32
      %dma_wait3A_70 = tpu.memref_slice %arg5[%arg0, %add3A_48, %dma_wait3A] : memref<2x10240x128xf32, #tpu.memory_space<hbm>> -> memref<1x80x128xf32, #tpu.memory_space<hbm>>
      %dma_wait3A_71 = tpu.memref_squeeze %dma_wait3A_70 : memref<1x80x128xf32, #tpu.memory_space<hbm>> -> memref<80x128xf32, #tpu.memory_space<hbm>>
      %dma_wait3A_72 = arith.constant 0 : i32
      %dma_wait3A_73 = tpu.memref_slice %arg5[%arg0, %add3A_48, %dma_wait3A_72] : memref<2x10240x128xf32, #tpu.memory_space<hbm>> -> memref<1x80x128xf32, #tpu.memory_space<hbm>>
      %dma_wait3A_74 = tpu.memref_squeeze %dma_wait3A_73 : memref<1x80x128xf32, #tpu.memory_space<hbm>> -> memref<80x128xf32, #tpu.memory_space<hbm>>
      tpu.wait_dma2 semaphore(%run_scoped3A : memref<!tpu.dma_semaphore, #tpu.memory_space<semaphore_mem>>) src(%arg8 : memref<80x128xf32, #tpu.memory_space<vmem>>) dst(%dma_wait3A_74 : memref<80x128xf32, #tpu.memory_space<hbm>>)
      tpu.yield
    }) : () -> ()
    %add3A_49 = arith.constant 320 : i32
    %add3A_50 = arith.addi %mul3A_2, %add3A_49 : i32
    "tpu.region"() ({
      %run_scoped3A = tpu.sem_alloc : memref<!tpu.dma_semaphore, #tpu.memory_space<semaphore_mem>>
      %dma_start3A = arith.constant 0 : i32
      %dma_start3A_65 = tpu.memref_slice %arg9[%add3A_50, %dma_start3A] : memref<10240x128xf32, #tpu.memory_space<vmem_shared>> -> memref<80x128xf32, #tpu.memory_space<vmem_shared>>
      %dma_start3A_66 = arith.constant 0 : i32
      %dma_start3A_67 = tpu.memref_slice %arg9[%add3A_50, %dma_start3A_66] : memref<10240x128xf32, #tpu.memory_space<vmem_shared>> -> memref<80x128xf32, #tpu.memory_space<vmem_shared>>
      tpu.enqueue_dma source(%dma_start3A_67 : memref<80x128xf32, #tpu.memory_space<vmem_shared>>) target(%arg8 : memref<80x128xf32, #tpu.memory_space<vmem>>) target_semaphore(%run_scoped3A : memref<!tpu.dma_semaphore, #tpu.memory_space<semaphore_mem>>)
      %dma_wait3A = arith.constant 0 : i32
      %dma_wait3A_68 = tpu.memref_slice %arg9[%add3A_50, %dma_wait3A] : memref<10240x128xf32, #tpu.memory_space<vmem_shared>> -> memref<80x128xf32, #tpu.memory_space<vmem_shared>>
      %dma_wait3A_69 = arith.constant 0 : i32
      %dma_wait3A_70 = tpu.memref_slice %arg9[%add3A_50, %dma_wait3A_69] : memref<10240x128xf32, #tpu.memory_space<vmem_shared>> -> memref<80x128xf32, #tpu.memory_space<vmem_shared>>
      tpu.wait_dma2 semaphore(%run_scoped3A : memref<!tpu.dma_semaphore, #tpu.memory_space<semaphore_mem>>) src(%dma_wait3A_70 : memref<80x128xf32, #tpu.memory_space<vmem_shared>>) dst(%arg8 : memref<80x128xf32, #tpu.memory_space<vmem>>)
      tpu.yield
    }) : () -> ()
    %add3A_51 = arith.constant 320 : i32
    %add3A_52 = arith.addi %mul3A_2, %add3A_51 : i32
    "tpu.region"() ({
      %run_scoped3A = tpu.sem_alloc : memref<!tpu.dma_semaphore, #tpu.memory_space<semaphore_mem>>
      %dma_start3A = arith.constant 0 : i32
      %dma_start3A_65 = tpu.memref_slice %arg5[%arg0, %add3A_52, %dma_start3A] : memref<2x10240x128xf32, #tpu.memory_space<hbm>> -> memref<1x80x128xf32, #tpu.memory_space<hbm>>
      %dma_start3A_66 = tpu.memref_squeeze %dma_start3A_65 : memref<1x80x128xf32, #tpu.memory_space<hbm>> -> memref<80x128xf32, #tpu.memory_space<hbm>>
      %dma_start3A_67 = arith.constant 0 : i32
      %dma_start3A_68 = tpu.memref_slice %arg5[%arg0, %add3A_52, %dma_start3A_67] : memref<2x10240x128xf32, #tpu.memory_space<hbm>> -> memref<1x80x128xf32, #tpu.memory_space<hbm>>
      %dma_start3A_69 = tpu.memref_squeeze %dma_start3A_68 : memref<1x80x128xf32, #tpu.memory_space<hbm>> -> memref<80x128xf32, #tpu.memory_space<hbm>>
      tpu.enqueue_dma source(%arg8 : memref<80x128xf32, #tpu.memory_space<vmem>>) target(%dma_start3A_69 : memref<80x128xf32, #tpu.memory_space<hbm>>) target_semaphore(%run_scoped3A : memref<!tpu.dma_semaphore, #tpu.memory_space<semaphore_mem>>)
      %dma_wait3A = arith.constant 0 : i32
      %dma_wait3A_70 = tpu.memref_slice %arg5[%arg0, %add3A_52, %dma_wait3A] : memref<2x10240x128xf32, #tpu.memory_space<hbm>> -> memref<1x80x128xf32, #tpu.memory_space<hbm>>
      %dma_wait3A_71 = tpu.memref_squeeze %dma_wait3A_70 : memref<1x80x128xf32, #tpu.memory_space<hbm>> -> memref<80x128xf32, #tpu.memory_space<hbm>>
      %dma_wait3A_72 = arith.constant 0 : i32
      %dma_wait3A_73 = tpu.memref_slice %arg5[%arg0, %add3A_52, %dma_wait3A_72] : memref<2x10240x128xf32, #tpu.memory_space<hbm>> -> memref<1x80x128xf32, #tpu.memory_space<hbm>>
      %dma_wait3A_74 = tpu.memref_squeeze %dma_wait3A_73 : memref<1x80x128xf32, #tpu.memory_space<hbm>> -> memref<80x128xf32, #tpu.memory_space<hbm>>
      tpu.wait_dma2 semaphore(%run_scoped3A : memref<!tpu.dma_semaphore, #tpu.memory_space<semaphore_mem>>) src(%arg8 : memref<80x128xf32, #tpu.memory_space<vmem>>) dst(%dma_wait3A_74 : memref<80x128xf32, #tpu.memory_space<hbm>>)
      tpu.yield
    }) : () -> ()
    %add3A_53 = arith.constant 400 : i32
    %add3A_54 = arith.addi %mul3A_2, %add3A_53 : i32
    "tpu.region"() ({
      %run_scoped3A = tpu.sem_alloc : memref<!tpu.dma_semaphore, #tpu.memory_space<semaphore_mem>>
      %dma_start3A = arith.constant 0 : i32
      %dma_start3A_65 = tpu.memref_slice %arg9[%add3A_54, %dma_start3A] : memref<10240x128xf32, #tpu.memory_space<vmem_shared>> -> memref<80x128xf32, #tpu.memory_space<vmem_shared>>
      %dma_start3A_66 = arith.constant 0 : i32
      %dma_start3A_67 = tpu.memref_slice %arg9[%add3A_54, %dma_start3A_66] : memref<10240x128xf32, #tpu.memory_space<vmem_shared>> -> memref<80x128xf32, #tpu.memory_space<vmem_shared>>
      tpu.enqueue_dma source(%dma_start3A_67 : memref<80x128xf32, #tpu.memory_space<vmem_shared>>) target(%arg8 : memref<80x128xf32, #tpu.memory_space<vmem>>) target_semaphore(%run_scoped3A : memref<!tpu.dma_semaphore, #tpu.memory_space<semaphore_mem>>)
      %dma_wait3A = arith.constant 0 : i32
      %dma_wait3A_68 = tpu.memref_slice %arg9[%add3A_54, %dma_wait3A] : memref<10240x128xf32, #tpu.memory_space<vmem_shared>> -> memref<80x128xf32, #tpu.memory_space<vmem_shared>>
      %dma_wait3A_69 = arith.constant 0 : i32
      %dma_wait3A_70 = tpu.memref_slice %arg9[%add3A_54, %dma_wait3A_69] : memref<10240x128xf32, #tpu.memory_space<vmem_shared>> -> memref<80x128xf32, #tpu.memory_space<vmem_shared>>
      tpu.wait_dma2 semaphore(%run_scoped3A : memref<!tpu.dma_semaphore, #tpu.memory_space<semaphore_mem>>) src(%dma_wait3A_70 : memref<80x128xf32, #tpu.memory_space<vmem_shared>>) dst(%arg8 : memref<80x128xf32, #tpu.memory_space<vmem>>)
      tpu.yield
    }) : () -> ()
    %add3A_55 = arith.constant 400 : i32
    %add3A_56 = arith.addi %mul3A_2, %add3A_55 : i32
    "tpu.region"() ({
      %run_scoped3A = tpu.sem_alloc : memref<!tpu.dma_semaphore, #tpu.memory_space<semaphore_mem>>
      %dma_start3A = arith.constant 0 : i32
      %dma_start3A_65 = tpu.memref_slice %arg5[%arg0, %add3A_56, %dma_start3A] : memref<2x10240x128xf32, #tpu.memory_space<hbm>> -> memref<1x80x128xf32, #tpu.memory_space<hbm>>
      %dma_start3A_66 = tpu.memref_squeeze %dma_start3A_65 : memref<1x80x128xf32, #tpu.memory_space<hbm>> -> memref<80x128xf32, #tpu.memory_space<hbm>>
      %dma_start3A_67 = arith.constant 0 : i32
      %dma_start3A_68 = tpu.memref_slice %arg5[%arg0, %add3A_56, %dma_start3A_67] : memref<2x10240x128xf32, #tpu.memory_space<hbm>> -> memref<1x80x128xf32, #tpu.memory_space<hbm>>
      %dma_start3A_69 = tpu.memref_squeeze %dma_start3A_68 : memref<1x80x128xf32, #tpu.memory_space<hbm>> -> memref<80x128xf32, #tpu.memory_space<hbm>>
      tpu.enqueue_dma source(%arg8 : memref<80x128xf32, #tpu.memory_space<vmem>>) target(%dma_start3A_69 : memref<80x128xf32, #tpu.memory_space<hbm>>) target_semaphore(%run_scoped3A : memref<!tpu.dma_semaphore, #tpu.memory_space<semaphore_mem>>)
      %dma_wait3A = arith.constant 0 : i32
      %dma_wait3A_70 = tpu.memref_slice %arg5[%arg0, %add3A_56, %dma_wait3A] : memref<2x10240x128xf32, #tpu.memory_space<hbm>> -> memref<1x80x128xf32, #tpu.memory_space<hbm>>
      %dma_wait3A_71 = tpu.memref_squeeze %dma_wait3A_70 : memref<1x80x128xf32, #tpu.memory_space<hbm>> -> memref<80x128xf32, #tpu.memory_space<hbm>>
      %dma_wait3A_72 = arith.constant 0 : i32
      %dma_wait3A_73 = tpu.memref_slice %arg5[%arg0, %add3A_56, %dma_wait3A_72] : memref<2x10240x128xf32, #tpu.memory_space<hbm>> -> memref<1x80x128xf32, #tpu.memory_space<hbm>>
      %dma_wait3A_74 = tpu.memref_squeeze %dma_wait3A_73 : memref<1x80x128xf32, #tpu.memory_space<hbm>> -> memref<80x128xf32, #tpu.memory_space<hbm>>
      tpu.wait_dma2 semaphore(%run_scoped3A : memref<!tpu.dma_semaphore, #tpu.memory_space<semaphore_mem>>) src(%arg8 : memref<80x128xf32, #tpu.memory_space<vmem>>) dst(%dma_wait3A_74 : memref<80x128xf32, #tpu.memory_space<hbm>>)
      tpu.yield
    }) : () -> ()
    %add3A_57 = arith.constant 480 : i32
    %add3A_58 = arith.addi %mul3A_2, %add3A_57 : i32
    "tpu.region"() ({
      %run_scoped3A = tpu.sem_alloc : memref<!tpu.dma_semaphore, #tpu.memory_space<semaphore_mem>>
      %dma_start3A = arith.constant 0 : i32
      %dma_start3A_65 = tpu.memref_slice %arg9[%add3A_58, %dma_start3A] : memref<10240x128xf32, #tpu.memory_space<vmem_shared>> -> memref<80x128xf32, #tpu.memory_space<vmem_shared>>
      %dma_start3A_66 = arith.constant 0 : i32
      %dma_start3A_67 = tpu.memref_slice %arg9[%add3A_58, %dma_start3A_66] : memref<10240x128xf32, #tpu.memory_space<vmem_shared>> -> memref<80x128xf32, #tpu.memory_space<vmem_shared>>
      tpu.enqueue_dma source(%dma_start3A_67 : memref<80x128xf32, #tpu.memory_space<vmem_shared>>) target(%arg8 : memref<80x128xf32, #tpu.memory_space<vmem>>) target_semaphore(%run_scoped3A : memref<!tpu.dma_semaphore, #tpu.memory_space<semaphore_mem>>)
      %dma_wait3A = arith.constant 0 : i32
      %dma_wait3A_68 = tpu.memref_slice %arg9[%add3A_58, %dma_wait3A] : memref<10240x128xf32, #tpu.memory_space<vmem_shared>> -> memref<80x128xf32, #tpu.memory_space<vmem_shared>>
      %dma_wait3A_69 = arith.constant 0 : i32
      %dma_wait3A_70 = tpu.memref_slice %arg9[%add3A_58, %dma_wait3A_69] : memref<10240x128xf32, #tpu.memory_space<vmem_shared>> -> memref<80x128xf32, #tpu.memory_space<vmem_shared>>
      tpu.wait_dma2 semaphore(%run_scoped3A : memref<!tpu.dma_semaphore, #tpu.memory_space<semaphore_mem>>) src(%dma_wait3A_70 : memref<80x128xf32, #tpu.memory_space<vmem_shared>>) dst(%arg8 : memref<80x128xf32, #tpu.memory_space<vmem>>)
      tpu.yield
    }) : () -> ()
    %add3A_59 = arith.constant 480 : i32
    %add3A_60 = arith.addi %mul3A_2, %add3A_59 : i32
    "tpu.region"() ({
      %run_scoped3A = tpu.sem_alloc : memref<!tpu.dma_semaphore, #tpu.memory_space<semaphore_mem>>
      %dma_start3A = arith.constant 0 : i32
      %dma_start3A_65 = tpu.memref_slice %arg5[%arg0, %add3A_60, %dma_start3A] : memref<2x10240x128xf32, #tpu.memory_space<hbm>> -> memref<1x80x128xf32, #tpu.memory_space<hbm>>
      %dma_start3A_66 = tpu.memref_squeeze %dma_start3A_65 : memref<1x80x128xf32, #tpu.memory_space<hbm>> -> memref<80x128xf32, #tpu.memory_space<hbm>>
      %dma_start3A_67 = arith.constant 0 : i32
      %dma_start3A_68 = tpu.memref_slice %arg5[%arg0, %add3A_60, %dma_start3A_67] : memref<2x10240x128xf32, #tpu.memory_space<hbm>> -> memref<1x80x128xf32, #tpu.memory_space<hbm>>
      %dma_start3A_69 = tpu.memref_squeeze %dma_start3A_68 : memref<1x80x128xf32, #tpu.memory_space<hbm>> -> memref<80x128xf32, #tpu.memory_space<hbm>>
      tpu.enqueue_dma source(%arg8 : memref<80x128xf32, #tpu.memory_space<vmem>>) target(%dma_start3A_69 : memref<80x128xf32, #tpu.memory_space<hbm>>) target_semaphore(%run_scoped3A : memref<!tpu.dma_semaphore, #tpu.memory_space<semaphore_mem>>)
      %dma_wait3A = arith.constant 0 : i32
      %dma_wait3A_70 = tpu.memref_slice %arg5[%arg0, %add3A_60, %dma_wait3A] : memref<2x10240x128xf32, #tpu.memory_space<hbm>> -> memref<1x80x128xf32, #tpu.memory_space<hbm>>
      %dma_wait3A_71 = tpu.memref_squeeze %dma_wait3A_70 : memref<1x80x128xf32, #tpu.memory_space<hbm>> -> memref<80x128xf32, #tpu.memory_space<hbm>>
      %dma_wait3A_72 = arith.constant 0 : i32
      %dma_wait3A_73 = tpu.memref_slice %arg5[%arg0, %add3A_60, %dma_wait3A_72] : memref<2x10240x128xf32, #tpu.memory_space<hbm>> -> memref<1x80x128xf32, #tpu.memory_space<hbm>>
      %dma_wait3A_74 = tpu.memref_squeeze %dma_wait3A_73 : memref<1x80x128xf32, #tpu.memory_space<hbm>> -> memref<80x128xf32, #tpu.memory_space<hbm>>
      tpu.wait_dma2 semaphore(%run_scoped3A : memref<!tpu.dma_semaphore, #tpu.memory_space<semaphore_mem>>) src(%arg8 : memref<80x128xf32, #tpu.memory_space<vmem>>) dst(%dma_wait3A_74 : memref<80x128xf32, #tpu.memory_space<hbm>>)
      tpu.yield
    }) : () -> ()
    %add3A_61 = arith.constant 560 : i32
    %add3A_62 = arith.addi %mul3A_2, %add3A_61 : i32
    "tpu.region"() ({
      %run_scoped3A = tpu.sem_alloc : memref<!tpu.dma_semaphore, #tpu.memory_space<semaphore_mem>>
      %dma_start3A = arith.constant 0 : i32
      %dma_start3A_65 = tpu.memref_slice %arg9[%add3A_62, %dma_start3A] : memref<10240x128xf32, #tpu.memory_space<vmem_shared>> -> memref<80x128xf32, #tpu.memory_space<vmem_shared>>
      %dma_start3A_66 = arith.constant 0 : i32
      %dma_start3A_67 = tpu.memref_slice %arg9[%add3A_62, %dma_start3A_66] : memref<10240x128xf32, #tpu.memory_space<vmem_shared>> -> memref<80x128xf32, #tpu.memory_space<vmem_shared>>
      tpu.enqueue_dma source(%dma_start3A_67 : memref<80x128xf32, #tpu.memory_space<vmem_shared>>) target(%arg8 : memref<80x128xf32, #tpu.memory_space<vmem>>) target_semaphore(%run_scoped3A : memref<!tpu.dma_semaphore, #tpu.memory_space<semaphore_mem>>)
      %dma_wait3A = arith.constant 0 : i32
      %dma_wait3A_68 = tpu.memref_slice %arg9[%add3A_62, %dma_wait3A] : memref<10240x128xf32, #tpu.memory_space<vmem_shared>> -> memref<80x128xf32, #tpu.memory_space<vmem_shared>>
      %dma_wait3A_69 = arith.constant 0 : i32
      %dma_wait3A_70 = tpu.memref_slice %arg9[%add3A_62, %dma_wait3A_69] : memref<10240x128xf32, #tpu.memory_space<vmem_shared>> -> memref<80x128xf32, #tpu.memory_space<vmem_shared>>
      tpu.wait_dma2 semaphore(%run_scoped3A : memref<!tpu.dma_semaphore, #tpu.memory_space<semaphore_mem>>) src(%dma_wait3A_70 : memref<80x128xf32, #tpu.memory_space<vmem_shared>>) dst(%arg8 : memref<80x128xf32, #tpu.memory_space<vmem>>)
      tpu.yield
    }) : () -> ()
    %add3A_63 = arith.constant 560 : i32
    %add3A_64 = arith.addi %mul3A_2, %add3A_63 : i32
    "tpu.region"() ({
      %run_scoped3A = tpu.sem_alloc : memref<!tpu.dma_semaphore, #tpu.memory_space<semaphore_mem>>
      %dma_start3A = arith.constant 0 : i32
      %dma_start3A_65 = tpu.memref_slice %arg5[%arg0, %add3A_64, %dma_start3A] : memref<2x10240x128xf32, #tpu.memory_space<hbm>> -> memref<1x80x128xf32, #tpu.memory_space<hbm>>
      %dma_start3A_66 = tpu.memref_squeeze %dma_start3A_65 : memref<1x80x128xf32, #tpu.memory_space<hbm>> -> memref<80x128xf32, #tpu.memory_space<hbm>>
      %dma_start3A_67 = arith.constant 0 : i32
      %dma_start3A_68 = tpu.memref_slice %arg5[%arg0, %add3A_64, %dma_start3A_67] : memref<2x10240x128xf32, #tpu.memory_space<hbm>> -> memref<1x80x128xf32, #tpu.memory_space<hbm>>
      %dma_start3A_69 = tpu.memref_squeeze %dma_start3A_68 : memref<1x80x128xf32, #tpu.memory_space<hbm>> -> memref<80x128xf32, #tpu.memory_space<hbm>>
      tpu.enqueue_dma source(%arg8 : memref<80x128xf32, #tpu.memory_space<vmem>>) target(%dma_start3A_69 : memref<80x128xf32, #tpu.memory_space<hbm>>) target_semaphore(%run_scoped3A : memref<!tpu.dma_semaphore, #tpu.memory_space<semaphore_mem>>)
      %dma_wait3A = arith.constant 0 : i32
      %dma_wait3A_70 = tpu.memref_slice %arg5[%arg0, %add3A_64, %dma_wait3A] : memref<2x10240x128xf32, #tpu.memory_space<hbm>> -> memref<1x80x128xf32, #tpu.memory_space<hbm>>
      %dma_wait3A_71 = tpu.memref_squeeze %dma_wait3A_70 : memref<1x80x128xf32, #tpu.memory_space<hbm>> -> memref<80x128xf32, #tpu.memory_space<hbm>>
      %dma_wait3A_72 = arith.constant 0 : i32
      %dma_wait3A_73 = tpu.memref_slice %arg5[%arg0, %add3A_64, %dma_wait3A_72] : memref<2x10240x128xf32, #tpu.memory_space<hbm>> -> memref<1x80x128xf32, #tpu.memory_space<hbm>>
      %dma_wait3A_74 = tpu.memref_squeeze %dma_wait3A_73 : memref<1x80x128xf32, #tpu.memory_space<hbm>> -> memref<80x128xf32, #tpu.memory_space<hbm>>
      tpu.wait_dma2 semaphore(%run_scoped3A : memref<!tpu.dma_semaphore, #tpu.memory_space<semaphore_mem>>) src(%arg8 : memref<80x128xf32, #tpu.memory_space<vmem>>) dst(%dma_wait3A_74 : memref<80x128xf32, #tpu.memory_space<hbm>>)
      tpu.yield
    }) : () -> ()
    return
  }
}

module attributes {stable_mosaic.version = 14 : i64} {
  func.func @_mm2_body(%arg0: i32, %arg1: memref<1024x128xf32, #tpu.memory_space<vmem>>, %arg2: memref<128x128xf32, #tpu.memory_space<vmem>>, %arg3: memref<128x128xf32, #tpu.memory_space<vmem>>, %arg4: memref<1024x128xf32, #tpu.memory_space<vmem>>, %arg5: memref<1024x128xf32, #tpu.memory_space<vmem>>) attributes {dimension_semantics = [#tpu.dimension_semantics<arbitrary>], iteration_bounds = array<i64: 10>, scalar_prefetch = 0 : i64, scratch_operands = 0 : i64, tpu.core_type = #tpu.core_type<tc>, window_params = [{transform_indices = @transform_0, window_bounds = array<i64: 1024, 128>}, {pipeline_mode = #tpu.pipeline_mode<synchronous>, transform_indices = @transform_1, window_bounds = array<i64: 128, 128>}, {pipeline_mode = #tpu.pipeline_mode<synchronous>, transform_indices = @transform_2, window_bounds = array<i64: 128, 128>}, {transform_indices = @transform_3, window_bounds = array<i64: 1024, 128>}, {transform_indices = @transform_4, window_bounds = array<i64: 1024, 128>}]} {
    %get3A = arith.constant 0 : index
    %get3A_0 = arith.constant 0 : index
    %get3A_1 = vector.load %arg1[%get3A, %get3A_0] : memref<1024x128xf32, #tpu.memory_space<vmem>>, vector<1024x128xf32>
    %get3A_2 = arith.constant 0 : index
    %get3A_3 = arith.constant 0 : index
    %get3A_4 = vector.load %arg2[%get3A_2, %get3A_3] : memref<128x128xf32, #tpu.memory_space<vmem>>, vector<128x128xf32>
    %dot_general3A = arith.constant dense<0.000000e+00> : vector<1024x128xf32>
    %dot_general3A_5 = tpu.matmul %get3A_1, %get3A_4, %dot_general3A {dimension_numbers = #tpu.dot_dimension_numbers<[1], [0], [0], [1], [0, 0, 1, 1], [], []>, transpose_lhs_hint = false} : vector<1024x128xf32>, vector<128x128xf32>, vector<1024x128xf32> -> vector<1024x128xf32>
    %swap3A = arith.constant 0 : index
    %swap3A_6 = arith.constant 0 : index
    %swap3A_7 = vector.load %arg4[%swap3A, %swap3A_6] : memref<1024x128xf32, #tpu.memory_space<vmem>>, vector<1024x128xf32>
    tpu.vector_store %arg4[%swap3A, %swap3A_6], %dot_general3A_5 {strides = array<i32>} : memref<1024x128xf32, #tpu.memory_space<vmem>>, vector<1024x128xf32>,
    %get3A_8 = arith.constant 0 : index
    %get3A_9 = arith.constant 0 : index
    %get3A_10 = vector.load %arg3[%get3A_8, %get3A_9] : memref<128x128xf32, #tpu.memory_space<vmem>>, vector<128x128xf32>
    %dot_general3A_11 = arith.constant dense<0.000000e+00> : vector<1024x128xf32>
    %dot_general3A_12 = tpu.matmul %get3A_1, %get3A_10, %dot_general3A_11 {dimension_numbers = #tpu.dot_dimension_numbers<[1], [0], [0], [1], [0, 0, 1, 1], [], []>, transpose_lhs_hint = false} : vector<1024x128xf32>, vector<128x128xf32>, vector<1024x128xf32> -> vector<1024x128xf32>
    %swap3A_13 = arith.constant 0 : index
    %swap3A_14 = arith.constant 0 : index
    %swap3A_15 = vector.load %arg5[%swap3A_13, %swap3A_14] : memref<1024x128xf32, #tpu.memory_space<vmem>>, vector<1024x128xf32>
    tpu.vector_store %arg5[%swap3A_13, %swap3A_14], %dot_general3A_12 {strides = array<i32>} : memref<1024x128xf32, #tpu.memory_space<vmem>>, vector<1024x128xf32>,
    return
  }
  func.func @transform_0(%arg0: i32) -> (i32, i32) {
    %c0_i32 = arith.constant 0 : i32
    %c0_i32_0 = arith.constant 0 : i32
    return %arg0, %c0_i32 : i32, i32
  }
  func.func @transform_1(%arg0: i32) -> (i32, i32) {
    %c0_i32 = arith.constant 0 : i32
    %c0_i32_0 = arith.constant 0 : i32
    %c0_i32_1 = arith.constant 0 : i32
    return %c0_i32, %c0_i32_0 : i32, i32
  }
  func.func @transform_2(%arg0: i32) -> (i32, i32) {
    %c0_i32 = arith.constant 0 : i32
    %c0_i32_0 = arith.constant 0 : i32
    %c0_i32_1 = arith.constant 0 : i32
    return %c0_i32, %c0_i32_0 : i32, i32
  }
  func.func @transform_3(%arg0: i32) -> (i32, i32) {
    %c0_i32 = arith.constant 0 : i32
    %c0_i32_0 = arith.constant 0 : i32
    return %arg0, %c0_i32 : i32, i32
  }
  func.func @transform_4(%arg0: i32) -> (i32, i32) {
    %c0_i32 = arith.constant 0 : i32
    %c0_i32_0 = arith.constant 0 : i32
    return %arg0, %c0_i32 : i32, i32
  }
}

module attributes {stable_mosaic.version = 14 : i64} {
  func.func @_combine_mm2_body(%arg0: i32, %arg1: memref<2x1024x128xf32, #tpu.memory_space<vmem>>, %arg2: memref<1024x32xi32, #tpu.memory_space<vmem>>, %arg3: memref<1024x128xf32, #tpu.memory_space<vmem>>, %arg4: memref<1x128xf32, #tpu.memory_space<vmem>>, %arg5: memref<128x128xf32, #tpu.memory_space<vmem>>, %arg6: memref<128x128xf32, #tpu.memory_space<vmem>>, %arg7: memref<1024x128xf32, #tpu.memory_space<vmem>>, %arg8: memref<1024x128xf32, #tpu.memory_space<vmem>>) attributes {dimension_semantics = [#tpu.dimension_semantics<arbitrary>], iteration_bounds = array<i64: 10>, scalar_prefetch = 0 : i64, scratch_operands = 0 : i64, tpu.core_type = #tpu.core_type<tc>, window_params = [{transform_indices = @transform_0, window_bounds = array<i64: 2, 1024, 128>}, {transform_indices = @transform_1, window_bounds = array<i64: 1024, 32>}, {transform_indices = @transform_2, window_bounds = array<i64: 1024, 128>}, {pipeline_mode = #tpu.pipeline_mode<synchronous>, transform_indices = @transform_3, window_bounds = array<i64: 1, 128>}, {pipeline_mode = #tpu.pipeline_mode<synchronous>, transform_indices = @transform_4, window_bounds = array<i64: 128, 128>}, {pipeline_mode = #tpu.pipeline_mode<synchronous>, transform_indices = @transform_5, window_bounds = array<i64: 128, 128>}, {transform_indices = @transform_6, window_bounds = array<i64: 1024, 128>}, {transform_indices = @transform_7, window_bounds = array<i64: 1024, 128>}]} {
    %get3A = arith.constant 0 : index
    %get3A_0 = arith.constant 0 : index
    %get3A_1 = vector.load %arg2[%get3A, %get3A_0] : memref<1024x32xi32, #tpu.memory_space<vmem>>, vector<1024x32xi32>
    %reduce_sum3A = arith.constant dense<0> : vector<1024xi32>
    %reduce_sum3A_2 = vector.multi_reduction <add>, %get3A_1, %reduce_sum3A [1] : vector<1024x32xi32> to vector<1024xi32>
    %broadcast_in_dim3A = vector.shape_cast %reduce_sum3A_2 : vector<1024xi32> to vector<1024x1xi32>
    %convert_element_type3A = arith.sitofp %broadcast_in_dim3A : vector<1024x1xi32> to vector<1024x1xf32>
    %max3A = arith.constant 1.000000e+00 : f32
    %max3A_3 = vector.broadcast %max3A : f32 to vector<1024x1xf32>
    %max3A_4 = arith.maximumf %convert_element_type3A, %max3A_3 : vector<1024x1xf32>
    %div3A = arith.constant 1.000000e+00 : f32
    %div3A_5 = vector.broadcast %div3A : f32 to vector<1024x1xf32>
    %div3A_6 = arith.divf %div3A_5, %max3A_4 : vector<1024x1xf32>
    %get3A_7 = arith.constant 0 : index
    %get3A_8 = arith.constant 0 : index
    %get3A_9 = arith.constant 0 : index
    %get3A_10 = vector.load %arg1[%get3A_7, %get3A_8, %get3A_9] : memref<2x1024x128xf32, #tpu.memory_space<vmem>>, vector<1x1024x128xf32>
    %get3A_11 = vector.shape_cast %get3A_10 : vector<1x1024x128xf32> to vector<1024x128xf32>
    %get3A_12 = arith.constant 1 : index
    %get3A_13 = arith.constant 0 : index
    %get3A_14 = arith.constant 0 : index
    %get3A_15 = vector.load %arg1[%get3A_12, %get3A_13, %get3A_14] : memref<2x1024x128xf32, #tpu.memory_space<vmem>>, vector<1x1024x128xf32>
    %get3A_16 = vector.shape_cast %get3A_15 : vector<1x1024x128xf32> to vector<1024x128xf32>
    %add3A = arith.addf %get3A_11, %get3A_16 : vector<1024x128xf32>
    %mul3A = vector.broadcast %div3A_6 : vector<1024x1xf32> to vector<1024x128xf32>
    %mul3A_17 = arith.mulf %add3A, %mul3A : vector<1024x128xf32>
    %get3A_18 = arith.constant 0 : index
    %get3A_19 = arith.constant 0 : index
    %get3A_20 = vector.load %arg3[%get3A_18, %get3A_19] : memref<1024x128xf32, #tpu.memory_space<vmem>>, vector<1024x128xf32>
    %add3A_21 = arith.addf %mul3A_17, %get3A_20 : vector<1024x128xf32>
    %get3A_22 = arith.constant 0 : index
    %get3A_23 = arith.constant 0 : index
    %get3A_24 = vector.load %arg4[%get3A_22, %get3A_23] : memref<1x128xf32, #tpu.memory_space<vmem>>, vector<1x128xf32>
    %add3A_25 = vector.broadcast %get3A_24 : vector<1x128xf32> to vector<1024x128xf32>
    %add3A_26 = arith.addf %add3A_21, %add3A_25 : vector<1024x128xf32>
    %max3A_27 = arith.constant 0.000000e+00 : f32
    %max3A_28 = vector.broadcast %max3A_27 : f32 to vector<1024x128xf32>
    %max3A_29 = arith.maximumf %add3A_26, %max3A_28 : vector<1024x128xf32>
    %get3A_30 = arith.constant 0 : index
    %get3A_31 = arith.constant 0 : index
    %get3A_32 = vector.load %arg5[%get3A_30, %get3A_31] : memref<128x128xf32, #tpu.memory_space<vmem>>, vector<128x128xf32>
    %dot_general3A = arith.constant dense<0.000000e+00> : vector<1024x128xf32>
    %dot_general3A_33 = tpu.matmul %max3A_29, %get3A_32, %dot_general3A {dimension_numbers = #tpu.dot_dimension_numbers<[1], [0], [0], [1], [0, 0, 1, 1], [], []>, transpose_lhs_hint = false} : vector<1024x128xf32>, vector<128x128xf32>, vector<1024x128xf32> -> vector<1024x128xf32>
    %swap3A = arith.constant 0 : index
    %swap3A_34 = arith.constant 0 : index
    %swap3A_35 = vector.load %arg7[%swap3A, %swap3A_34] : memref<1024x128xf32, #tpu.memory_space<vmem>>, vector<1024x128xf32>
    tpu.vector_store %arg7[%swap3A, %swap3A_34], %dot_general3A_33 {strides = array<i32>} : memref<1024x128xf32, #tpu.memory_space<vmem>>, vector<1024x128xf32>,
    %get3A_36 = arith.constant 0 : index
    %get3A_37 = arith.constant 0 : index
    %get3A_38 = vector.load %arg6[%get3A_36, %get3A_37] : memref<128x128xf32, #tpu.memory_space<vmem>>, vector<128x128xf32>
    %dot_general3A_39 = arith.constant dense<0.000000e+00> : vector<1024x128xf32>
    %dot_general3A_40 = tpu.matmul %max3A_29, %get3A_38, %dot_general3A_39 {dimension_numbers = #tpu.dot_dimension_numbers<[1], [0], [0], [1], [0, 0, 1, 1], [], []>, transpose_lhs_hint = false} : vector<1024x128xf32>, vector<128x128xf32>, vector<1024x128xf32> -> vector<1024x128xf32>
    %swap3A_41 = arith.constant 0 : index
    %swap3A_42 = arith.constant 0 : index
    %swap3A_43 = vector.load %arg8[%swap3A_41, %swap3A_42] : memref<1024x128xf32, #tpu.memory_space<vmem>>, vector<1024x128xf32>
    tpu.vector_store %arg8[%swap3A_41, %swap3A_42], %dot_general3A_40 {strides = array<i32>} : memref<1024x128xf32, #tpu.memory_space<vmem>>, vector<1024x128xf32>,
    return
  }
  func.func @transform_0(%arg0: i32) -> (i32, i32, i32) {
    %c0_i32 = arith.constant 0 : i32
    %c0_i32_0 = arith.constant 0 : i32
    %c0_i32_1 = arith.constant 0 : i32
    return %c0_i32, %arg0, %c0_i32_0 : i32, i32, i32
  }
  func.func @transform_1(%arg0: i32) -> (i32, i32) {
    %c0_i32 = arith.constant 0 : i32
    %c0_i32_0 = arith.constant 0 : i32
    return %arg0, %c0_i32 : i32, i32
  }
  func.func @transform_2(%arg0: i32) -> (i32, i32) {
    %c0_i32 = arith.constant 0 : i32
    %c0_i32_0 = arith.constant 0 : i32
    return %arg0, %c0_i32 : i32, i32
  }
  func.func @transform_3(%arg0: i32) -> (i32, i32) {
    %c0_i32 = arith.constant 0 : i32
    %c0_i32_0 = arith.constant 0 : i32
    %c0_i32_1 = arith.constant 0 : i32
    return %c0_i32, %c0_i32_0 : i32, i32
  }
  func.func @transform_4(%arg0: i32) -> (i32, i32) {
    %c0_i32 = arith.constant 0 : i32
    %c0_i32_0 = arith.constant 0 : i32
    %c0_i32_1 = arith.constant 0 : i32
    return %c0_i32, %c0_i32_0 : i32, i32
  }
  func.func @transform_5(%arg0: i32) -> (i32, i32) {
    %c0_i32 = arith.constant 0 : i32
    %c0_i32_0 = arith.constant 0 : i32
    %c0_i32_1 = arith.constant 0 : i32
    return %c0_i32, %c0_i32_0 : i32, i32
  }
  func.func @transform_6(%arg0: i32) -> (i32, i32) {
    %c0_i32 = arith.constant 0 : i32
    %c0_i32_0 = arith.constant 0 : i32
    return %arg0, %c0_i32 : i32, i32
  }
  func.func @transform_7(%arg0: i32) -> (i32, i32) {
    %c0_i32 = arith.constant 0 : i32
    %c0_i32_0 = arith.constant 0 : i32
    return %arg0, %c0_i32 : i32, i32
  }
}

module attributes {stable_mosaic.version = 14 : i64} {
  func.func @_combine_mm3_body(%arg0: i32, %arg1: memref<2x1024x128xf32, #tpu.memory_space<vmem>>, %arg2: memref<1024x32xi32, #tpu.memory_space<vmem>>, %arg3: memref<1024x128xf32, #tpu.memory_space<vmem>>, %arg4: memref<1x128xf32, #tpu.memory_space<vmem>>, %arg5: memref<128x16xf32, #tpu.memory_space<vmem>>, %arg6: memref<1x1xf32, #tpu.memory_space<vmem>>, %arg7: memref<1024x128xf32, #tpu.memory_space<vmem>>, %arg8: memref<1024x16xf32, #tpu.memory_space<vmem>>) attributes {dimension_semantics = [#tpu.dimension_semantics<arbitrary>], iteration_bounds = array<i64: 10>, scalar_prefetch = 0 : i64, scratch_operands = 0 : i64, tpu.core_type = #tpu.core_type<tc>, window_params = [{transform_indices = @transform_0, window_bounds = array<i64: 2, 1024, 128>}, {transform_indices = @transform_1, window_bounds = array<i64: 1024, 32>}, {transform_indices = @transform_2, window_bounds = array<i64: 1024, 128>}, {pipeline_mode = #tpu.pipeline_mode<synchronous>, transform_indices = @transform_3, window_bounds = array<i64: 1, 128>}, {pipeline_mode = #tpu.pipeline_mode<synchronous>, transform_indices = @transform_4, window_bounds = array<i64: 128, 16>}, {pipeline_mode = #tpu.pipeline_mode<synchronous>, transform_indices = @transform_5, window_bounds = array<i64: 1, 1>}, {transform_indices = @transform_6, window_bounds = array<i64: 1024, 128>}, {transform_indices = @transform_7, window_bounds = array<i64: 1024, 16>}]} {
    %get3A = arith.constant 0 : index
    %get3A_0 = arith.constant 0 : index
    %get3A_1 = vector.load %arg2[%get3A, %get3A_0] : memref<1024x32xi32, #tpu.memory_space<vmem>>, vector<1024x32xi32>
    %reduce_sum3A = arith.constant dense<0> : vector<1024xi32>
    %reduce_sum3A_2 = vector.multi_reduction <add>, %get3A_1, %reduce_sum3A [1] : vector<1024x32xi32> to vector<1024xi32>
    %broadcast_in_dim3A = vector.shape_cast %reduce_sum3A_2 : vector<1024xi32> to vector<1024x1xi32>
    %convert_element_type3A = arith.sitofp %broadcast_in_dim3A : vector<1024x1xi32> to vector<1024x1xf32>
    %max3A = arith.constant 1.000000e+00 : f32
    %max3A_3 = vector.broadcast %max3A : f32 to vector<1024x1xf32>
    %max3A_4 = arith.maximumf %convert_element_type3A, %max3A_3 : vector<1024x1xf32>
    %div3A = arith.constant 1.000000e+00 : f32
    %div3A_5 = vector.broadcast %div3A : f32 to vector<1024x1xf32>
    %div3A_6 = arith.divf %div3A_5, %max3A_4 : vector<1024x1xf32>
    %get3A_7 = arith.constant 0 : index
    %get3A_8 = arith.constant 0 : index
    %get3A_9 = arith.constant 0 : index
    %get3A_10 = vector.load %arg1[%get3A_7, %get3A_8, %get3A_9] : memref<2x1024x128xf32, #tpu.memory_space<vmem>>, vector<1x1024x128xf32>
    %get3A_11 = vector.shape_cast %get3A_10 : vector<1x1024x128xf32> to vector<1024x128xf32>
    %get3A_12 = arith.constant 1 : index
    %get3A_13 = arith.constant 0 : index
    %get3A_14 = arith.constant 0 : index
    %get3A_15 = vector.load %arg1[%get3A_12, %get3A_13, %get3A_14] : memref<2x1024x128xf32, #tpu.memory_space<vmem>>, vector<1x1024x128xf32>
    %get3A_16 = vector.shape_cast %get3A_15 : vector<1x1024x128xf32> to vector<1024x128xf32>
    %add3A = arith.addf %get3A_11, %get3A_16 : vector<1024x128xf32>
    %mul3A = vector.broadcast %div3A_6 : vector<1024x1xf32> to vector<1024x128xf32>
    %mul3A_17 = arith.mulf %add3A, %mul3A : vector<1024x128xf32>
    %get3A_18 = arith.constant 0 : index
    %get3A_19 = arith.constant 0 : index
    %get3A_20 = vector.load %arg3[%get3A_18, %get3A_19] : memref<1024x128xf32, #tpu.memory_space<vmem>>, vector<1024x128xf32>
    %add3A_21 = arith.addf %mul3A_17, %get3A_20 : vector<1024x128xf32>
    %get3A_22 = arith.constant 0 : index
    %get3A_23 = arith.constant 0 : index
    %get3A_24 = vector.load %arg4[%get3A_22, %get3A_23] : memref<1x128xf32, #tpu.memory_space<vmem>>, vector<1x128xf32>
    %add3A_25 = vector.broadcast %get3A_24 : vector<1x128xf32> to vector<1024x128xf32>
    %add3A_26 = arith.addf %add3A_21, %add3A_25 : vector<1024x128xf32>
    %max3A_27 = arith.constant 0.000000e+00 : f32
    %max3A_28 = vector.broadcast %max3A_27 : f32 to vector<1024x128xf32>
    %max3A_29 = arith.maximumf %add3A_26, %max3A_28 : vector<1024x128xf32>
    %get3A_30 = arith.constant 0 : index
    %get3A_31 = arith.constant 0 : index
    %get3A_32 = vector.load %arg5[%get3A_30, %get3A_31] : memref<128x16xf32, #tpu.memory_space<vmem>>, vector<128x16xf32>
    %dot_general3A = arith.constant dense<0.000000e+00> : vector<1024x16xf32>
    %dot_general3A_33 = tpu.matmul %max3A_29, %get3A_32, %dot_general3A {dimension_numbers = #tpu.dot_dimension_numbers<[1], [0], [0], [1], [0, 0, 1, 1], [], []>, transpose_lhs_hint = false} : vector<1024x128xf32>, vector<128x16xf32>, vector<1024x16xf32> -> vector<1024x16xf32>
    %slice3A = vector.extract_strided_slice %dot_general3A_33 {offsets = [0, 0], sizes = [1024, 1], strides = [1, 1]} : vector<1024x16xf32> to vector<1024x1xf32>
    %broadcast_in_dim3A_34 = vector.shape_cast %slice3A : vector<1024x1xf32> to vector<1024x1xf32>
    %broadcast_in_dim3A_35 = vector.broadcast %broadcast_in_dim3A_34 : vector<1024x1xf32> to vector<1024x128xf32>
    %swap3A = arith.constant 0 : index
    %swap3A_36 = arith.constant 0 : index
    %swap3A_37 = vector.load %arg7[%swap3A, %swap3A_36] : memref<1024x128xf32, #tpu.memory_space<vmem>>, vector<1024x128xf32>
    tpu.vector_store %arg7[%swap3A, %swap3A_36], %broadcast_in_dim3A_35 {strides = array<i32>} : memref<1024x128xf32, #tpu.memory_space<vmem>>, vector<1024x128xf32>,
    %slice3A_38 = vector.extract_strided_slice %dot_general3A_33 {offsets = [0, 1], sizes = [1024, 1], strides = [1, 1]} : vector<1024x16xf32> to vector<1024x1xf32>
    %get3A_39 = arith.constant 0 : index
    %get3A_40 = arith.constant 0 : index
    %get3A_41 = vector.load %arg6[%get3A_39, %get3A_40] : memref<1x1xf32, #tpu.memory_space<vmem>>, vector<1x1xf32>
    %get3A_42 = vector.extract %get3A_41[0, 0] : f32 from vector<1x1xf32>
    %add3A_43 = vector.broadcast %get3A_42 : f32 to vector<1024x1xf32>
    %add3A_44 = arith.addf %slice3A_38, %add3A_43 : vector<1024x1xf32>
    %broadcast_in_dim3A_45 = vector.shape_cast %add3A_44 : vector<1024x1xf32> to vector<1024x1xf32>
    %broadcast_in_dim3A_46 = vector.broadcast %broadcast_in_dim3A_45 : vector<1024x1xf32> to vector<1024x16xf32>
    %swap3A_47 = arith.constant 0 : index
    %swap3A_48 = arith.constant 0 : index
    %swap3A_49 = vector.load %arg8[%swap3A_47, %swap3A_48] : memref<1024x16xf32, #tpu.memory_space<vmem>>, vector<1024x16xf32>
    tpu.vector_store %arg8[%swap3A_47, %swap3A_48], %broadcast_in_dim3A_46 {strides = array<i32>} : memref<1024x16xf32, #tpu.memory_space<vmem>>, vector<1024x16xf32>,
    return
  }
  func.func @transform_0(%arg0: i32) -> (i32, i32, i32) {
    %c0_i32 = arith.constant 0 : i32
    %c0_i32_0 = arith.constant 0 : i32
    %c0_i32_1 = arith.constant 0 : i32
    return %c0_i32, %arg0, %c0_i32_0 : i32, i32, i32
  }
  func.func @transform_1(%arg0: i32) -> (i32, i32) {
    %c0_i32 = arith.constant 0 : i32
    %c0_i32_0 = arith.constant 0 : i32
    return %arg0, %c0_i32 : i32, i32
  }
  func.func @transform_2(%arg0: i32) -> (i32, i32) {
    %c0_i32 = arith.constant 0 : i32
    %c0_i32_0 = arith.constant 0 : i32
    return %arg0, %c0_i32 : i32, i32
  }
  func.func @transform_3(%arg0: i32) -> (i32, i32) {
    %c0_i32 = arith.constant 0 : i32
    %c0_i32_0 = arith.constant 0 : i32
    %c0_i32_1 = arith.constant 0 : i32
    return %c0_i32, %c0_i32_0 : i32, i32
  }
  func.func @transform_4(%arg0: i32) -> (i32, i32) {
    %c0_i32 = arith.constant 0 : i32
    %c0_i32_0 = arith.constant 0 : i32
    %c0_i32_1 = arith.constant 0 : i32
    return %c0_i32, %c0_i32_0 : i32, i32
  }
  func.func @transform_5(%arg0: i32) -> (i32, i32) {
    %c0_i32 = arith.constant 0 : i32
    %c0_i32_0 = arith.constant 0 : i32
    %c0_i32_1 = arith.constant 0 : i32
    return %c0_i32, %c0_i32_0 : i32, i32
  }
  func.func @transform_6(%arg0: i32) -> (i32, i32) {
    %c0_i32 = arith.constant 0 : i32
    %c0_i32_0 = arith.constant 0 : i32
    return %arg0, %c0_i32 : i32, i32
  }
  func.func @transform_7(%arg0: i32) -> (i32, i32) {
    %c0_i32 = arith.constant 0 : i32
    %c0_i32_0 = arith.constant 0 : i32
    return %arg0, %c0_i32 : i32, i32
  }
}

module attributes {stable_mosaic.version = 14 : i64} {
  func.func @_final_body(%arg0: i32, %arg1: memref<2x1024x128xf32, #tpu.memory_space<vmem>>, %arg2: memref<1024x32xi32, #tpu.memory_space<vmem>>, %arg3: memref<1024x16xf32, #tpu.memory_space<vmem>>, %arg4: memref<1024x16xf32, #tpu.memory_space<vmem>>) attributes {dimension_semantics = [#tpu.dimension_semantics<arbitrary>], iteration_bounds = array<i64: 10>, scalar_prefetch = 0 : i64, scratch_operands = 0 : i64, tpu.core_type = #tpu.core_type<tc>, window_params = [{transform_indices = @transform_0, window_bounds = array<i64: 2, 1024, 128>}, {transform_indices = @transform_1, window_bounds = array<i64: 1024, 32>}, {transform_indices = @transform_2, window_bounds = array<i64: 1024, 16>}, {transform_indices = @transform_3, window_bounds = array<i64: 1024, 16>}]} {
    %get3A = arith.constant 0 : index
    %get3A_0 = arith.constant 0 : index
    %get3A_1 = vector.load %arg2[%get3A, %get3A_0] : memref<1024x32xi32, #tpu.memory_space<vmem>>, vector<1024x32xi32>
    %reduce_sum3A = arith.constant dense<0> : vector<1024xi32>
    %reduce_sum3A_2 = vector.multi_reduction <add>, %get3A_1, %reduce_sum3A [1] : vector<1024x32xi32> to vector<1024xi32>
    %broadcast_in_dim3A = vector.shape_cast %reduce_sum3A_2 : vector<1024xi32> to vector<1024x1xi32>
    %convert_element_type3A = arith.sitofp %broadcast_in_dim3A : vector<1024x1xi32> to vector<1024x1xf32>
    %max3A = arith.constant 1.000000e+00 : f32
    %max3A_3 = vector.broadcast %max3A : f32 to vector<1024x1xf32>
    %max3A_4 = arith.maximumf %convert_element_type3A, %max3A_3 : vector<1024x1xf32>
    %div3A = arith.constant 1.000000e+00 : f32
    %div3A_5 = vector.broadcast %div3A : f32 to vector<1024x1xf32>
    %div3A_6 = arith.divf %div3A_5, %max3A_4 : vector<1024x1xf32>
    %get3A_7 = arith.constant 0 : index
    %get3A_8 = arith.constant 0 : index
    %get3A_9 = arith.constant 0 : index
    %get3A_10 = vector.load %arg1[%get3A_7, %get3A_8, %get3A_9] : memref<2x1024x128xf32, #tpu.memory_space<vmem>>, vector<1x1024x16xf32>
    %get3A_11 = vector.shape_cast %get3A_10 : vector<1x1024x16xf32> to vector<1024x16xf32>
    %get3A_12 = arith.constant 1 : index
    %get3A_13 = arith.constant 0 : index
    %get3A_14 = arith.constant 0 : index
    %get3A_15 = vector.load %arg1[%get3A_12, %get3A_13, %get3A_14] : memref<2x1024x128xf32, #tpu.memory_space<vmem>>, vector<1x1024x16xf32>
    %get3A_16 = vector.shape_cast %get3A_15 : vector<1x1024x16xf32> to vector<1024x16xf32>
    %add3A = arith.addf %get3A_11, %get3A_16 : vector<1024x16xf32>
    %mul3A = vector.broadcast %div3A_6 : vector<1024x1xf32> to vector<1024x16xf32>
    %mul3A_17 = arith.mulf %add3A, %mul3A : vector<1024x16xf32>
    %get3A_18 = arith.constant 0 : index
    %get3A_19 = arith.constant 0 : index
    %get3A_20 = vector.load %arg3[%get3A_18, %get3A_19] : memref<1024x16xf32, #tpu.memory_space<vmem>>, vector<1024x16xf32>
    %add3A_21 = arith.addf %mul3A_17, %get3A_20 : vector<1024x16xf32>
    %swap3A = arith.constant 0 : index
    %swap3A_22 = arith.constant 0 : index
    %swap3A_23 = vector.load %arg4[%swap3A, %swap3A_22] : memref<1024x16xf32, #tpu.memory_space<vmem>>, vector<1024x16xf32>
    tpu.vector_store %arg4[%swap3A, %swap3A_22], %add3A_21 {strides = array<i32>} : memref<1024x16xf32, #tpu.memory_space<vmem>>, vector<1024x16xf32>,
    return
  }
  func.func @transform_0(%arg0: i32) -> (i32, i32, i32) {
    %c0_i32 = arith.constant 0 : i32
    %c0_i32_0 = arith.constant 0 : i32
    %c0_i32_1 = arith.constant 0 : i32
    return %c0_i32, %arg0, %c0_i32_0 : i32, i32, i32
  }
  func.func @transform_1(%arg0: i32) -> (i32, i32) {
    %c0_i32 = arith.constant 0 : i32
    %c0_i32_0 = arith.constant 0 : i32
    return %arg0, %c0_i32 : i32, i32
  }
  func.func @transform_2(%arg0: i32) -> (i32, i32) {
    %c0_i32 = arith.constant 0 : i32
    %c0_i32_0 = arith.constant 0 : i32
    return %arg0, %c0_i32 : i32, i32
  }
  func.func @transform_3(%arg0: i32) -> (i32, i32) {
    %c0_i32 = arith.constant 0 : i32
    %c0_i32_0 = arith.constant 0 : i32
    return %arg0, %c0_i32 : i32, i32
  }
}

</mosaic_0001>

<sc_bundles>
// kernel: kernel.12.cloned.1.call-start
scs
__scs_entry_jumppad:
0x0: {  	(pc) =	sbr.rel $0x88, $3  }
0x1: {  	(tag) =	ssettag $0x0;
	lr =	simm.s32 $0x1  }
0x2: {  	[smem:$0x3F96] =	sst lr;
	_ =	strace $0xD0000000  }
0x3: {  	_ = 	snop  }
0x4: {  	_ = 	snop  }
0x5: {  	_ = 	snop  }
0x6: {  	_ = 	snop  }
0x7: {  	_ = 	snop  }
__scs_overlays_trampoline_lowered:
0x8: {  	[smem:$0x3FA5] =	sst s0  }
0x9: {  	[smem:$0x3FA6] =	sst s1  }
0xa: {  	[smem:$0x3FA7] =	sst s2  }
0xb: {  	[smem:$0x3FA8] =	sst s3  }
0xc: {  	[smem:$0x3FA9] =	sst s4  }
0xd: {  	[smem:$0x3FAA] =	sst s5  }
0xe: {  	[smem:$0x3FAB] =	sst s6  }
0xf: {  	[smem:$0x3FAC] =	sst s7  }
0x10: {  	[smem:$0x3FAD] =	sst s8  }
0x11: {  	[smem:$0x3FAE] =	sst s9;
	s0 =	simm.s32 @!p0 $0x0  }
0x12: {  	s1 =	sld [smem:$0x3F94];
	s0 =	simm.s32 @p0 $0x1  }
0x13: {  	[smem:$0x3FAF] =	sst s0;
	s0 =	simm.s32 @!p1 $0x0  }
0x14: {  	s2 =	sld [smem:$0x3F93];
	s0 =	simm.s32 @p1 $0x1  }
0x15: {  	[smem:$0x3FB0] =	sst s0;
	s0 =	simm.s32 @!p2 $0x0  }
0x16: {  	s3 =	sld [smem:$0x3FDB];
	s0 =	simm.s32 @p2 $0x1  }
0x17: {  	s4 =	simm.s32 $0x1BF5;
	[smem:$0x3FB2] =	sst s0  }
0x18: {  	s0 =	sld [smem:$0x3F95];
	_ =	swait.ge [sflag:s4], $0x0  }
0x19: {  	s7 =	sld [smem:$0x3F96]  }
0x1a: {  	s8 =	sadd.s32 $0xFFFFE003, lr  }
0x1b: {  	s9 =	sadd.s32 $0xFFFFFEF7, lr;
	s5 =	simm.s32 $0xFFFFFFFF;
	p2 =	slt.u32 s8, $0xFFFFF086  }
0x1c: {  	p1 =	slt.u32 s9, $0xF7A;
	s5 =	simm.s32 @!p2 $0x0  }
0x1d: {  	s5 =	simm.s32 @p1 $0x1;
	p0 =	seq.s32 s7, s2  }
0x1e: {  	s7 =	smul.u32 @!p0 $0xF7A, s2;
	p2 =	seq.s32 @!p0 s5, $0x0  }
0x1f: {  	s9 =	smul.u32 $0xF7A, s1;
	s8 =	simm.s32 @!p0 $0x1BF5;
	p2 =	por !p2, p0  }
0x20: {  	[sflag:s8] =	ssyncset.s32 @!p0 $0xFFFFF086;
	s6 =	sadd.s32 @!p0 s3, s7;
	s7 =	simm.s32 @!p0 $0x108  }
0x21: {  	s3 =	sadd.s32 s3, s9;
	s6 =	sadd.s32 @!p0 $0x88, s6;
	s7 =	simm.s32 @p2 $0x1082  }
0x22: {  	[simem:s7], [sflag:s8] =	dma.local @!p0 [hbm:s6], $0xF7A  }
0x23: {  	s9 =	sor.u32 $0xD0000000, s2;
	s6 =	simm.s32 $0x108;
	_ =	swait.ge @!p0 [sflag:s8], $0x0  }
0x24: {  	s3 =	sadd.s32 $0x88, s3;
	s6 =	simm.s32 @!p1 $0x1082;
	[sflag:s4] =	ssyncset.s32 $0xFFFFF086  }
0x25: {  	[simem:s6], [sflag:s4] =	dma.local [hbm:s3], $0xF7A  }
0x26: {  	[smem:$0x3F96] =	sst s1;
	(tag) =	ssettag s2;
	_ =	strace s9  }
0x27: {  	s1 =	sld [smem:$0x3FA6]  }
0x28: {  	s2 =	sld [smem:$0x3FA7]  }
0x29: {  	s4 =	sld [smem:$0x3FA9]  }
0x2a: {  	p0 =	seq.s32 s5, $0x0;
	s5 =	sld [smem:$0x3FAA]  }
0x2b: {  	s6 =	sld [smem:$0x3FAB]  }
0x2c: {  	s7 =	sld [smem:$0x3FAC]  }
0x2d: {  	s3 =	simm.s32 $0x108;
	s8 =	sld [smem:$0x3FAD]  }
0x2e: {  	s3 =	simm.s32 @!p0 $0x1082;
	s9 =	sld [smem:$0x3FAE]  }
0x2f: {  	lr =	sadd.s32 s0, s3;
	s0 =	sld [smem:$0x3FA5]  }
0x30: {  	s3 =	sld [smem:$0x3FA8]  }
0x31: {  	[smem:$0x3FB1] =	sst s10  }
0x32: {  	s10 =	sld [smem:$0x3FAF];
	_ =	sdelay $0x3  }
0x33: {  	p0 =	seq.s32 s10, $0x1;
	s10 =	sld [smem:$0x3FB1];
	_ =	sdelay $0x3  }
0x34: {  	[smem:$0x3FB1] =	sst s10  }
0x35: {  	s10 =	sld [smem:$0x3FB0];
	_ =	sdelay $0x3  }
0x36: {  	p1 =	seq.s32 s10, $0x1;
	s10 =	sld [smem:$0x3FB1];
	_ =	sdelay $0x3  }
0x37: {  	[smem:$0x3FB1] =	sst s10  }
0x38: {  	s10 =	sld [smem:$0x3FB2]  }
0x39: {  	_ = 	snop;
	(pc) =	sbr.ind lr, $3  }
0x3a: {  	_ = 	snop  }
0x3b: {  	_ = 	snop  }
0x3c: {  	p2 =	seq.s32 s10, $0x1;
	s10 =	sld [smem:$0x3FB1]  }
0x3d: {  	_ =	shalt  }
0x3e: {  	_ =	shalt  }
0x3f: {  	_ =	shalt  }
0x40: {  	_ =	shalt  }
0x41: {  	_ =	shalt  }
0x42: {  	_ =	shalt  }
0x43: {  	_ =	shalt  }
0x44: {  	_ =	shalt  }
0x45: {  	_ =	shalt  }
0x46: {  	_ =	shalt  }
0x47: {  	_ =	shalt  }
0x48: {  	_ =	shalt  }
0x49: {  	_ =	shalt  }
0x4a: {  	_ =	shalt  }
0x4b: {  	_ =	shalt  }
0x4c: {  	_ =	shalt  }
0x4d: {  	_ =	shalt  }
0x4e: {  	_ =	shalt  }
0x4f: {  	_ =	shalt  }
0x50: {  	_ =	shalt  }
0x51: {  	_ =	shalt  }
0x52: {  	_ =	shalt  }
0x53: {  	_ =	shalt  }
0x54: {  	_ =	shalt  }
0x55: {  	_ =	shalt  }
0x56: {  	_ =	shalt  }
0x57: {  	_ =	shalt  }
0x58: {  	_ =	shalt  }
0x59: {  	_ =	shalt  }
0x5a: {  	_ =	shalt  }
0x5b: {  	_ =	shalt  }
0x5c: {  	_ =	shalt  }
0x5d: {  	_ =	shalt  }
0x5e: {  	_ =	shalt  }
0x5f: {  	_ =	shalt  }
0x60: {  	_ =	shalt  }
0x61: {  	_ =	shalt  }
0x62: {  	_ =	shalt  }
0x63: {  	_ =	shalt  }
0x64: {  	_ =	shalt  }
0x65: {  	_ =	shalt  }
0x66: {  	_ =	shalt  }
0x67: {  	_ =	shalt  }
0x68: {  	_ =	shalt  }
0x69: {  	_ =	shalt  }
0x6a: {  	_ =	shalt  }
0x6b: {  	_ =	shalt  }
0x6c: {  	_ =	shalt  }
0x6d: {  	_ =	shalt  }
0x6e: {  	_ =	shalt  }
0x6f: {  	_ =	shalt  }
0x70: {  	_ =	shalt  }
0x71: {  	_ =	shalt  }
0x72: {  	_ =	shalt  }
0x73: {  	_ =	shalt  }
0x74: {  	_ =	shalt  }
0x75: {  	_ =	shalt  }
0x76: {  	_ =	shalt  }
0x77: {  	_ =	shalt  }
0x78: {  	_ =	shalt  }
0x79: {  	_ =	shalt  }
0x7a: {  	_ =	shalt  }
0x7b: {  	_ =	shalt  }
0x7c: {  	_ =	shalt  }
0x7d: {  	_ =	shalt  }
0x7e: {  	_ =	shalt  }
0x7f: {  	_ =	shalt  }
0x80: {  	_ =	shalt  }
0x81: {  	_ =	shalt  }
0x82: {  	_ =	shalt  }
0x83: {  	_ =	shalt  }
0x84: {  	_ =	shalt  }
0x85: {  	_ =	shalt  }
0x86: {  	_ =	shalt  }
0x87: {  	_ =	shalt  }
.Lfunc_end0:
.L_simem_size_0:
called_computation.1_lowered:
.L_overlay_start_0:
0x88: {  	s2 =	sld [smem:$0x3FD9]  }
0x89: {  	s3 =	sld [smem:$0x3FFE];
	_ =	sdelay $0x1  }
0x8a: {  	s1 =	srdreg.scid  }
0x8b: {  	s0 =	sand.u32 $0x1, s1  }
0x8c: {  	s16 =	sshll.u32 s0, $0xA;
	s2 =	sadd.s32 s3, s2  }
0x8d: {  	s2 =	sadd.s32 s2, s16  }
0x8e: {  	[smem:$0x3FBD] =	sst s2  }
0x8f: {  	_ = 	snop  }
0x90: {  	(tm) =	ssettm $0x1  }
0x91: {  	s17 =	sld [smem:$0x3FFB];
	_ =	sdelay $0x3  }
0x92: {  	_ =	strace s17  }
0x93: {  	s2 =	sld [smem:$0x3FFC];
	_ =	sdelay $0x3  }
0x94: {  	_ =	strace s2  }
0x95: {  	s2 =	sld [smem:$0x3FFD];
	_ =	sdelay $0x3  }
0x96: {  	_ =	strace s2  }
0x97: {  	_ =	strace $0x8FFFFFFF  }
0x98: {  	s18 =	sld [smem:$0x3FDB];
	_ =	sdelay $0x1  }
0x99: {  	s19 =	simm.s32 $_scs_section_size  }
0x9a: {  	s4 =	simm.s32 $_size__tile_overlayer_lowered;
	s5 =	simm.s32 $_tile_overlayer_lowered  }
0x9b: {  	s22 =	simm.s32 $0x1BFF;
	s21 =	sshll.u32 s5, $0x1;
	s2 =	sadd.s32 s19, s18  }
0x9c: {  	s6 =	simm.s32 $0x0;
	s20 =	sshll.u32 s4, $0x1;
	s4 =	sadd.s32 s21, s2  }
0x9d: {  	[timem:s6], [sflag:s22] =	dma.local [hbm:s4], s20  }
0x9e: {  	_ =	swait.ge [sflag:s22], s20  }
0x9f: {  	s3 =	ssub.s32 $0x0, s20;
	[sflag:s22] =	ssyncset.done $0x0  }
0xa0: {  	[sflag:s22] =	ssyncadd.s32 s3;
	_ =	sdelay $0x1  }
0xa1: {  	s23 =	simm.s32 $0x1B8B  }
0xa2: {  	_ =	swait.ge [sflag:s23], $0x1  }
0xa3: {  	[sflag:s23] =	ssyncset.done $0x0  }
0xa4: {  	s25 =	simm.s32 $0x1B8E;
	s24 =	sld [smem:$0x3FFE];
	[sflag:s23] =	ssyncadd.s32 $0xFFFFFFFF  }
0xa5: {  	s26 =	simm.s32 $execute0_lowered;
	[smem:$0x3FD2] =	sst s25  }
0xa6: {  	s4 =	sshll.u32 s26, $0x1;
	_ =	strace $0x80000049;
	[dreg:$0x1] =	wrdreg $0xFFFFFFFF  }
0xa7: {  	s28 =	simm.s32 $_size_execute0_lowered;
	s2 =	sadd.s32 s2, s4;
	[dreg:$0x0] =	wrdreg $0x0  }
0xa8: {  	s4 =	sshll.u32 s28, $0x1;
	[dreg:$0x2] =	wrdreg s2  }
0xa9: {  	[dreg:$0x3] =	wrdreg s4  }
0xaa: {  	[dreg:$0x4] =	wrdreg $0xC0  }
0xab: {  	_ =	task [dreg:s6], $0x5FFFF  }
0xac: {  	[dreg:$0x1] =	wrdreg $0xFFFFFFFF  }
0xad: {  	[dreg:$0x0] =	wrdreg $0x60  }
0xae: {  	[dreg:$0x2] =	wrdreg s24  }
0xaf: {  	[dreg:$0x3] =	wrdreg $0x29000  }
0xb0: {  	[dreg:$0x4] =	wrdreg $0x9  }
0xb1: {  	_ =	task.clear_ibuf [dreg:s6], $0x5FFFF;
	_ =	strace $0x90000049  }
0xb2: {  	s29 =	simm.s32 $0x9;
	_ =	strace $0x8000004B  }
0xb3: {  	_ =	swait.ge [sflag:s29], $0x1  }
0xb4: {  	[sflag:s29] =	ssyncadd.s32 $0xFFFFFFFF  }
0xb5: {  	_ =	strace $0x9000004B  }
0xb6: {  	_ =	sfence  }
0xb7: {  	s30 =	sld [smem:$0x0];
	_ =	sdelay $0x2  }
0xb8: {  	s31 =	sshll.u32 s1, $0xD;
	s1 =	sshrl.u32 s1, $0x2  }
0xb9: {  	s3 =	sand.u32 $0x4000, s31;
	s1 =	sadd.s32 s1, s30  }
0xba: {  	s0 =	sor.u32 s3, s0;
	s1 =	sshll.u32 s1, $0x11  }
0xbb: {  	s0 =	sor.u32 s1, s0  }
0xbc: {  	s0 =	sadd.s32 $0x8F2B, s0  }
0xbd: {  	[sflag:s0] =	ssyncadd.remote.s32 $0x1  }
0xbe: {  	_ =	sfence.sel $0xFFFF  }
0xbf: {  	[dreg:$0x0] =	wrdreg $0xFFFFFFFF;
	(pc) =	sbr.abs _section_cstart, $3  }
0xc0: {  	[dreg:$0x1] =	wrdreg $0xFFFFFFFF  }
0xc1: {  	_ =	task.clear_ibuf [dreg:s6], $0x2FFFF;
	_ =	strace $0x9FFFFFFF  }
0xc2: {  	(tm) =	ssettm $0x7FFFFFFF  }
0xc3: {  	_ =	shalt  }
tec
execute0_lowered:
.L_overlay_start_1:
0x0: {  	(tag) =	ssettag $0x1  }
0x1: {  	s1 =	srdreg.scid  }
0x2: {  	s0 =	stileid.u32;
	s5 =	rddreg [dreg:$0x0]  }
0x3: {  	s2 =	rddreg [dreg:$0x1];
	s3 =	simm.s32 $0x0;
	s4 =	smul.u32 $0x4E20, s0  }
0x4: {  	s28 =	simm.s32 $0x50;
	s29 =	simm.s32 $0x1;
	s7 =	smul.u32 $0x50000, s0  }
0x5: {  	s30 =	simm.s32 $0x0;
	s1 =	sand.u32 $0x1, s1;
	s12 =	smul.u32 $0x14000, s0  }
0x6: {  	[smem:$0x7FF] =	sst s3;
	s20 =	sadd.s32 $0x3D000, s5;
	s6 =	smul.u32 $0x2710, s1  }
0x7: {  	_ =	strace $0x8000004A;
	s25 =	ssub.s32 $0x2, s1;
	s1 =	smul.u32 $0x140000, s1  }
0x8: {  	s8 =	sshrl.u32 s25, $0x1;
	s7 =	sshrl.u32 s7, $0x2;
	s13 =	sor.u32 $0x2800, s12  }
0x9: {  	s15 =	sadd.s32 $0x5000, s12;
	s16 =	sadd.s32 $0x7800, s12;
	s17 =	sadd.s32 $0xA000, s12  }
0xa: {  	s18 =	sadd.s32 $0xC800, s12;
	s19 =	sadd.s32 $0xF000, s12;
	s22 =	sadd.s32 $0x11800, s12  }
0xb: {  	s4 =	sadd.s32 s6, s4;
	s21 =	ssub.s32 s25, s8;
	s8 =	sadd.s32 s16, s2  }
0xc: {  	s9 =	sadd.s32 s17, s2;
	s10 =	sadd.s32 s18, s2;
	s11 =	sadd.s32 s19, s2  }
0xd: {  	s14 =	sadd.s32 s12, s1;
	s12 =	sadd.s32 s22, s2;
	s16 =	sadd.s32 s1, s16  }
0xe: {  	s17 =	sadd.s32 s1, s17;
	s18 =	sadd.s32 s1, s18;
	s19 =	sadd.s32 s1, s19  }
0xf: {  	s25 =	simm.s32 $0x2;
	s6 =	sshrl.u32 s4, $0x3;
	s4 =	sadd.s32 $0x15000, s5  }
0x10: {  	s14 =	sshrl.u32 s14, $0x3;
	s16 =	sshrl.u32 s16, $0x3;
	s17 =	sshrl.u32 s17, $0x3  }
0x11: {  	s18 =	sshrl.u32 s18, $0x3;
	s19 =	sshrl.u32 s19, $0x3;
	s21 =	smax.u32 s21, $0x1  }
0x12: {  	s23 =	sadd.s32 s6, s5;
	s5 =	sadd.s32 s7, s2;
	s6 =	sadd.s32 s13, s2  }
0x13: {  	s7 =	sadd.s32 s15, s2;
	s13 =	sadd.s32 s1, s13;
	s26 =	sadd.s32 s20, s14  }
0x14: {  	s15 =	sadd.s32 s1, s15;
	s16 =	sadd.s32 s20, s16;
	s17 =	sadd.s32 s20, s17  }
0x15: {  	s1 =	sadd.s32 s1, s22;
	s18 =	sadd.s32 s20, s18;
	s19 =	sadd.s32 s20, s19  }
0x16: {  	s24 =	sshrl.u32 s13, $0x3;
	[dreg:$0x3] =	wrdreg s26;
	s15 =	sshrl.u32 s15, $0x3  }
0x17: {  	s1 =	sshrl.u32 s1, $0x3;
	s22 =	sadd.s32 $0x1400, s23;
	s23 =	sadd.s32 $0xB200, s23  }
0x18: {  	s26 =	simm.s32 $0x80;
	s31 =	sadd.s32 s20, s24;
	s15 =	sadd.s32 s20, s15  }
0x19: {  	v0 =	vimm.f32 $0.0e+00;
	s20 =	sadd.s32 s20, s1;
	s24 =	simm.s32 $0x100;
	[dreg:$0x4] =	wrdreg s31  }
.LBB2_1:
0x1a: {  	s31 =	simm.s32 $0x0;
	s1 =	simm.s32 $0x200  }
.LBB2_2:
0x1b: {  	p0 =	sne.s32 s1, $0x9E00;
	[tilespmem:s31+$0x170] =	vst v0  }
0x1c: {  	[tilespmem:s31+$0x100] =	vst v0  }
0x1d: {  	[tilespmem:s31+$0x110] =	vst v0  }
.Ltmp0:
0x1e: {  	[tilespmem:s31+$0x120] =	vst v0;
	(pc) =	sbr.rel @p0 .LBB2_2-.Ltmp0, $4  }
0x1f: {  	[tilespmem:s31+$0x130] =	vst v0  }
0x20: {  	[tilespmem:s31+$0x140] =	vst v0  }
0x21: {  	[tilespmem:s31+$0x150] =	vst v0  }
0x22: {  	[tilespmem:s31+$0x160] =	vst v0;
	s31 =	sshra.s32 s1, $0x2;
	s1 =	sadd.s32 $0x200, s1  }
0x23: {  	[tilespmem:s31+$0x170] =	vst v0  }
0x24: {  	[tilespmem:s31+$0x100] =	vst v0  }
0x25: {  	[tilespmem:s31+$0x110] =	vst v0  }
0x26: {  	[tilespmem:s31+$0x120] =	vst v0  }
0x27: {  	[tilespmem:s31+$0x130] =	vst v0  }
0x28: {  	[tilespmem:s31+$0x140] =	vst v0  }
0x29: {  	[tilespmem:s31+$0x150] =	vst v0  }
0x2a: {  	[tilespmem:s31+$0x160] =	vst v0  }
0x2b: {  	[spmem:s5] =	stream.linear.scatter [tilespmem:s24], [sflag:$0x2], $0x2800, $0x38;
	[tilespmem:$0x16900] =	vst v63  }
0x2c: {  	_ =	swait.ge [sflag:s25], $0x2800  }
0x2d: {  	[sflag:s25] =	ssyncset.done $0x0  }
0x2e: {  	[sflag:s25] =	ssyncadd.s32 $0xFFFFD800  }
0x2f: {  	[spmem:s6] =	stream.linear.scatter [tilespmem:s24], [sflag:$0x2], $0x2800, $0x38;
	[tilespmem:$0x16900] =	vst v63  }
0x30: {  	_ =	swait.ge [sflag:s25], $0x2800  }
0x31: {  	[sflag:s25] =	ssyncset.done $0x0  }
0x32: {  	[sflag:s25] =	ssyncadd.s32 $0xFFFFD800  }
0x33: {  	[spmem:s7] =	stream.linear.scatter [tilespmem:s24], [sflag:$0x2], $0x2800, $0x38;
	[tilespmem:$0x16900] =	vst v63  }
0x34: {  	_ =	swait.ge [sflag:s25], $0x2800  }
0x35: {  	[sflag:s25] =	ssyncset.done $0x0  }
0x36: {  	[sflag:s25] =	ssyncadd.s32 $0xFFFFD800  }
0x37: {  	[spmem:s8] =	stream.linear.scatter [tilespmem:s24], [sflag:$0x2], $0x2800, $0x38;
	[tilespmem:$0x16900] =	vst v63  }
0x38: {  	_ =	swait.ge [sflag:s25], $0x2800  }
0x39: {  	[sflag:s25] =	ssyncset.done $0x0  }
0x3a: {  	[sflag:s25] =	ssyncadd.s32 $0xFFFFD800  }
0x3b: {  	[spmem:s9] =	stream.linear.scatter [tilespmem:s24], [sflag:$0x2], $0x2800, $0x38;
	[tilespmem:$0x16900] =	vst v63  }
0x3c: {  	_ =	swait.ge [sflag:s25], $0x2800  }
0x3d: {  	[sflag:s25] =	ssyncset.done $0x0  }
0x3e: {  	[sflag:s25] =	ssyncadd.s32 $0xFFFFD800  }
0x3f: {  	[spmem:s10] =	stream.linear.scatter [tilespmem:s24], [sflag:$0x2], $0x2800, $0x38;
	[tilespmem:$0x16900] =	vst v63  }
0x40: {  	_ =	swait.ge [sflag:s25], $0x2800  }
0x41: {  	[sflag:s25] =	ssyncset.done $0x0  }
0x42: {  	[sflag:s25] =	ssyncadd.s32 $0xFFFFD800  }
0x43: {  	[spmem:s11] =	stream.linear.scatter [tilespmem:s24], [sflag:$0x2], $0x2800, $0x38;
	[tilespmem:$0x16900] =	vst v63  }
0x44: {  	_ =	swait.ge [sflag:s25], $0x2800  }
0x45: {  	[sflag:s25] =	ssyncset.done $0x0  }
0x46: {  	[sflag:s25] =	ssyncadd.s32 $0xFFFFD800  }
0x47: {  	[spmem:s12] =	stream.linear.scatter [tilespmem:s24], [sflag:$0x2], $0x2800, $0x38;
	[tilespmem:$0x16900] =	vst v63  }
0x48: {  	_ =	swait.ge [sflag:s25], $0x2800  }
0x49: {  	[sflag:s25] =	ssyncset.done $0x0  }
0x4a: {  	[sflag:s25] =	ssyncadd.s32 $0xFFFFD800  }
0x4b: {  	s1 =	sadd.s32 $0x0, s23;
	[bflag:$0x0] =	sbarrier.arrive $0xFFFF  }
0x4c: {  	[tilespmem:s3], [sflag:$0x2] =	stream.linear.gather [hbm4b:s1+s3], $0x50, $0x38;
	[tilespmem:$0x16900] =	vst v63  }
0x4d: {  	_ =	swait.ge [sflag:s25], $0x50  }
0x4e: {  	[sflag:s25] =	ssyncset.done $0x0  }
0x4f: {  	s14 =	sadd.s32 $0x0, s22;
	[sflag:s25] =	ssyncadd.s32 $0xFFFFFFB0  }
0x50: {  	[tilespmem:s26], [sflag:$0x2] =	stream.linear.gather [hbm4b:s14+s3], $0x50, $0x38;
	[tilespmem:$0x16900] =	vst v63  }
0x51: {  	_ =	swait.ge [sflag:s25], $0x50  }
0x52: {  	[sflag:s25] =	ssyncset.done $0x0  }
0x53: {  	[sflag:s25] =	ssyncadd.s32 $0xFFFFFFB0  }
0x54: {  	[tilespmem:s24], [sflag:$0x1] =	stream.indirect.gather [hbm4b:s4+s28], $0x80, s3, s28, $0xb8;
	[tilespmem:$0x16900] =	vst v63  }
0x55: {  	_ =	swait.ge [sflag:s29], $0x2800  }
0x56: {  	[sflag:s29] =	ssyncset.done $0x0  }
0x57: {  	[sflag:s29] =	ssyncadd.s32 $0xFFFFD800  }
0x58: {  	[spmem:s2] =	stream.indirect.scatter.add.f32 [tilespmem:s24], [sflag:$0x2], $0x80, s26, s28, $0xb8;
	[tilespmem:$0x16900] =	vst v63  }
0x59: {  	_ =	swait.ge [sflag:s25], $0x2800  }
0x5a: {  	s31 =	simm.s32 $0xA;
	s1 =	simm.s32 $0x14;
	[sflag:s25] =	ssyncset.done $0x0  }
.LBB2_4:
0x5b: {  	s0 =	sadd.s32 s31, s23  }
0x5c: {  	[sflag:s25] =	ssyncadd.s32 $0xFFFFD800;
	s13 =	smov.u32 s1;
	s14 =	sadd.s32 $0xA, s1  }
0x5d: {  	[tilespmem:s3], [sflag:$0x2] =	stream.linear.gather [hbm4b:s0+s3], $0x50, $0x38;
	[tilespmem:$0x16900] =	vst v63  }
0x5e: {  	p0 =	sne.s32 s1, $0x4D8;
	_ =	swait.ge [sflag:s25], $0x50  }
0x5f: {  	[sflag:s25] =	ssyncset.done $0x0  }
0x60: {  	s0 =	sadd.s32 s31, s22;
	s31 =	smov.u32 s13;
	[sflag:s25] =	ssyncadd.s32 $0xFFFFFFB0  }
0x61: {  	[tilespmem:s26], [sflag:$0x2] =	stream.linear.gather [hbm4b:s0+s3], $0x50, $0x38;
	[tilespmem:$0x16900] =	vst v63  }
0x62: {  	_ =	swait.ge [sflag:s25], $0x50  }
0x63: {  	[sflag:s25] =	ssyncset.done $0x0  }
0x64: {  	[sflag:s25] =	ssyncadd.s32 $0xFFFFFFB0  }
0x65: {  	[tilespmem:s24], [sflag:$0x1] =	stream.indirect.gather [hbm4b:s4+s28], $0x80, s3, s28, $0xb8;
	[tilespmem:$0x16900] =	vst v63  }
0x66: {  	_ =	swait.ge [sflag:s29], $0x2800  }
.Ltmp1:
0x67: {  	[sflag:s29] =	ssyncset.done $0x0;
	(pc) =	sbr.rel @p0 .LBB2_4-.Ltmp1, $4  }
0x68: {  	[sflag:s29] =	ssyncadd.s32 $0xFFFFD800  }
0x69: {  	[spmem:s2] =	stream.indirect.scatter.add.f32 [tilespmem:s24], [sflag:$0x2], $0x80, s26, s28, $0xb8;
	[tilespmem:$0x16900] =	vst v63  }
0x6a: {  	_ =	swait.ge [sflag:s25], $0x2800  }
0x6b: {  	s1 =	smov.u32 s14;
	[sflag:s25] =	ssyncset.done $0x0  }
0x6c: {  	s0 =	sadd.s32 s31, s23;
	[sflag:s25] =	ssyncadd.s32 $0xFFFFD800  }
0x6d: {  	[tilespmem:s3], [sflag:$0x2] =	stream.linear.gather [hbm4b:s0+s3], $0x50, $0x38;
	[tilespmem:$0x16900] =	vst v63  }
0x6e: {  	_ =	swait.ge [sflag:s25], $0x50  }
0x6f: {  	[sflag:s25] =	ssyncset.done $0x0  }
0x70: {  	s13 =	sadd.s32 s31, s22;
	[sflag:s25] =	ssyncadd.s32 $0xFFFFFFB0  }
0x71: {  	[tilespmem:s26], [sflag:$0x2] =	stream.linear.gather [hbm4b:s13+s3], $0x50, $0x38;
	[tilespmem:$0x16900] =	vst v63  }
0x72: {  	_ =	swait.ge [sflag:s25], $0x50  }
0x73: {  	[sflag:s25] =	ssyncset.done $0x0  }
0x74: {  	[sflag:s25] =	ssyncadd.s32 $0xFFFFFFB0  }
0x75: {  	[tilespmem:s24], [sflag:$0x1] =	stream.indirect.gather [hbm4b:s4+s28], $0x80, s3, s28, $0xb8;
	[tilespmem:$0x16900] =	vst v63  }
0x76: {  	_ =	swait.ge [sflag:s29], $0x2800  }
0x77: {  	[sflag:s29] =	ssyncset.done $0x0  }
0x78: {  	[sflag:s29] =	ssyncadd.s32 $0xFFFFD800  }
0x79: {  	[spmem:s2] =	stream.indirect.scatter.add.f32 [tilespmem:s24], [sflag:$0x2], $0x80, s26, s28, $0xb8;
	[tilespmem:$0x16900] =	vst v63  }
0x7a: {  	_ =	swait.ge [sflag:s25], $0x2800  }
0x7b: {  	[sflag:s25] =	ssyncset.done $0x0  }
0x7c: {  	[sflag:s25] =	ssyncadd.s32 $0xFFFFD800  }
0x7d: {  	[bflag:$0x0] =	sbarrier.arrive $0xFFFF  }
0x7e: {  	[tilespmem:s24], [sflag:$0x2] =	stream.linear.gather [spmem:s5], $0x2800, $0x38;
	[tilespmem:$0x16900] =	vst v63  }
0x7f: {  	_ =	swait.ge [sflag:s25], $0x2800  }
0x80: {  	[sflag:s25] =	ssyncset.done $0x0  }
0x81: {  	s14 =	rddreg [dreg:$0x3];
	[sflag:s25] =	ssyncadd.s32 $0xFFFFD800  }
0x82: {  	[hbm4b:s14+s3] =	stream.linear.scatter [tilespmem:s24], [sflag:$0x2], $0x2800, $0x38;
	[tilespmem:$0x16900] =	vst v63  }
0x83: {  	_ =	swait.ge [sflag:s25], $0x2800  }
0x84: {  	[sflag:s25] =	ssyncset.done $0x0  }
0x85: {  	[sflag:s25] =	ssyncadd.s32 $0xFFFFD800  }
0x86: {  	[tilespmem:s24], [sflag:$0x2] =	stream.linear.gather [spmem:s6], $0x2800, $0x38;
	[tilespmem:$0x16900] =	vst v63  }
0x87: {  	_ =	swait.ge [sflag:s25], $0x2800  }
0x88: {  	[sflag:s25] =	ssyncset.done $0x0  }
0x89: {  	s31 =	rddreg [dreg:$0x4];
	[sflag:s25] =	ssyncadd.s32 $0xFFFFD800  }
0x8a: {  	[hbm4b:s31+s3] =	stream.linear.scatter [tilespmem:s24], [sflag:$0x2], $0x2800, $0x38;
	[tilespmem:$0x16900] =	vst v63  }
0x8b: {  	_ =	swait.ge [sflag:s25], $0x2800  }
0x8c: {  	[sflag:s25] =	ssyncset.done $0x0  }
0x8d: {  	[sflag:s25] =	ssyncadd.s32 $0xFFFFD800  }
0x8e: {  	[tilespmem:s24], [sflag:$0x2] =	stream.linear.gather [spmem:s7], $0x2800, $0x38;
	[tilespmem:$0x16900] =	vst v63  }
0x8f: {  	_ =	swait.ge [sflag:s25], $0x2800  }
0x90: {  	[sflag:s25] =	ssyncset.done $0x0  }
0x91: {  	[sflag:s25] =	ssyncadd.s32 $0xFFFFD800  }
0x92: {  	[hbm4b:s15+s3] =	stream.linear.scatter [tilespmem:s24], [sflag:$0x2], $0x2800, $0x38;
	[tilespmem:$0x16900] =	vst v63  }
0x93: {  	_ =	swait.ge [sflag:s25], $0x2800  }
0x94: {  	[sflag:s25] =	ssyncset.done $0x0  }
0x95: {  	[sflag:s25] =	ssyncadd.s32 $0xFFFFD800  }
0x96: {  	[tilespmem:s24], [sflag:$0x2] =	stream.linear.gather [spmem:s8], $0x2800, $0x38;
	[tilespmem:$0x16900] =	vst v63  }
0x97: {  	_ =	swait.ge [sflag:s25], $0x2800  }
0x98: {  	[sflag:s25] =	ssyncset.done $0x0  }
0x99: {  	[sflag:s25] =	ssyncadd.s32 $0xFFFFD800  }
0x9a: {  	[hbm4b:s16+s3] =	stream.linear.scatter [tilespmem:s24], [sflag:$0x2], $0x2800, $0x38;
	[tilespmem:$0x16900] =	vst v63  }
0x9b: {  	_ =	swait.ge [sflag:s25], $0x2800  }
0x9c: {  	[sflag:s25] =	ssyncset.done $0x0  }
0x9d: {  	[sflag:s25] =	ssyncadd.s32 $0xFFFFD800  }
0x9e: {  	[tilespmem:s24], [sflag:$0x2] =	stream.linear.gather [spmem:s9], $0x2800, $0x38;
	[tilespmem:$0x16900] =	vst v63  }
0x9f: {  	_ =	swait.ge [sflag:s25], $0x2800  }
0xa0: {  	[sflag:s25] =	ssyncset.done $0x0  }
0xa1: {  	[sflag:s25] =	ssyncadd.s32 $0xFFFFD800  }
0xa2: {  	[hbm4b:s17+s3] =	stream.linear.scatter [tilespmem:s24], [sflag:$0x2], $0x2800, $0x38;
	[tilespmem:$0x16900] =	vst v63  }
0xa3: {  	_ =	swait.ge [sflag:s25], $0x2800  }
0xa4: {  	[sflag:s25] =	ssyncset.done $0x0  }
0xa5: {  	[sflag:s25] =	ssyncadd.s32 $0xFFFFD800  }
0xa6: {  	[tilespmem:s24], [sflag:$0x2] =	stream.linear.gather [spmem:s10], $0x2800, $0x38;
	[tilespmem:$0x16900] =	vst v63  }
0xa7: {  	_ =	swait.ge [sflag:s25], $0x2800  }
0xa8: {  	[sflag:s25] =	ssyncset.done $0x0  }
0xa9: {  	[sflag:s25] =	ssyncadd.s32 $0xFFFFD800  }
0xaa: {  	[hbm4b:s18+s3] =	stream.linear.scatter [tilespmem:s24], [sflag:$0x2], $0x2800, $0x38;
	[tilespmem:$0x16900] =	vst v63  }
0xab: {  	_ =	swait.ge [sflag:s25], $0x2800  }
0xac: {  	[sflag:s25] =	ssyncset.done $0x0  }
0xad: {  	[sflag:s25] =	ssyncadd.s32 $0xFFFFD800  }
0xae: {  	[tilespmem:s24], [sflag:$0x2] =	stream.linear.gather [spmem:s11], $0x2800, $0x38;
	[tilespmem:$0x16900] =	vst v63  }
0xaf: {  	_ =	swait.ge [sflag:s25], $0x2800  }
0xb0: {  	[sflag:s25] =	ssyncset.done $0x0  }
0xb1: {  	[sflag:s25] =	ssyncadd.s32 $0xFFFFD800  }
0xb2: {  	[hbm4b:s19+s3] =	stream.linear.scatter [tilespmem:s24], [sflag:$0x2], $0x2800, $0x38;
	[tilespmem:$0x16900] =	vst v63  }
0xb3: {  	_ =	swait.ge [sflag:s25], $0x2800  }
0xb4: {  	[sflag:s25] =	ssyncset.done $0x0  }
0xb5: {  	[sflag:s25] =	ssyncadd.s32 $0xFFFFD800  }
0xb6: {  	[tilespmem:s24], [sflag:$0x2] =	stream.linear.gather [spmem:s12], $0x2800, $0x38;
	[tilespmem:$0x16900] =	vst v63  }
0xb7: {  	s30 =	sadd.s32 $0x1, s30;
	_ =	swait.ge [sflag:s25], $0x2800  }
0xb8: {  	p0 =	sne.s32 s30, s21;
	[sflag:s25] =	ssyncset.done $0x0  }
.Ltmp2:
0xb9: {  	[sflag:s25] =	ssyncadd.s32 $0xFFFFD800;
	(pc) =	sbr.rel @p0 .LBB2_1-.Ltmp2, $4  }
0xba: {  	[hbm4b:s20+s3] =	stream.linear.scatter [tilespmem:s24], [sflag:$0x2], $0x2800, $0x38;
	[tilespmem:$0x16900] =	vst v63  }
0xbb: {  	_ =	swait.ge [sflag:s25], $0x2800  }
0xbc: {  	[sflag:s25] =	ssyncset.done $0x0  }
0xbd: {  	[sflag:s25] =	ssyncadd.s32 $0xFFFFD800  }
0xbe: {  	_ =	sfence.sel $0x180000  }
0xbf: {  	[bflag:$0x0] =	sbarrier.arrive $0xFFFF  }
0xc0: {  	_ =	strace $0x9000004A  }
0xc1: {  	s0 =	stileid.u32;
	[bflag:$0x2] =	sbarrier.arrive $0xFFFF  }
0xc2: {  	p0 =	sne.s32 s0, $0x0;
	s0 =	rddreg [dreg:$0x2]  }
0xc3: {  	s0 =	sadd.s32 @!p0 $0x100000, s0  }
0xc4: {  	[sflag:s0] =	ssyncadd.tile.s32 @!p0 $0x1;
	_ =	shalt  }
.Lfunc_end2:
_tile_overlayer_lowered:
.L_overlay_start_2:
0xc5: {  	(tag) =	ssettag $0x2  }
0xc6: {  	s0 =	rddreg [dreg:$0x0];
	s2 =	stileid.u32  }
0xc7: {  	s1 =	rddreg [dreg:$0x1];
	p0 =	sne.s32 s2, $0x0  }
0xc8: {  	s3 =	rddreg [dreg:$0x2];
	[bflag:$0x3] =	sbarrier.arrive $0xFFFF;
	s2 =	simm.s32 @!p0 $0x1C02  }
0xc9: {  	[timem:s3], [sflag:s2] =	dma.local @!p0 [hbm:s0], s1  }
0xca: {  	s0 =	simm.s32 @!p0 $0x2  }
0xcb: {  	_ =	swait.ge @!p0 [sflag:s0], s1  }
0xcc: {  	s1 =	ssub.s32 @!p0 $0x0, s1;
	[sflag:s0] =	ssyncset.done @!p0 $0x0  }
0xcd: {  	[sflag:s0] =	ssyncadd.s32 @!p0 s1  }
0xce: {  	[bflag:$0x3] =	sbarrier.arrive $0xFFFF  }
0xcf: {  	_ =	shalt  }

// kernel: kernel.15.cloned.1.call-start
scs
__scs_entry_jumppad:
0x0: {  	(pc) =	sbr.rel $0x88, $3  }
0x1: {  	(tag) =	ssettag $0x0;
	lr =	simm.s32 $0x1  }
0x2: {  	[smem:$0x3F96] =	sst lr;
	_ =	strace $0xD0000000  }
0x3: {  	_ = 	snop  }
0x4: {  	_ = 	snop  }
0x5: {  	_ = 	snop  }
0x6: {  	_ = 	snop  }
0x7: {  	_ = 	snop  }
__scs_overlays_trampoline_lowered:
0x8: {  	[smem:$0x3FA5] =	sst s0  }
0x9: {  	[smem:$0x3FA6] =	sst s1  }
0xa: {  	[smem:$0x3FA7] =	sst s2  }
0xb: {  	[smem:$0x3FA8] =	sst s3  }
0xc: {  	[smem:$0x3FA9] =	sst s4  }
0xd: {  	[smem:$0x3FAA] =	sst s5  }
0xe: {  	[smem:$0x3FAB] =	sst s6  }
0xf: {  	[smem:$0x3FAC] =	sst s7  }
0x10: {  	[smem:$0x3FAD] =	sst s8  }
0x11: {  	[smem:$0x3FAE] =	sst s9;
	s0 =	simm.s32 @!p0 $0x0  }
0x12: {  	s1 =	sld [smem:$0x3F94];
	s0 =	simm.s32 @p0 $0x1  }
0x13: {  	[smem:$0x3FAF] =	sst s0;
	s0 =	simm.s32 @!p1 $0x0  }
0x14: {  	s2 =	sld [smem:$0x3F93];
	s0 =	simm.s32 @p1 $0x1  }
0x15: {  	[smem:$0x3FB0] =	sst s0;
	s0 =	simm.s32 @!p2 $0x0  }
0x16: {  	s3 =	sld [smem:$0x3FDB];
	s0 =	simm.s32 @p2 $0x1  }
0x17: {  	s4 =	simm.s32 $0x1BF5;
	[smem:$0x3FB2] =	sst s0  }
0x18: {  	s0 =	sld [smem:$0x3F95];
	_ =	swait.ge [sflag:s4], $0x0  }
0x19: {  	s7 =	sld [smem:$0x3F96]  }
0x1a: {  	s8 =	sadd.s32 $0xFFFFE003, lr  }
0x1b: {  	s9 =	sadd.s32 $0xFFFFFEF7, lr;
	s5 =	simm.s32 $0xFFFFFFFF;
	p2 =	slt.u32 s8, $0xFFFFF086  }
0x1c: {  	p1 =	slt.u32 s9, $0xF7A;
	s5 =	simm.s32 @!p2 $0x0  }
0x1d: {  	s5 =	simm.s32 @p1 $0x1;
	p0 =	seq.s32 s7, s2  }
0x1e: {  	s7 =	smul.u32 @!p0 $0xF7A, s2;
	p2 =	seq.s32 @!p0 s5, $0x0  }
0x1f: {  	s9 =	smul.u32 $0xF7A, s1;
	s8 =	simm.s32 @!p0 $0x1BF5;
	p2 =	por !p2, p0  }
0x20: {  	[sflag:s8] =	ssyncset.s32 @!p0 $0xFFFFF086;
	s6 =	sadd.s32 @!p0 s3, s7;
	s7 =	simm.s32 @!p0 $0x108  }
0x21: {  	s3 =	sadd.s32 s3, s9;
	s6 =	sadd.s32 @!p0 $0x88, s6;
	s7 =	simm.s32 @p2 $0x1082  }
0x22: {  	[simem:s7], [sflag:s8] =	dma.local @!p0 [hbm:s6], $0xF7A  }
0x23: {  	s9 =	sor.u32 $0xD0000000, s2;
	s6 =	simm.s32 $0x108;
	_ =	swait.ge @!p0 [sflag:s8], $0x0  }
0x24: {  	s3 =	sadd.s32 $0x88, s3;
	s6 =	simm.s32 @!p1 $0x1082;
	[sflag:s4] =	ssyncset.s32 $0xFFFFF086  }
0x25: {  	[simem:s6], [sflag:s4] =	dma.local [hbm:s3], $0xF7A  }
0x26: {  	[smem:$0x3F96] =	sst s1;
	(tag) =	ssettag s2;
	_ =	strace s9  }
0x27: {  	s1 =	sld [smem:$0x3FA6]  }
0x28: {  	s2 =	sld [smem:$0x3FA7]  }
0x29: {  	s4 =	sld [smem:$0x3FA9]  }
0x2a: {  	p0 =	seq.s32 s5, $0x0;
	s5 =	sld [smem:$0x3FAA]  }
0x2b: {  	s6 =	sld [smem:$0x3FAB]  }
0x2c: {  	s7 =	sld [smem:$0x3FAC]  }
0x2d: {  	s3 =	simm.s32 $0x108;
	s8 =	sld [smem:$0x3FAD]  }
0x2e: {  	s3 =	simm.s32 @!p0 $0x1082;
	s9 =	sld [smem:$0x3FAE]  }
0x2f: {  	lr =	sadd.s32 s0, s3;
	s0 =	sld [smem:$0x3FA5]  }
0x30: {  	s3 =	sld [smem:$0x3FA8]  }
0x31: {  	[smem:$0x3FB1] =	sst s10  }
0x32: {  	s10 =	sld [smem:$0x3FAF];
	_ =	sdelay $0x3  }
0x33: {  	p0 =	seq.s32 s10, $0x1;
	s10 =	sld [smem:$0x3FB1];
	_ =	sdelay $0x3  }
0x34: {  	[smem:$0x3FB1] =	sst s10  }
0x35: {  	s10 =	sld [smem:$0x3FB0];
	_ =	sdelay $0x3  }
0x36: {  	p1 =	seq.s32 s10, $0x1;
	s10 =	sld [smem:$0x3FB1];
	_ =	sdelay $0x3  }
0x37: {  	[smem:$0x3FB1] =	sst s10  }
0x38: {  	s10 =	sld [smem:$0x3FB2]  }
0x39: {  	_ = 	snop;
	(pc) =	sbr.ind lr, $3  }
0x3a: {  	_ = 	snop  }
0x3b: {  	_ = 	snop  }
0x3c: {  	p2 =	seq.s32 s10, $0x1;
	s10 =	sld [smem:$0x3FB1]  }
0x3d: {  	_ =	shalt  }
0x3e: {  	_ =	shalt  }
0x3f: {  	_ =	shalt  }
0x40: {  	_ =	shalt  }
0x41: {  	_ =	shalt  }
0x42: {  	_ =	shalt  }
0x43: {  	_ =	shalt  }
0x44: {  	_ =	shalt  }
0x45: {  	_ =	shalt  }
0x46: {  	_ =	shalt  }
0x47: {  	_ =	shalt  }
0x48: {  	_ =	shalt  }
0x49: {  	_ =	shalt  }
0x4a: {  	_ =	shalt  }
0x4b: {  	_ =	shalt  }
0x4c: {  	_ =	shalt  }
0x4d: {  	_ =	shalt  }
0x4e: {  	_ =	shalt  }
0x4f: {  	_ =	shalt  }
0x50: {  	_ =	shalt  }
0x51: {  	_ =	shalt  }
0x52: {  	_ =	shalt  }
0x53: {  	_ =	shalt  }
0x54: {  	_ =	shalt  }
0x55: {  	_ =	shalt  }
0x56: {  	_ =	shalt  }
0x57: {  	_ =	shalt  }
0x58: {  	_ =	shalt  }
0x59: {  	_ =	shalt  }
0x5a: {  	_ =	shalt  }
0x5b: {  	_ =	shalt  }
0x5c: {  	_ =	shalt  }
0x5d: {  	_ =	shalt  }
0x5e: {  	_ =	shalt  }
0x5f: {  	_ =	shalt  }
0x60: {  	_ =	shalt  }
0x61: {  	_ =	shalt  }
0x62: {  	_ =	shalt  }
0x63: {  	_ =	shalt  }
0x64: {  	_ =	shalt  }
0x65: {  	_ =	shalt  }
0x66: {  	_ =	shalt  }
0x67: {  	_ =	shalt  }
0x68: {  	_ =	shalt  }
0x69: {  	_ =	shalt  }
0x6a: {  	_ =	shalt  }
0x6b: {  	_ =	shalt  }
0x6c: {  	_ =	shalt  }
0x6d: {  	_ =	shalt  }
0x6e: {  	_ =	shalt  }
0x6f: {  	_ =	shalt  }
0x70: {  	_ =	shalt  }
0x71: {  	_ =	shalt  }
0x72: {  	_ =	shalt  }
0x73: {  	_ =	shalt  }
0x74: {  	_ =	shalt  }
0x75: {  	_ =	shalt  }
0x76: {  	_ =	shalt  }
0x77: {  	_ =	shalt  }
0x78: {  	_ =	shalt  }
0x79: {  	_ =	shalt  }
0x7a: {  	_ =	shalt  }
0x7b: {  	_ =	shalt  }
0x7c: {  	_ =	shalt  }
0x7d: {  	_ =	shalt  }
0x7e: {  	_ =	shalt  }
0x7f: {  	_ =	shalt  }
0x80: {  	_ =	shalt  }
0x81: {  	_ =	shalt  }
0x82: {  	_ =	shalt  }
0x83: {  	_ =	shalt  }
0x84: {  	_ =	shalt  }
0x85: {  	_ =	shalt  }
0x86: {  	_ =	shalt  }
0x87: {  	_ =	shalt  }
.Lfunc_end0:
.L_simem_size_0:
called_computation.2_lowered:
.L_overlay_start_0:
0x88: {  	s2 =	sld [smem:$0x3FD9]  }
0x89: {  	s3 =	sld [smem:$0x3FFE];
	_ =	sdelay $0x1  }
0x8a: {  	s1 =	srdreg.scid  }
0x8b: {  	s0 =	sand.u32 $0x1, s1  }
0x8c: {  	s16 =	sshll.u32 s0, $0xA;
	s2 =	sadd.s32 s3, s2  }
0x8d: {  	s2 =	sadd.s32 s2, s16  }
0x8e: {  	[smem:$0x3FBD] =	sst s2  }
0x8f: {  	_ = 	snop  }
0x90: {  	(tm) =	ssettm $0x1  }
0x91: {  	s17 =	sld [smem:$0x3FFB];
	_ =	sdelay $0x3  }
0x92: {  	_ =	strace s17  }
0x93: {  	s2 =	sld [smem:$0x3FFC];
	_ =	sdelay $0x3  }
0x94: {  	_ =	strace s2  }
0x95: {  	s2 =	sld [smem:$0x3FFD];
	_ =	sdelay $0x3  }
0x96: {  	_ =	strace s2  }
0x97: {  	_ =	strace $0x8FFFFFFF  }
0x98: {  	s18 =	sld [smem:$0x3FDB];
	_ =	sdelay $0x1  }
0x99: {  	s19 =	simm.s32 $_scs_section_size  }
0x9a: {  	s4 =	simm.s32 $_size__tile_overlayer_lowered;
	s5 =	simm.s32 $_tile_overlayer_lowered  }
0x9b: {  	s22 =	simm.s32 $0x1BFF;
	s21 =	sshll.u32 s5, $0x1;
	s2 =	sadd.s32 s19, s18  }
0x9c: {  	s6 =	simm.s32 $0x0;
	s20 =	sshll.u32 s4, $0x1;
	s4 =	sadd.s32 s21, s2  }
0x9d: {  	[timem:s6], [sflag:s22] =	dma.local [hbm:s4], s20  }
0x9e: {  	_ =	swait.ge [sflag:s22], s20  }
0x9f: {  	s3 =	ssub.s32 $0x0, s20;
	[sflag:s22] =	ssyncset.done $0x0  }
0xa0: {  	[sflag:s22] =	ssyncadd.s32 s3;
	_ =	sdelay $0x1  }
0xa1: {  	s23 =	simm.s32 $0x1B8B  }
0xa2: {  	_ =	swait.ge [sflag:s23], $0x1  }
0xa3: {  	[sflag:s23] =	ssyncset.done $0x0  }
0xa4: {  	s25 =	simm.s32 $0x1B8E;
	s24 =	sld [smem:$0x3FFE];
	[sflag:s23] =	ssyncadd.s32 $0xFFFFFFFF  }
0xa5: {  	s26 =	simm.s32 $execute0_lowered;
	[smem:$0x3FD2] =	sst s25  }
0xa6: {  	s4 =	sshll.u32 s26, $0x1;
	_ =	strace $0x8000004C;
	[dreg:$0x1] =	wrdreg $0xFFFFFFFF  }
0xa7: {  	s28 =	simm.s32 $_size_execute0_lowered;
	s2 =	sadd.s32 s2, s4;
	[dreg:$0x0] =	wrdreg $0x0  }
0xa8: {  	s4 =	sshll.u32 s28, $0x1;
	[dreg:$0x2] =	wrdreg s2  }
0xa9: {  	[dreg:$0x3] =	wrdreg s4  }
0xaa: {  	[dreg:$0x4] =	wrdreg $0xC0  }
0xab: {  	_ =	task [dreg:s6], $0x5FFFF  }
0xac: {  	[dreg:$0x1] =	wrdreg $0xFFFFFFFF  }
0xad: {  	[dreg:$0x0] =	wrdreg $0x60  }
0xae: {  	[dreg:$0x2] =	wrdreg s24  }
0xaf: {  	[dreg:$0x3] =	wrdreg $0x29000  }
0xb0: {  	[dreg:$0x4] =	wrdreg $0x9  }
0xb1: {  	_ =	task.clear_ibuf [dreg:s6], $0x5FFFF;
	_ =	strace $0x9000004C  }
0xb2: {  	s29 =	simm.s32 $0x9;
	_ =	strace $0x8000004E  }
0xb3: {  	_ =	swait.ge [sflag:s29], $0x1  }
0xb4: {  	[sflag:s29] =	ssyncadd.s32 $0xFFFFFFFF  }
0xb5: {  	_ =	strace $0x9000004E  }
0xb6: {  	_ =	sfence  }
0xb7: {  	s30 =	sld [smem:$0x0];
	_ =	sdelay $0x2  }
0xb8: {  	s31 =	sshll.u32 s1, $0xD;
	s1 =	sshrl.u32 s1, $0x2  }
0xb9: {  	s3 =	sand.u32 $0x4000, s31;
	s1 =	sadd.s32 s1, s30  }
0xba: {  	s0 =	sor.u32 s3, s0;
	s1 =	sshll.u32 s1, $0x11  }
0xbb: {  	s0 =	sor.u32 s1, s0  }
0xbc: {  	s0 =	sadd.s32 $0x8F2B, s0  }
0xbd: {  	[sflag:s0] =	ssyncadd.remote.s32 $0x1  }
0xbe: {  	_ =	sfence.sel $0xFFFF  }
0xbf: {  	[dreg:$0x0] =	wrdreg $0xFFFFFFFF;
	(pc) =	sbr.abs _section_cstart, $3  }
0xc0: {  	[dreg:$0x1] =	wrdreg $0xFFFFFFFF  }
0xc1: {  	_ =	task.clear_ibuf [dreg:s6], $0x2FFFF;
	_ =	strace $0x9FFFFFFF  }
0xc2: {  	(tm) =	ssettm $0x7FFFFFFF  }
0xc3: {  	_ =	shalt  }
tec
execute0_lowered:
.L_overlay_start_1:
0x0: {  	(tag) =	ssettag $0x1  }
0x1: {  	s1 =	srdreg.scid  }
0x2: {  	s0 =	stileid.u32;
	s5 =	rddreg [dreg:$0x0]  }
0x3: {  	s2 =	rddreg [dreg:$0x1];
	s3 =	simm.s32 $0x0;
	s4 =	smul.u32 $0x4E20, s0  }
0x4: {  	s28 =	simm.s32 $0x50;
	s29 =	simm.s32 $0x1;
	s7 =	smul.u32 $0x50000, s0  }
0x5: {  	s30 =	simm.s32 $0x0;
	s1 =	sand.u32 $0x1, s1;
	s12 =	smul.u32 $0x14000, s0  }
0x6: {  	[smem:$0x7FF] =	sst s3;
	s20 =	sadd.s32 $0x3D000, s5;
	s6 =	smul.u32 $0x2710, s1  }
0x7: {  	_ =	strace $0x8000004D;
	s25 =	ssub.s32 $0x2, s1;
	s1 =	smul.u32 $0x140000, s1  }
0x8: {  	s8 =	sshrl.u32 s25, $0x1;
	s7 =	sshrl.u32 s7, $0x2;
	s13 =	sor.u32 $0x2800, s12  }
0x9: {  	s15 =	sadd.s32 $0x5000, s12;
	s16 =	sadd.s32 $0x7800, s12;
	s17 =	sadd.s32 $0xA000, s12  }
0xa: {  	s18 =	sadd.s32 $0xC800, s12;
	s19 =	sadd.s32 $0xF000, s12;
	s22 =	sadd.s32 $0x11800, s12  }
0xb: {  	s4 =	sadd.s32 s6, s4;
	s21 =	ssub.s32 s25, s8;
	s8 =	sadd.s32 s16, s2  }
0xc: {  	s9 =	sadd.s32 s17, s2;
	s10 =	sadd.s32 s18, s2;
	s11 =	sadd.s32 s19, s2  }
0xd: {  	s14 =	sadd.s32 s12, s1;
	s12 =	sadd.s32 s22, s2;
	s16 =	sadd.s32 s1, s16  }
0xe: {  	s17 =	sadd.s32 s1, s17;
	s18 =	sadd.s32 s1, s18;
	s19 =	sadd.s32 s1, s19  }
0xf: {  	s25 =	simm.s32 $0x2;
	s6 =	sshrl.u32 s4, $0x3;
	s4 =	sadd.s32 $0x15000, s5  }
0x10: {  	s14 =	sshrl.u32 s14, $0x3;
	s16 =	sshrl.u32 s16, $0x3;
	s17 =	sshrl.u32 s17, $0x3  }
0x11: {  	s18 =	sshrl.u32 s18, $0x3;
	s19 =	sshrl.u32 s19, $0x3;
	s21 =	smax.u32 s21, $0x1  }
0x12: {  	s23 =	sadd.s32 s6, s5;
	s5 =	sadd.s32 s7, s2;
	s6 =	sadd.s32 s13, s2  }
0x13: {  	s7 =	sadd.s32 s15, s2;
	s13 =	sadd.s32 s1, s13;
	s26 =	sadd.s32 s20, s14  }
0x14: {  	s15 =	sadd.s32 s1, s15;
	s16 =	sadd.s32 s20, s16;
	s17 =	sadd.s32 s20, s17  }
0x15: {  	s1 =	sadd.s32 s1, s22;
	s18 =	sadd.s32 s20, s18;
	s19 =	sadd.s32 s20, s19  }
0x16: {  	s24 =	sshrl.u32 s13, $0x3;
	[dreg:$0x3] =	wrdreg s26;
	s15 =	sshrl.u32 s15, $0x3  }
0x17: {  	s1 =	sshrl.u32 s1, $0x3;
	s22 =	sadd.s32 $0x1400, s23;
	s23 =	sadd.s32 $0xB200, s23  }
0x18: {  	s26 =	simm.s32 $0x80;
	s31 =	sadd.s32 s20, s24;
	s15 =	sadd.s32 s20, s15  }
0x19: {  	v0 =	vimm.f32 $0.0e+00;
	s20 =	sadd.s32 s20, s1;
	s24 =	simm.s32 $0x100;
	[dreg:$0x4] =	wrdreg s31  }
.LBB2_1:
0x1a: {  	s31 =	simm.s32 $0x0;
	s1 =	simm.s32 $0x200  }
.LBB2_2:
0x1b: {  	p0 =	sne.s32 s1, $0x9E00;
	[tilespmem:s31+$0x170] =	vst v0  }
0x1c: {  	[tilespmem:s31+$0x100] =	vst v0  }
0x1d: {  	[tilespmem:s31+$0x110] =	vst v0  }
.Ltmp0:
0x1e: {  	[tilespmem:s31+$0x120] =	vst v0;
	(pc) =	sbr.rel @p0 .LBB2_2-.Ltmp0, $4  }
0x1f: {  	[tilespmem:s31+$0x130] =	vst v0  }
0x20: {  	[tilespmem:s31+$0x140] =	vst v0  }
0x21: {  	[tilespmem:s31+$0x150] =	vst v0  }
0x22: {  	[tilespmem:s31+$0x160] =	vst v0;
	s31 =	sshra.s32 s1, $0x2;
	s1 =	sadd.s32 $0x200, s1  }
0x23: {  	[tilespmem:s31+$0x170] =	vst v0  }
0x24: {  	[tilespmem:s31+$0x100] =	vst v0  }
0x25: {  	[tilespmem:s31+$0x110] =	vst v0  }
0x26: {  	[tilespmem:s31+$0x120] =	vst v0  }
0x27: {  	[tilespmem:s31+$0x130] =	vst v0  }
0x28: {  	[tilespmem:s31+$0x140] =	vst v0  }
0x29: {  	[tilespmem:s31+$0x150] =	vst v0  }
0x2a: {  	[tilespmem:s31+$0x160] =	vst v0  }
0x2b: {  	[spmem:s5] =	stream.linear.scatter [tilespmem:s24], [sflag:$0x2], $0x2800, $0x38;
	[tilespmem:$0x16900] =	vst v63  }
0x2c: {  	_ =	swait.ge [sflag:s25], $0x2800  }
0x2d: {  	[sflag:s25] =	ssyncset.done $0x0  }
0x2e: {  	[sflag:s25] =	ssyncadd.s32 $0xFFFFD800  }
0x2f: {  	[spmem:s6] =	stream.linear.scatter [tilespmem:s24], [sflag:$0x2], $0x2800, $0x38;
	[tilespmem:$0x16900] =	vst v63  }
0x30: {  	_ =	swait.ge [sflag:s25], $0x2800  }
0x31: {  	[sflag:s25] =	ssyncset.done $0x0  }
0x32: {  	[sflag:s25] =	ssyncadd.s32 $0xFFFFD800  }
0x33: {  	[spmem:s7] =	stream.linear.scatter [tilespmem:s24], [sflag:$0x2], $0x2800, $0x38;
	[tilespmem:$0x16900] =	vst v63  }
0x34: {  	_ =	swait.ge [sflag:s25], $0x2800  }
0x35: {  	[sflag:s25] =	ssyncset.done $0x0  }
0x36: {  	[sflag:s25] =	ssyncadd.s32 $0xFFFFD800  }
0x37: {  	[spmem:s8] =	stream.linear.scatter [tilespmem:s24], [sflag:$0x2], $0x2800, $0x38;
	[tilespmem:$0x16900] =	vst v63  }
0x38: {  	_ =	swait.ge [sflag:s25], $0x2800  }
0x39: {  	[sflag:s25] =	ssyncset.done $0x0  }
0x3a: {  	[sflag:s25] =	ssyncadd.s32 $0xFFFFD800  }
0x3b: {  	[spmem:s9] =	stream.linear.scatter [tilespmem:s24], [sflag:$0x2], $0x2800, $0x38;
	[tilespmem:$0x16900] =	vst v63  }
0x3c: {  	_ =	swait.ge [sflag:s25], $0x2800  }
0x3d: {  	[sflag:s25] =	ssyncset.done $0x0  }
0x3e: {  	[sflag:s25] =	ssyncadd.s32 $0xFFFFD800  }
0x3f: {  	[spmem:s10] =	stream.linear.scatter [tilespmem:s24], [sflag:$0x2], $0x2800, $0x38;
	[tilespmem:$0x16900] =	vst v63  }
0x40: {  	_ =	swait.ge [sflag:s25], $0x2800  }
0x41: {  	[sflag:s25] =	ssyncset.done $0x0  }
0x42: {  	[sflag:s25] =	ssyncadd.s32 $0xFFFFD800  }
0x43: {  	[spmem:s11] =	stream.linear.scatter [tilespmem:s24], [sflag:$0x2], $0x2800, $0x38;
	[tilespmem:$0x16900] =	vst v63  }
0x44: {  	_ =	swait.ge [sflag:s25], $0x2800  }
0x45: {  	[sflag:s25] =	ssyncset.done $0x0  }
0x46: {  	[sflag:s25] =	ssyncadd.s32 $0xFFFFD800  }
0x47: {  	[spmem:s12] =	stream.linear.scatter [tilespmem:s24], [sflag:$0x2], $0x2800, $0x38;
	[tilespmem:$0x16900] =	vst v63  }
0x48: {  	_ =	swait.ge [sflag:s25], $0x2800  }
0x49: {  	[sflag:s25] =	ssyncset.done $0x0  }
0x4a: {  	[sflag:s25] =	ssyncadd.s32 $0xFFFFD800  }
0x4b: {  	s1 =	sadd.s32 $0x0, s23;
	[bflag:$0x0] =	sbarrier.arrive $0xFFFF  }
0x4c: {  	[tilespmem:s3], [sflag:$0x2] =	stream.linear.gather [hbm4b:s1+s3], $0x50, $0x38;
	[tilespmem:$0x16900] =	vst v63  }
0x4d: {  	_ =	swait.ge [sflag:s25], $0x50  }
0x4e: {  	[sflag:s25] =	ssyncset.done $0x0  }
0x4f: {  	s14 =	sadd.s32 $0x0, s22;
	[sflag:s25] =	ssyncadd.s32 $0xFFFFFFB0  }
0x50: {  	[tilespmem:s26], [sflag:$0x2] =	stream.linear.gather [hbm4b:s14+s3], $0x50, $0x38;
	[tilespmem:$0x16900] =	vst v63  }
0x51: {  	_ =	swait.ge [sflag:s25], $0x50  }
0x52: {  	[sflag:s25] =	ssyncset.done $0x0  }
0x53: {  	[sflag:s25] =	ssyncadd.s32 $0xFFFFFFB0  }
0x54: {  	[tilespmem:s24], [sflag:$0x1] =	stream.indirect.gather [hbm4b:s4+s28], $0x80, s3, s28, $0xb8;
	[tilespmem:$0x16900] =	vst v63  }
0x55: {  	_ =	swait.ge [sflag:s29], $0x2800  }
0x56: {  	[sflag:s29] =	ssyncset.done $0x0  }
0x57: {  	[sflag:s29] =	ssyncadd.s32 $0xFFFFD800  }
0x58: {  	[spmem:s2] =	stream.indirect.scatter.add.f32 [tilespmem:s24], [sflag:$0x2], $0x80, s26, s28, $0xb8;
	[tilespmem:$0x16900] =	vst v63  }
0x59: {  	_ =	swait.ge [sflag:s25], $0x2800  }
0x5a: {  	s31 =	simm.s32 $0xA;
	s1 =	simm.s32 $0x14;
	[sflag:s25] =	ssyncset.done $0x0  }
.LBB2_4:
0x5b: {  	s0 =	sadd.s32 s31, s23  }
0x5c: {  	[sflag:s25] =	ssyncadd.s32 $0xFFFFD800;
	s13 =	smov.u32 s1;
	s14 =	sadd.s32 $0xA, s1  }
0x5d: {  	[tilespmem:s3], [sflag:$0x2] =	stream.linear.gather [hbm4b:s0+s3], $0x50, $0x38;
	[tilespmem:$0x16900] =	vst v63  }
0x5e: {  	p0 =	sne.s32 s1, $0x4D8;
	_ =	swait.ge [sflag:s25], $0x50  }
0x5f: {  	[sflag:s25] =	ssyncset.done $0x0  }
0x60: {  	s0 =	sadd.s32 s31, s22;
	s31 =	smov.u32 s13;
	[sflag:s25] =	ssyncadd.s32 $0xFFFFFFB0  }
0x61: {  	[tilespmem:s26], [sflag:$0x2] =	stream.linear.gather [hbm4b:s0+s3], $0x50, $0x38;
	[tilespmem:$0x16900] =	vst v63  }
0x62: {  	_ =	swait.ge [sflag:s25], $0x50  }
0x63: {  	[sflag:s25] =	ssyncset.done $0x0  }
0x64: {  	[sflag:s25] =	ssyncadd.s32 $0xFFFFFFB0  }
0x65: {  	[tilespmem:s24], [sflag:$0x1] =	stream.indirect.gather [hbm4b:s4+s28], $0x80, s3, s28, $0xb8;
	[tilespmem:$0x16900] =	vst v63  }
0x66: {  	_ =	swait.ge [sflag:s29], $0x2800  }
.Ltmp1:
0x67: {  	[sflag:s29] =	ssyncset.done $0x0;
	(pc) =	sbr.rel @p0 .LBB2_4-.Ltmp1, $4  }
0x68: {  	[sflag:s29] =	ssyncadd.s32 $0xFFFFD800  }
0x69: {  	[spmem:s2] =	stream.indirect.scatter.add.f32 [tilespmem:s24], [sflag:$0x2], $0x80, s26, s28, $0xb8;
	[tilespmem:$0x16900] =	vst v63  }
0x6a: {  	_ =	swait.ge [sflag:s25], $0x2800  }
0x6b: {  	s1 =	smov.u32 s14;
	[sflag:s25] =	ssyncset.done $0x0  }
0x6c: {  	s0 =	sadd.s32 s31, s23;
	[sflag:s25] =	ssyncadd.s32 $0xFFFFD800  }
0x6d: {  	[tilespmem:s3], [sflag:$0x2] =	stream.linear.gather [hbm4b:s0+s3], $0x50, $0x38;
	[tilespmem:$0x16900] =	vst v63  }
0x6e: {  	_ =	swait.ge [sflag:s25], $0x50  }
0x6f: {  	[sflag:s25] =	ssyncset.done $0x0  }
0x70: {  	s13 =	sadd.s32 s31, s22;
	[sflag:s25] =	ssyncadd.s32 $0xFFFFFFB0  }
0x71: {  	[tilespmem:s26], [sflag:$0x2] =	stream.linear.gather [hbm4b:s13+s3], $0x50, $0x38;
	[tilespmem:$0x16900] =	vst v63  }
0x72: {  	_ =	swait.ge [sflag:s25], $0x50  }
0x73: {  	[sflag:s25] =	ssyncset.done $0x0  }
0x74: {  	[sflag:s25] =	ssyncadd.s32 $0xFFFFFFB0  }
0x75: {  	[tilespmem:s24], [sflag:$0x1] =	stream.indirect.gather [hbm4b:s4+s28], $0x80, s3, s28, $0xb8;
	[tilespmem:$0x16900] =	vst v63  }
0x76: {  	_ =	swait.ge [sflag:s29], $0x2800  }
0x77: {  	[sflag:s29] =	ssyncset.done $0x0  }
0x78: {  	[sflag:s29] =	ssyncadd.s32 $0xFFFFD800  }
0x79: {  	[spmem:s2] =	stream.indirect.scatter.add.f32 [tilespmem:s24], [sflag:$0x2], $0x80, s26, s28, $0xb8;
	[tilespmem:$0x16900] =	vst v63  }
0x7a: {  	_ =	swait.ge [sflag:s25], $0x2800  }
0x7b: {  	[sflag:s25] =	ssyncset.done $0x0  }
0x7c: {  	[sflag:s25] =	ssyncadd.s32 $0xFFFFD800  }
0x7d: {  	[bflag:$0x0] =	sbarrier.arrive $0xFFFF  }
0x7e: {  	[tilespmem:s24], [sflag:$0x2] =	stream.linear.gather [spmem:s5], $0x2800, $0x38;
	[tilespmem:$0x16900] =	vst v63  }
0x7f: {  	_ =	swait.ge [sflag:s25], $0x2800  }
0x80: {  	[sflag:s25] =	ssyncset.done $0x0  }
0x81: {  	s14 =	rddreg [dreg:$0x3];
	[sflag:s25] =	ssyncadd.s32 $0xFFFFD800  }
0x82: {  	[hbm4b:s14+s3] =	stream.linear.scatter [tilespmem:s24], [sflag:$0x2], $0x2800, $0x38;
	[tilespmem:$0x16900] =	vst v63  }
0x83: {  	_ =	swait.ge [sflag:s25], $0x2800  }
0x84: {  	[sflag:s25] =	ssyncset.done $0x0  }
0x85: {  	[sflag:s25] =	ssyncadd.s32 $0xFFFFD800  }
0x86: {  	[tilespmem:s24], [sflag:$0x2] =	stream.linear.gather [spmem:s6], $0x2800, $0x38;
	[tilespmem:$0x16900] =	vst v63  }
0x87: {  	_ =	swait.ge [sflag:s25], $0x2800  }
0x88: {  	[sflag:s25] =	ssyncset.done $0x0  }
0x89: {  	s31 =	rddreg [dreg:$0x4];
	[sflag:s25] =	ssyncadd.s32 $0xFFFFD800  }
0x8a: {  	[hbm4b:s31+s3] =	stream.linear.scatter [tilespmem:s24], [sflag:$0x2], $0x2800, $0x38;
	[tilespmem:$0x16900] =	vst v63  }
0x8b: {  	_ =	swait.ge [sflag:s25], $0x2800  }
0x8c: {  	[sflag:s25] =	ssyncset.done $0x0  }
0x8d: {  	[sflag:s25] =	ssyncadd.s32 $0xFFFFD800  }
0x8e: {  	[tilespmem:s24], [sflag:$0x2] =	stream.linear.gather [spmem:s7], $0x2800, $0x38;
	[tilespmem:$0x16900] =	vst v63  }
0x8f: {  	_ =	swait.ge [sflag:s25], $0x2800  }
0x90: {  	[sflag:s25] =	ssyncset.done $0x0  }
0x91: {  	[sflag:s25] =	ssyncadd.s32 $0xFFFFD800  }
0x92: {  	[hbm4b:s15+s3] =	stream.linear.scatter [tilespmem:s24], [sflag:$0x2], $0x2800, $0x38;
	[tilespmem:$0x16900] =	vst v63  }
0x93: {  	_ =	swait.ge [sflag:s25], $0x2800  }
0x94: {  	[sflag:s25] =	ssyncset.done $0x0  }
0x95: {  	[sflag:s25] =	ssyncadd.s32 $0xFFFFD800  }
0x96: {  	[tilespmem:s24], [sflag:$0x2] =	stream.linear.gather [spmem:s8], $0x2800, $0x38;
	[tilespmem:$0x16900] =	vst v63  }
0x97: {  	_ =	swait.ge [sflag:s25], $0x2800  }
0x98: {  	[sflag:s25] =	ssyncset.done $0x0  }
0x99: {  	[sflag:s25] =	ssyncadd.s32 $0xFFFFD800  }
0x9a: {  	[hbm4b:s16+s3] =	stream.linear.scatter [tilespmem:s24], [sflag:$0x2], $0x2800, $0x38;
	[tilespmem:$0x16900] =	vst v63  }
0x9b: {  	_ =	swait.ge [sflag:s25], $0x2800  }
0x9c: {  	[sflag:s25] =	ssyncset.done $0x0  }
0x9d: {  	[sflag:s25] =	ssyncadd.s32 $0xFFFFD800  }
0x9e: {  	[tilespmem:s24], [sflag:$0x2] =	stream.linear.gather [spmem:s9], $0x2800, $0x38;
	[tilespmem:$0x16900] =	vst v63  }
0x9f: {  	_ =	swait.ge [sflag:s25], $0x2800  }
0xa0: {  	[sflag:s25] =	ssyncset.done $0x0  }
0xa1: {  	[sflag:s25] =	ssyncadd.s32 $0xFFFFD800  }
0xa2: {  	[hbm4b:s17+s3] =	stream.linear.scatter [tilespmem:s24], [sflag:$0x2], $0x2800, $0x38;
	[tilespmem:$0x16900] =	vst v63  }
0xa3: {  	_ =	swait.ge [sflag:s25], $0x2800  }
0xa4: {  	[sflag:s25] =	ssyncset.done $0x0  }
0xa5: {  	[sflag:s25] =	ssyncadd.s32 $0xFFFFD800  }
0xa6: {  	[tilespmem:s24], [sflag:$0x2] =	stream.linear.gather [spmem:s10], $0x2800, $0x38;
	[tilespmem:$0x16900] =	vst v63  }
0xa7: {  	_ =	swait.ge [sflag:s25], $0x2800  }
0xa8: {  	[sflag:s25] =	ssyncset.done $0x0  }
0xa9: {  	[sflag:s25] =	ssyncadd.s32 $0xFFFFD800  }
0xaa: {  	[hbm4b:s18+s3] =	stream.linear.scatter [tilespmem:s24], [sflag:$0x2], $0x2800, $0x38;
	[tilespmem:$0x16900] =	vst v63  }
0xab: {  	_ =	swait.ge [sflag:s25], $0x2800  }
0xac: {  	[sflag:s25] =	ssyncset.done $0x0  }
0xad: {  	[sflag:s25] =	ssyncadd.s32 $0xFFFFD800  }
0xae: {  	[tilespmem:s24], [sflag:$0x2] =	stream.linear.gather [spmem:s11], $0x2800, $0x38;
	[tilespmem:$0x16900] =	vst v63  }
0xaf: {  	_ =	swait.ge [sflag:s25], $0x2800  }
0xb0: {  	[sflag:s25] =	ssyncset.done $0x0  }
0xb1: {  	[sflag:s25] =	ssyncadd.s32 $0xFFFFD800  }
0xb2: {  	[hbm4b:s19+s3] =	stream.linear.scatter [tilespmem:s24], [sflag:$0x2], $0x2800, $0x38;
	[tilespmem:$0x16900] =	vst v63  }
0xb3: {  	_ =	swait.ge [sflag:s25], $0x2800  }
0xb4: {  	[sflag:s25] =	ssyncset.done $0x0  }
0xb5: {  	[sflag:s25] =	ssyncadd.s32 $0xFFFFD800  }
0xb6: {  	[tilespmem:s24], [sflag:$0x2] =	stream.linear.gather [spmem:s12], $0x2800, $0x38;
	[tilespmem:$0x16900] =	vst v63  }
0xb7: {  	s30 =	sadd.s32 $0x1, s30;
	_ =	swait.ge [sflag:s25], $0x2800  }
0xb8: {  	p0 =	sne.s32 s30, s21;
	[sflag:s25] =	ssyncset.done $0x0  }
.Ltmp2:
0xb9: {  	[sflag:s25] =	ssyncadd.s32 $0xFFFFD800;
	(pc) =	sbr.rel @p0 .LBB2_1-.Ltmp2, $4  }
0xba: {  	[hbm4b:s20+s3] =	stream.linear.scatter [tilespmem:s24], [sflag:$0x2], $0x2800, $0x38;
	[tilespmem:$0x16900] =	vst v63  }
0xbb: {  	_ =	swait.ge [sflag:s25], $0x2800  }
0xbc: {  	[sflag:s25] =	ssyncset.done $0x0  }
0xbd: {  	[sflag:s25] =	ssyncadd.s32 $0xFFFFD800  }
0xbe: {  	_ =	sfence.sel $0x180000  }
0xbf: {  	[bflag:$0x0] =	sbarrier.arrive $0xFFFF  }
0xc0: {  	_ =	strace $0x9000004D  }
0xc1: {  	s0 =	stileid.u32;
	[bflag:$0x2] =	sbarrier.arrive $0xFFFF  }
0xc2: {  	p0 =	sne.s32 s0, $0x0;
	s0 =	rddreg [dreg:$0x2]  }
0xc3: {  	s0 =	sadd.s32 @!p0 $0x100000, s0  }
0xc4: {  	[sflag:s0] =	ssyncadd.tile.s32 @!p0 $0x1;
	_ =	shalt  }
.Lfunc_end2:
_tile_overlayer_lowered:
.L_overlay_start_2:
0xc5: {  	(tag) =	ssettag $0x2  }
0xc6: {  	s0 =	rddreg [dreg:$0x0];
	s2 =	stileid.u32  }
0xc7: {  	s1 =	rddreg [dreg:$0x1];
	p0 =	sne.s32 s2, $0x0  }
0xc8: {  	s3 =	rddreg [dreg:$0x2];
	[bflag:$0x3] =	sbarrier.arrive $0xFFFF;
	s2 =	simm.s32 @!p0 $0x1C02  }
0xc9: {  	[timem:s3], [sflag:s2] =	dma.local @!p0 [hbm:s0], s1  }
0xca: {  	s0 =	simm.s32 @!p0 $0x2  }
0xcb: {  	_ =	swait.ge @!p0 [sflag:s0], s1  }
0xcc: {  	s1 =	ssub.s32 @!p0 $0x0, s1;
	[sflag:s0] =	ssyncset.done @!p0 $0x0  }
0xcd: {  	[sflag:s0] =	ssyncadd.s32 @!p0 s1  }
0xce: {  	[bflag:$0x3] =	sbarrier.arrive $0xFFFF  }
0xcf: {  	_ =	shalt  }

// kernel: kernel.9.cloned.1.call-start
scs
__scs_entry_jumppad:
0x0: {  	(pc) =	sbr.rel $0x88, $3  }
0x1: {  	(tag) =	ssettag $0x0;
	lr =	simm.s32 $0x1  }
0x2: {  	[smem:$0x3F96] =	sst lr;
	_ =	strace $0xD0000000  }
0x3: {  	_ = 	snop  }
0x4: {  	_ = 	snop  }
0x5: {  	_ = 	snop  }
0x6: {  	_ = 	snop  }
0x7: {  	_ = 	snop  }
__scs_overlays_trampoline_lowered:
0x8: {  	[smem:$0x3FA5] =	sst s0  }
0x9: {  	[smem:$0x3FA6] =	sst s1  }
0xa: {  	[smem:$0x3FA7] =	sst s2  }
0xb: {  	[smem:$0x3FA8] =	sst s3  }
0xc: {  	[smem:$0x3FA9] =	sst s4  }
0xd: {  	[smem:$0x3FAA] =	sst s5  }
0xe: {  	[smem:$0x3FAB] =	sst s6  }
0xf: {  	[smem:$0x3FAC] =	sst s7  }
0x10: {  	[smem:$0x3FAD] =	sst s8  }
0x11: {  	[smem:$0x3FAE] =	sst s9;
	s0 =	simm.s32 @!p0 $0x0  }
0x12: {  	s1 =	sld [smem:$0x3F94];
	s0 =	simm.s32 @p0 $0x1  }
0x13: {  	[smem:$0x3FAF] =	sst s0;
	s0 =	simm.s32 @!p1 $0x0  }
0x14: {  	s2 =	sld [smem:$0x3F93];
	s0 =	simm.s32 @p1 $0x1  }
0x15: {  	[smem:$0x3FB0] =	sst s0;
	s0 =	simm.s32 @!p2 $0x0  }
0x16: {  	s3 =	sld [smem:$0x3FDB];
	s0 =	simm.s32 @p2 $0x1  }
0x17: {  	s4 =	simm.s32 $0x1BF5;
	[smem:$0x3FB2] =	sst s0  }
0x18: {  	s0 =	sld [smem:$0x3F95];
	_ =	swait.ge [sflag:s4], $0x0  }
0x19: {  	s7 =	sld [smem:$0x3F96]  }
0x1a: {  	s8 =	sadd.s32 $0xFFFFE003, lr  }
0x1b: {  	s9 =	sadd.s32 $0xFFFFFEF7, lr;
	s5 =	simm.s32 $0xFFFFFFFF;
	p2 =	slt.u32 s8, $0xFFFFF086  }
0x1c: {  	p1 =	slt.u32 s9, $0xF7A;
	s5 =	simm.s32 @!p2 $0x0  }
0x1d: {  	s5 =	simm.s32 @p1 $0x1;
	p0 =	seq.s32 s7, s2  }
0x1e: {  	s7 =	smul.u32 @!p0 $0xF7A, s2;
	p2 =	seq.s32 @!p0 s5, $0x0  }
0x1f: {  	s9 =	smul.u32 $0xF7A, s1;
	s8 =	simm.s32 @!p0 $0x1BF5;
	p2 =	por !p2, p0  }
0x20: {  	[sflag:s8] =	ssyncset.s32 @!p0 $0xFFFFF086;
	s6 =	sadd.s32 @!p0 s3, s7;
	s7 =	simm.s32 @!p0 $0x108  }
0x21: {  	s3 =	sadd.s32 s3, s9;
	s6 =	sadd.s32 @!p0 $0x88, s6;
	s7 =	simm.s32 @p2 $0x1082  }
0x22: {  	[simem:s7], [sflag:s8] =	dma.local @!p0 [hbm:s6], $0xF7A  }
0x23: {  	s9 =	sor.u32 $0xD0000000, s2;
	s6 =	simm.s32 $0x108;
	_ =	swait.ge @!p0 [sflag:s8], $0x0  }
0x24: {  	s3 =	sadd.s32 $0x88, s3;
	s6 =	simm.s32 @!p1 $0x1082;
	[sflag:s4] =	ssyncset.s32 $0xFFFFF086  }
0x25: {  	[simem:s6], [sflag:s4] =	dma.local [hbm:s3], $0xF7A  }
0x26: {  	[smem:$0x3F96] =	sst s1;
	(tag) =	ssettag s2;
	_ =	strace s9  }
0x27: {  	s1 =	sld [smem:$0x3FA6]  }
0x28: {  	s2 =	sld [smem:$0x3FA7]  }
0x29: {  	s4 =	sld [smem:$0x3FA9]  }
0x2a: {  	p0 =	seq.s32 s5, $0x0;
	s5 =	sld [smem:$0x3FAA]  }
0x2b: {  	s6 =	sld [smem:$0x3FAB]  }
0x2c: {  	s7 =	sld [smem:$0x3FAC]  }
0x2d: {  	s3 =	simm.s32 $0x108;
	s8 =	sld [smem:$0x3FAD]  }
0x2e: {  	s3 =	simm.s32 @!p0 $0x1082;
	s9 =	sld [smem:$0x3FAE]  }
0x2f: {  	lr =	sadd.s32 s0, s3;
	s0 =	sld [smem:$0x3FA5]  }
0x30: {  	s3 =	sld [smem:$0x3FA8]  }
0x31: {  	[smem:$0x3FB1] =	sst s10  }
0x32: {  	s10 =	sld [smem:$0x3FAF];
	_ =	sdelay $0x3  }
0x33: {  	p0 =	seq.s32 s10, $0x1;
	s10 =	sld [smem:$0x3FB1];
	_ =	sdelay $0x3  }
0x34: {  	[smem:$0x3FB1] =	sst s10  }
0x35: {  	s10 =	sld [smem:$0x3FB0];
	_ =	sdelay $0x3  }
0x36: {  	p1 =	seq.s32 s10, $0x1;
	s10 =	sld [smem:$0x3FB1];
	_ =	sdelay $0x3  }
0x37: {  	[smem:$0x3FB1] =	sst s10  }
0x38: {  	s10 =	sld [smem:$0x3FB2]  }
0x39: {  	_ = 	snop;
	(pc) =	sbr.ind lr, $3  }
0x3a: {  	_ = 	snop  }
0x3b: {  	_ = 	snop  }
0x3c: {  	p2 =	seq.s32 s10, $0x1;
	s10 =	sld [smem:$0x3FB1]  }
0x3d: {  	_ =	shalt  }
0x3e: {  	_ =	shalt  }
0x3f: {  	_ =	shalt  }
0x40: {  	_ =	shalt  }
0x41: {  	_ =	shalt  }
0x42: {  	_ =	shalt  }
0x43: {  	_ =	shalt  }
0x44: {  	_ =	shalt  }
0x45: {  	_ =	shalt  }
0x46: {  	_ =	shalt  }
0x47: {  	_ =	shalt  }
0x48: {  	_ =	shalt  }
0x49: {  	_ =	shalt  }
0x4a: {  	_ =	shalt  }
0x4b: {  	_ =	shalt  }
0x4c: {  	_ =	shalt  }
0x4d: {  	_ =	shalt  }
0x4e: {  	_ =	shalt  }
0x4f: {  	_ =	shalt  }
0x50: {  	_ =	shalt  }
0x51: {  	_ =	shalt  }
0x52: {  	_ =	shalt  }
0x53: {  	_ =	shalt  }
0x54: {  	_ =	shalt  }
0x55: {  	_ =	shalt  }
0x56: {  	_ =	shalt  }
0x57: {  	_ =	shalt  }
0x58: {  	_ =	shalt  }
0x59: {  	_ =	shalt  }
0x5a: {  	_ =	shalt  }
0x5b: {  	_ =	shalt  }
0x5c: {  	_ =	shalt  }
0x5d: {  	_ =	shalt  }
0x5e: {  	_ =	shalt  }
0x5f: {  	_ =	shalt  }
0x60: {  	_ =	shalt  }
0x61: {  	_ =	shalt  }
0x62: {  	_ =	shalt  }
0x63: {  	_ =	shalt  }
0x64: {  	_ =	shalt  }
0x65: {  	_ =	shalt  }
0x66: {  	_ =	shalt  }
0x67: {  	_ =	shalt  }
0x68: {  	_ =	shalt  }
0x69: {  	_ =	shalt  }
0x6a: {  	_ =	shalt  }
0x6b: {  	_ =	shalt  }
0x6c: {  	_ =	shalt  }
0x6d: {  	_ =	shalt  }
0x6e: {  	_ =	shalt  }
0x6f: {  	_ =	shalt  }
0x70: {  	_ =	shalt  }
0x71: {  	_ =	shalt  }
0x72: {  	_ =	shalt  }
0x73: {  	_ =	shalt  }
0x74: {  	_ =	shalt  }
0x75: {  	_ =	shalt  }
0x76: {  	_ =	shalt  }
0x77: {  	_ =	shalt  }
0x78: {  	_ =	shalt  }
0x79: {  	_ =	shalt  }
0x7a: {  	_ =	shalt  }
0x7b: {  	_ =	shalt  }
0x7c: {  	_ =	shalt  }
0x7d: {  	_ =	shalt  }
0x7e: {  	_ =	shalt  }
0x7f: {  	_ =	shalt  }
0x80: {  	_ =	shalt  }
0x81: {  	_ =	shalt  }
0x82: {  	_ =	shalt  }
0x83: {  	_ =	shalt  }
0x84: {  	_ =	shalt  }
0x85: {  	_ =	shalt  }
0x86: {  	_ =	shalt  }
0x87: {  	_ =	shalt  }
.Lfunc_end0:
.L_simem_size_0:
called_computation_lowered:
.L_overlay_start_0:
0x88: {  	s2 =	sld [smem:$0x3FD9]  }
0x89: {  	s3 =	sld [smem:$0x3FFE];
	_ =	sdelay $0x1  }
0x8a: {  	s1 =	srdreg.scid  }
0x8b: {  	s0 =	sand.u32 $0x1, s1  }
0x8c: {  	s16 =	sshll.u32 s0, $0xA;
	s2 =	sadd.s32 s3, s2  }
0x8d: {  	s2 =	sadd.s32 s2, s16  }
0x8e: {  	[smem:$0x3FBD] =	sst s2  }
0x8f: {  	_ = 	snop  }
0x90: {  	(tm) =	ssettm $0x1  }
0x91: {  	s17 =	sld [smem:$0x3FFB];
	_ =	sdelay $0x3  }
0x92: {  	_ =	strace s17  }
0x93: {  	s2 =	sld [smem:$0x3FFC];
	_ =	sdelay $0x3  }
0x94: {  	_ =	strace s2  }
0x95: {  	s2 =	sld [smem:$0x3FFD];
	_ =	sdelay $0x3  }
0x96: {  	_ =	strace s2  }
0x97: {  	_ =	strace $0x8FFFFFFF  }
0x98: {  	s18 =	sld [smem:$0x3FDB];
	_ =	sdelay $0x1  }
0x99: {  	s19 =	simm.s32 $_scs_section_size  }
0x9a: {  	s4 =	simm.s32 $_size__tile_overlayer_lowered;
	s5 =	simm.s32 $_tile_overlayer_lowered  }
0x9b: {  	s22 =	simm.s32 $0x1BFF;
	s21 =	sshll.u32 s5, $0x1;
	s2 =	sadd.s32 s19, s18  }
0x9c: {  	s6 =	simm.s32 $0x0;
	s20 =	sshll.u32 s4, $0x1;
	s4 =	sadd.s32 s21, s2  }
0x9d: {  	[timem:s6], [sflag:s22] =	dma.local [hbm:s4], s20  }
0x9e: {  	_ =	swait.ge [sflag:s22], s20  }
0x9f: {  	s3 =	ssub.s32 $0x0, s20;
	[sflag:s22] =	ssyncset.done $0x0  }
0xa0: {  	[sflag:s22] =	ssyncadd.s32 s3;
	_ =	sdelay $0x1  }
0xa1: {  	s23 =	simm.s32 $0x1B8B  }
0xa2: {  	_ =	swait.ge [sflag:s23], $0x1  }
0xa3: {  	[sflag:s23] =	ssyncset.done $0x0  }
0xa4: {  	s25 =	simm.s32 $0x1B8E;
	s24 =	sld [smem:$0x3FFE];
	[sflag:s23] =	ssyncadd.s32 $0xFFFFFFFF  }
0xa5: {  	s26 =	simm.s32 $execute0_lowered;
	[smem:$0x3FD2] =	sst s25  }
0xa6: {  	s4 =	sshll.u32 s26, $0x1;
	_ =	strace $0x80000046;
	[dreg:$0x1] =	wrdreg $0xFFFFFFFF  }
0xa7: {  	s28 =	simm.s32 $_size_execute0_lowered;
	s2 =	sadd.s32 s2, s4;
	[dreg:$0x0] =	wrdreg $0x0  }
0xa8: {  	s4 =	sshll.u32 s28, $0x1;
	[dreg:$0x2] =	wrdreg s2  }
0xa9: {  	[dreg:$0x3] =	wrdreg s4  }
0xaa: {  	[dreg:$0x4] =	wrdreg $0xC0  }
0xab: {  	_ =	task [dreg:s6], $0x5FFFF  }
0xac: {  	[dreg:$0x1] =	wrdreg $0xFFFFFFFF  }
0xad: {  	[dreg:$0x0] =	wrdreg $0x60  }
0xae: {  	[dreg:$0x2] =	wrdreg s24  }
0xaf: {  	[dreg:$0x3] =	wrdreg $0x79000  }
0xb0: {  	[dreg:$0x4] =	wrdreg $0x9  }
0xb1: {  	_ =	task.clear_ibuf [dreg:s6], $0x5FFFF;
	_ =	strace $0x90000046  }
0xb2: {  	s29 =	simm.s32 $0x9;
	_ =	strace $0x80000048  }
0xb3: {  	_ =	swait.ge [sflag:s29], $0x1  }
0xb4: {  	[sflag:s29] =	ssyncadd.s32 $0xFFFFFFFF  }
0xb5: {  	_ =	strace $0x90000048  }
0xb6: {  	_ =	sfence  }
0xb7: {  	s30 =	sld [smem:$0x0];
	_ =	sdelay $0x2  }
0xb8: {  	s31 =	sshll.u32 s1, $0xD;
	s1 =	sshrl.u32 s1, $0x2  }
0xb9: {  	s3 =	sand.u32 $0x4000, s31;
	s1 =	sadd.s32 s1, s30  }
0xba: {  	s0 =	sor.u32 s3, s0;
	s1 =	sshll.u32 s1, $0x11  }
0xbb: {  	s0 =	sor.u32 s1, s0  }
0xbc: {  	s0 =	sadd.s32 $0x8F2B, s0  }
0xbd: {  	[sflag:s0] =	ssyncadd.remote.s32 $0x1  }
0xbe: {  	_ =	sfence.sel $0xFFFF  }
0xbf: {  	[dreg:$0x0] =	wrdreg $0xFFFFFFFF;
	(pc) =	sbr.abs _section_cstart, $3  }
0xc0: {  	[dreg:$0x1] =	wrdreg $0xFFFFFFFF  }
0xc1: {  	_ =	task.clear_ibuf [dreg:s6], $0x2FFFF;
	_ =	strace $0x9FFFFFFF  }
0xc2: {  	(tm) =	ssettm $0x7FFFFFFF  }
0xc3: {  	_ =	shalt  }
tec
execute0_lowered:
.L_overlay_start_1:
0x0: {  	(tag) =	ssettag $0x1  }
0x1: {  	s0 =	srdreg.scid;
	s1 =	rddreg [dreg:$0x0]  }
0x2: {  	s9 =	stileid.u32;
	s2 =	rddreg [dreg:$0x1]  }
0x3: {  	s3 =	simm.s32 $0x0;
	s28 =	simm.s32 $0x80;
	s4 =	smul.u32 $0x4E20, s9  }
0x4: {  	s29 =	simm.s32 $0x50;
	s30 =	simm.s32 $0x1;
	s7 =	smul.u32 $0x2800, s9  }
0x5: {  	s31 =	simm.s32 $0x2900;
	s0 =	sand.u32 $0x1, s0;
	s12 =	smul.u32 $0x50000, s9  }
0x6: {  	[smem:$0x7FF] =	sst s3;
	s14 =	sadd.s32 $0x47000, s1;
	s5 =	smul.u32 $0x2710, s0  }
0x7: {  	s6 =	smul.u32 $0x28000, s0;
	_ =	strace $0x80000047;
	s15 =	ssub.s32 $0x2, s0  }
0x8: {  	s0 =	smul.u32 $0x140000, s0;
	s8 =	sshrl.u32 s15, $0x1;
	s5 =	sadd.s32 s5, s4  }
0x9: {  	s4 =	sadd.s32 $0x15000, s1;
	s11 =	sadd.s32 s7, s6;
	s6 =	sshrl.u32 s12, $0x2  }
0xa: {  	s12 =	smul.u32 $0x14000, s9;
	s22 =	ssub.s32 s15, s8;
	s5 =	sshrl.u32 s5, $0x3  }
0xb: {  	s22 =	smax.u32 s22, $0x1;
	s13 =	sadd.s32 s5, s1;
	s5 =	sshrl.u32 s11, $0x3  }
0xc: {  	s15 =	sor.u32 $0x2800, s12;
	s16 =	sadd.s32 $0x5000, s12;
	s17 =	sadd.s32 $0x7800, s12  }
0xd: {  	s18 =	sadd.s32 $0xA000, s12;
	s19 =	sadd.s32 $0xC800, s12;
	s20 =	sadd.s32 $0xF000, s12  }
0xe: {  	s21 =	sadd.s32 s12, s0;
	s23 =	sadd.s32 $0x11800, s12;
	s1 =	sadd.s32 s5, s1  }
0xf: {  	s5 =	sadd.s32 s6, s2;
	s6 =	sadd.s32 s15, s2;
	s7 =	sadd.s32 s16, s2  }
0x10: {  	s8 =	sadd.s32 s17, s2;
	s9 =	sadd.s32 s18, s2;
	s10 =	sadd.s32 s19, s2  }
0x11: {  	s11 =	sadd.s32 s20, s2;
	s15 =	sadd.s32 s0, s15;
	s21 =	sshrl.u32 s21, $0x3  }
0x12: {  	s12 =	sadd.s32 s23, s2;
	s16 =	sadd.s32 s0, s16;
	s24 =	sadd.s32 s0, s18  }
0x13: {  	s25 =	sadd.s32 s0, s19;
	s26 =	sadd.s32 s0, s20;
	s15 =	sshrl.u32 s15, $0x3  }
0x14: {  	s21 =	sadd.s32 s14, s21;
	s18 =	sshrl.u32 s25, $0x3;
	s19 =	sshrl.u32 s26, $0x3  }
0x15: {  	s25 =	simm.s32 $0x100;
	s26 =	simm.s32 $0x2;
	[dreg:$0x3] =	wrdreg s21  }
0x16: {  	s15 =	sadd.s32 s14, s15;
	s21 =	sadd.s32 s0, s17;
	s17 =	sshrl.u32 s24, $0x3  }
0x17: {  	s0 =	sadd.s32 s0, s23;
	s18 =	sadd.s32 s14, s18;
	s19 =	sadd.s32 s14, s19  }
0x18: {  	s23 =	sadd.s32 $0x1400, s13;
	s24 =	sadd.s32 $0xB200, s13;
	[dreg:$0x4] =	wrdreg s15  }
0x19: {  	s15 =	sshrl.u32 s16, $0x3;
	s16 =	sshrl.u32 s21, $0x3;
	s17 =	sadd.s32 s14, s17  }
0x1a: {  	s0 =	sshrl.u32 s0, $0x3;
	s21 =	sadd.s32 $0x3D000, s1;
	s15 =	sadd.s32 s14, s15  }
0x1b: {  	v0 =	vimm.f32 $0.0e+00;
	v1 =	vimm.s32 $0x0;
	s16 =	sadd.s32 s14, s16;
	s20 =	sadd.s32 s14, s0;
	s0 =	simm.s32 $0x0  }
.LBB2_1:
0x1c: {  	s1 =	simm.s32 $0x0;
	s13 =	simm.s32 $0x200  }
.LBB2_2:
0x1d: {  	p0 =	sne.s32 s13, $0x9E00;
	[tilespmem:s1+$0x170] =	vst v0  }
0x1e: {  	[tilespmem:s1+$0x100] =	vst v0  }
0x1f: {  	[tilespmem:s1+$0x110] =	vst v0  }
.Ltmp0:
0x20: {  	[tilespmem:s1+$0x120] =	vst v0;
	(pc) =	sbr.rel @p0 .LBB2_2-.Ltmp0, $4  }
0x21: {  	[tilespmem:s1+$0x130] =	vst v0  }
0x22: {  	[tilespmem:s1+$0x140] =	vst v0  }
0x23: {  	[tilespmem:s1+$0x150] =	vst v0  }
0x24: {  	[tilespmem:s1+$0x160] =	vst v0;
	s1 =	sshra.s32 s13, $0x2;
	s13 =	sadd.s32 $0x200, s13  }
0x25: {  	[tilespmem:s1+$0x170] =	vst v0  }
0x26: {  	[tilespmem:s1+$0x100] =	vst v0  }
0x27: {  	[tilespmem:s1+$0x110] =	vst v0  }
0x28: {  	[tilespmem:s1+$0x120] =	vst v0  }
0x29: {  	[tilespmem:s1+$0x130] =	vst v0  }
0x2a: {  	[tilespmem:s1+$0x140] =	vst v0  }
0x2b: {  	[tilespmem:s1+$0x150] =	vst v0  }
0x2c: {  	[tilespmem:s1+$0x160] =	vst v0  }
0x2d: {  	[spmem:s5] =	stream.linear.scatter [tilespmem:s25], [sflag:$0x2], $0x2800, $0x38;
	[tilespmem:$0x1B900] =	vst v63  }
0x2e: {  	_ =	swait.ge [sflag:s26], $0x2800  }
0x2f: {  	[sflag:s26] =	ssyncset.done $0x0  }
0x30: {  	[sflag:s26] =	ssyncadd.s32 $0xFFFFD800  }
0x31: {  	[spmem:s6] =	stream.linear.scatter [tilespmem:s25], [sflag:$0x2], $0x2800, $0x38;
	[tilespmem:$0x1B900] =	vst v63  }
0x32: {  	_ =	swait.ge [sflag:s26], $0x2800  }
0x33: {  	[sflag:s26] =	ssyncset.done $0x0  }
0x34: {  	[sflag:s26] =	ssyncadd.s32 $0xFFFFD800  }
0x35: {  	[spmem:s7] =	stream.linear.scatter [tilespmem:s25], [sflag:$0x2], $0x2800, $0x38;
	[tilespmem:$0x1B900] =	vst v63  }
0x36: {  	_ =	swait.ge [sflag:s26], $0x2800  }
0x37: {  	[sflag:s26] =	ssyncset.done $0x0  }
0x38: {  	[sflag:s26] =	ssyncadd.s32 $0xFFFFD800  }
0x39: {  	[spmem:s8] =	stream.linear.scatter [tilespmem:s25], [sflag:$0x2], $0x2800, $0x38;
	[tilespmem:$0x1B900] =	vst v63  }
0x3a: {  	_ =	swait.ge [sflag:s26], $0x2800  }
0x3b: {  	[sflag:s26] =	ssyncset.done $0x0  }
0x3c: {  	[sflag:s26] =	ssyncadd.s32 $0xFFFFD800  }
0x3d: {  	[spmem:s9] =	stream.linear.scatter [tilespmem:s25], [sflag:$0x2], $0x2800, $0x38;
	[tilespmem:$0x1B900] =	vst v63  }
0x3e: {  	_ =	swait.ge [sflag:s26], $0x2800  }
0x3f: {  	[sflag:s26] =	ssyncset.done $0x0  }
0x40: {  	[sflag:s26] =	ssyncadd.s32 $0xFFFFD800  }
0x41: {  	[spmem:s10] =	stream.linear.scatter [tilespmem:s25], [sflag:$0x2], $0x2800, $0x38;
	[tilespmem:$0x1B900] =	vst v63  }
0x42: {  	_ =	swait.ge [sflag:s26], $0x2800  }
0x43: {  	[sflag:s26] =	ssyncset.done $0x0  }
0x44: {  	[sflag:s26] =	ssyncadd.s32 $0xFFFFD800  }
0x45: {  	[spmem:s11] =	stream.linear.scatter [tilespmem:s25], [sflag:$0x2], $0x2800, $0x38;
	[tilespmem:$0x1B900] =	vst v63  }
0x46: {  	_ =	swait.ge [sflag:s26], $0x2800  }
0x47: {  	[sflag:s26] =	ssyncset.done $0x0  }
0x48: {  	[sflag:s26] =	ssyncadd.s32 $0xFFFFD800  }
0x49: {  	[spmem:s12] =	stream.linear.scatter [tilespmem:s25], [sflag:$0x2], $0x2800, $0x38;
	[tilespmem:$0x1B900] =	vst v63  }
0x4a: {  	_ =	swait.ge [sflag:s26], $0x2800  }
0x4b: {  	[sflag:s26] =	ssyncset.done $0x0  }
0x4c: {  	s1 =	simm.s32 $0x0;
	s13 =	simm.s32 $0x200;
	[sflag:s26] =	ssyncadd.s32 $0xFFFFD800  }
.LBB2_4:
0x4d: {  	p0 =	sne.s32 s13, $0x9E00;
	[tilespmem:s1+$0x2970] =	vst v1  }
0x4e: {  	[tilespmem:s1+$0x2900] =	vst v1  }
0x4f: {  	[tilespmem:s1+$0x2910] =	vst v1  }
.Ltmp1:
0x50: {  	[tilespmem:s1+$0x2920] =	vst v1;
	(pc) =	sbr.rel @p0 .LBB2_4-.Ltmp1, $4  }
0x51: {  	[tilespmem:s1+$0x2930] =	vst v1  }
0x52: {  	[tilespmem:s1+$0x2940] =	vst v1  }
0x53: {  	[tilespmem:s1+$0x2950] =	vst v1  }
0x54: {  	[tilespmem:s1+$0x2960] =	vst v1;
	s1 =	sshra.s32 s13, $0x2;
	s13 =	sadd.s32 $0x200, s13  }
0x55: {  	[tilespmem:s1+$0x2970] =	vst v1  }
0x56: {  	[tilespmem:s1+$0x2900] =	vst v1  }
0x57: {  	[tilespmem:s1+$0x2910] =	vst v1  }
0x58: {  	[tilespmem:s1+$0x2920] =	vst v1  }
0x59: {  	[tilespmem:s1+$0x2930] =	vst v1  }
0x5a: {  	[tilespmem:s1+$0x2940] =	vst v1  }
0x5b: {  	[tilespmem:s1+$0x2950] =	vst v1  }
0x5c: {  	[tilespmem:s1+$0x2960] =	vst v1  }
0x5d: {  	s1 =	simm.s32 $0x0;
	[bflag:$0x0] =	sbarrier.arrive $0xFFFF  }
.LBB2_6:
0x5e: {  	s13 =	sadd.s32 s1, s24  }
0x5f: {  	[tilespmem:s3], [sflag:$0x2] =	stream.linear.gather [hbm4b:s13+s3], $0x50, $0x38;
	[tilespmem:$0x1B900] =	vst v63  }
0x60: {  	_ =	swait.ge [sflag:s26], $0x50  }
0x61: {  	[sflag:s26] =	ssyncset.done $0x0  }
0x62: {  	s14 =	sadd.s32 s1, s23;
	[sflag:s26] =	ssyncadd.s32 $0xFFFFFFB0  }
0x63: {  	[tilespmem:s28], [sflag:$0x2] =	stream.linear.gather [hbm4b:s14+s3], $0x50, $0x38;
	[tilespmem:$0x1B900] =	vst v63  }
0x64: {  	_ =	swait.ge [sflag:s26], $0x50  }
0x65: {  	[sflag:s26] =	ssyncset.done $0x0  }
0x66: {  	[sflag:s26] =	ssyncadd.s32 $0xFFFFFFB0  }
0x67: {  	[tilespmem:s25], [sflag:$0x1] =	stream.indirect.gather [hbm4b:s4+s29], $0x80, s3, s29, $0xb8;
	[tilespmem:$0x1B900] =	vst v63  }
0x68: {  	_ =	swait.ge [sflag:s30], $0x2800  }
0x69: {  	[sflag:s30] =	ssyncset.done $0x0  }
0x6a: {  	[sflag:s30] =	ssyncadd.s32 $0xFFFFD800  }
0x6b: {  	[spmem:s2] =	stream.indirect.scatter.add.f32 [tilespmem:s25], [sflag:$0x2], $0x80, s28, s29, $0xb8;
	[tilespmem:$0x1B900] =	vst v63  }
0x6c: {  	_ =	swait.ge [sflag:s26], $0x2800  }
0x6d: {  	[sflag:s26] =	ssyncset.done $0x0  }
0x6e: {  	[sflag:s26] =	ssyncadd.s32 $0xFFFFD800  }
0x6f: {  	v2 =	vld [tilespmem:$0x80];
	_ =	sdelay $0x4  }
0x70: {  	(xrf1) =	vunique.msk.u32 $0xffff, v2;
	_ =	sdelay $0xd  }
0x71: {  	_, v3, vm0 =	vpop (xrf1);
	_ =	sdelay $0x5  }
0x72: {  	[tilespmem:v2+s31+$0x0] =	vst.idx.add.s32.msk vm0, v3  }
0x73: {  	v2 =	vld [tilespmem:$0x90];
	_ =	sdelay $0x4  }
0x74: {  	(xrf1) =	vunique.msk.u32 $0xffff, v2;
	_ =	sdelay $0xd  }
0x75: {  	_, v3, vm0 =	vpop (xrf1);
	_ =	sdelay $0x5  }
0x76: {  	[tilespmem:v2+s31+$0x0] =	vst.idx.add.s32.msk vm0, v3  }
0x77: {  	v2 =	vld [tilespmem:$0xA0];
	_ =	sdelay $0x4  }
0x78: {  	(xrf1) =	vunique.msk.u32 $0xffff, v2;
	_ =	sdelay $0xd  }
0x79: {  	_, v3, vm0 =	vpop (xrf1);
	_ =	sdelay $0x5  }
0x7a: {  	[tilespmem:v2+s31+$0x0] =	vst.idx.add.s32.msk vm0, v3  }
0x7b: {  	v2 =	vld [tilespmem:$0xB0];
	_ =	sdelay $0x4  }
0x7c: {  	(xrf1) =	vunique.msk.u32 $0xffff, v2;
	_ =	sdelay $0xd  }
0x7d: {  	_, v3, vm0 =	vpop (xrf1);
	_ =	sdelay $0x5  }
0x7e: {  	[tilespmem:v2+s31+$0x0] =	vst.idx.add.s32.msk vm0, v3  }
0x7f: {  	v2 =	vld [tilespmem:$0xC0];
	_ =	sdelay $0x4  }
0x80: {  	(xrf1) =	vunique.msk.u32 $0xffff, v2;
	_ =	sdelay $0xd  }
0x81: {  	_, v3, vm0 =	vpop (xrf1)  }
0x82: {  	p0 =	sne.s32 s1, $0x4D8  }
.Ltmp2:
0x83: {  	_ = 	snop;
	(pc) =	sbr.rel @p0 .LBB2_6-.Ltmp2, $2  }
0x84: {  	_ =	sdelay $0x2  }
0x85: {  	s1 =	sadd.s32 $0xA, s1;
	[tilespmem:v2+s31+$0x0] =	vst.idx.add.s32.msk vm0, v3  }
0x86: {  	[bflag:$0x0] =	sbarrier.arrive $0xFFFF  }
0x87: {  	[tilespmem:s25], [sflag:$0x2] =	stream.linear.gather [spmem:s5], $0x2800, $0x38;
	[tilespmem:$0x1B900] =	vst v63  }
0x88: {  	_ =	swait.ge [sflag:s26], $0x2800  }
0x89: {  	[sflag:s26] =	ssyncset.done $0x0  }
0x8a: {  	s1 =	simm.s32 $0x0;
	s13 =	rddreg [dreg:$0x3];
	[sflag:s26] =	ssyncadd.s32 $0xFFFFD800  }
0x8b: {  	[hbm4b:s13+s1] =	stream.linear.scatter [tilespmem:s25], [sflag:$0x2], $0x2800, $0x38;
	[tilespmem:$0x1B900] =	vst v63  }
0x8c: {  	_ =	swait.ge [sflag:s26], $0x2800  }
0x8d: {  	[sflag:s26] =	ssyncset.done $0x0  }
0x8e: {  	[sflag:s26] =	ssyncadd.s32 $0xFFFFD800  }
0x8f: {  	[tilespmem:s25], [sflag:$0x2] =	stream.linear.gather [spmem:s6], $0x2800, $0x38;
	[tilespmem:$0x1B900] =	vst v63  }
0x90: {  	_ =	swait.ge [sflag:s26], $0x2800  }
0x91: {  	[sflag:s26] =	ssyncset.done $0x0  }
0x92: {  	s14 =	rddreg [dreg:$0x4];
	[sflag:s26] =	ssyncadd.s32 $0xFFFFD800  }
0x93: {  	[hbm4b:s14+s1] =	stream.linear.scatter [tilespmem:s25], [sflag:$0x2], $0x2800, $0x38;
	[tilespmem:$0x1B900] =	vst v63  }
0x94: {  	_ =	swait.ge [sflag:s26], $0x2800  }
0x95: {  	[sflag:s26] =	ssyncset.done $0x0  }
0x96: {  	[sflag:s26] =	ssyncadd.s32 $0xFFFFD800  }
0x97: {  	[tilespmem:s25], [sflag:$0x2] =	stream.linear.gather [spmem:s7], $0x2800, $0x38;
	[tilespmem:$0x1B900] =	vst v63  }
0x98: {  	_ =	swait.ge [sflag:s26], $0x2800  }
0x99: {  	[sflag:s26] =	ssyncset.done $0x0  }
0x9a: {  	[sflag:s26] =	ssyncadd.s32 $0xFFFFD800  }
0x9b: {  	[hbm4b:s15+s1] =	stream.linear.scatter [tilespmem:s25], [sflag:$0x2], $0x2800, $0x38;
	[tilespmem:$0x1B900] =	vst v63  }
0x9c: {  	_ =	swait.ge [sflag:s26], $0x2800  }
0x9d: {  	[sflag:s26] =	ssyncset.done $0x0  }
0x9e: {  	[sflag:s26] =	ssyncadd.s32 $0xFFFFD800  }
0x9f: {  	[tilespmem:s25], [sflag:$0x2] =	stream.linear.gather [spmem:s8], $0x2800, $0x38;
	[tilespmem:$0x1B900] =	vst v63  }
0xa0: {  	_ =	swait.ge [sflag:s26], $0x2800  }
0xa1: {  	[sflag:s26] =	ssyncset.done $0x0  }
0xa2: {  	[sflag:s26] =	ssyncadd.s32 $0xFFFFD800  }
0xa3: {  	[hbm4b:s16+s1] =	stream.linear.scatter [tilespmem:s25], [sflag:$0x2], $0x2800, $0x38;
	[tilespmem:$0x1B900] =	vst v63  }
0xa4: {  	_ =	swait.ge [sflag:s26], $0x2800  }
0xa5: {  	[sflag:s26] =	ssyncset.done $0x0  }
0xa6: {  	[sflag:s26] =	ssyncadd.s32 $0xFFFFD800  }
0xa7: {  	[tilespmem:s25], [sflag:$0x2] =	stream.linear.gather [spmem:s9], $0x2800, $0x38;
	[tilespmem:$0x1B900] =	vst v63  }
0xa8: {  	_ =	swait.ge [sflag:s26], $0x2800  }
0xa9: {  	[sflag:s26] =	ssyncset.done $0x0  }
0xaa: {  	[sflag:s26] =	ssyncadd.s32 $0xFFFFD800  }
0xab: {  	[hbm4b:s17+s1] =	stream.linear.scatter [tilespmem:s25], [sflag:$0x2], $0x2800, $0x38;
	[tilespmem:$0x1B900] =	vst v63  }
0xac: {  	_ =	swait.ge [sflag:s26], $0x2800  }
0xad: {  	[sflag:s26] =	ssyncset.done $0x0  }
0xae: {  	[sflag:s26] =	ssyncadd.s32 $0xFFFFD800  }
0xaf: {  	[tilespmem:s25], [sflag:$0x2] =	stream.linear.gather [spmem:s10], $0x2800, $0x38;
	[tilespmem:$0x1B900] =	vst v63  }
0xb0: {  	_ =	swait.ge [sflag:s26], $0x2800  }
0xb1: {  	[sflag:s26] =	ssyncset.done $0x0  }
0xb2: {  	[sflag:s26] =	ssyncadd.s32 $0xFFFFD800  }
0xb3: {  	[hbm4b:s18+s1] =	stream.linear.scatter [tilespmem:s25], [sflag:$0x2], $0x2800, $0x38;
	[tilespmem:$0x1B900] =	vst v63  }
0xb4: {  	_ =	swait.ge [sflag:s26], $0x2800  }
0xb5: {  	[sflag:s26] =	ssyncset.done $0x0  }
0xb6: {  	[sflag:s26] =	ssyncadd.s32 $0xFFFFD800  }
0xb7: {  	[tilespmem:s25], [sflag:$0x2] =	stream.linear.gather [spmem:s11], $0x2800, $0x38;
	[tilespmem:$0x1B900] =	vst v63  }
0xb8: {  	_ =	swait.ge [sflag:s26], $0x2800  }
0xb9: {  	[sflag:s26] =	ssyncset.done $0x0  }
0xba: {  	[sflag:s26] =	ssyncadd.s32 $0xFFFFD800  }
0xbb: {  	[hbm4b:s19+s1] =	stream.linear.scatter [tilespmem:s25], [sflag:$0x2], $0x2800, $0x38;
	[tilespmem:$0x1B900] =	vst v63  }
0xbc: {  	_ =	swait.ge [sflag:s26], $0x2800  }
0xbd: {  	[sflag:s26] =	ssyncset.done $0x0  }
0xbe: {  	[sflag:s26] =	ssyncadd.s32 $0xFFFFD800  }
0xbf: {  	[tilespmem:s25], [sflag:$0x2] =	stream.linear.gather [spmem:s12], $0x2800, $0x38;
	[tilespmem:$0x1B900] =	vst v63  }
0xc0: {  	_ =	swait.ge [sflag:s26], $0x2800  }
0xc1: {  	[sflag:s26] =	ssyncset.done $0x0  }
0xc2: {  	[sflag:s26] =	ssyncadd.s32 $0xFFFFD800  }
0xc3: {  	[hbm4b:s20+s1] =	stream.linear.scatter [tilespmem:s25], [sflag:$0x2], $0x2800, $0x38;
	[tilespmem:$0x1B900] =	vst v63  }
0xc4: {  	_ =	swait.ge [sflag:s26], $0x2800  }
0xc5: {  	[sflag:s26] =	ssyncset.done $0x0  }
0xc6: {  	s1 =	simm.s32 $0x0;
	[sflag:s26] =	ssyncadd.s32 $0xFFFFD800  }
0xc7: {  	v5 =	vld [tilespmem:s1+$0x2970]  }
0xc8: {  	v6 =	vld [tilespmem:s1+$0x2900]  }
0xc9: {  	v7 =	vld [tilespmem:s1+$0x2910]  }
0xca: {  	v4 =	vld [tilespmem:s1+$0x2920]  }
0xcb: {  	v2 =	vld [tilespmem:s1+$0x2930]  }
0xcc: {  	v3 =	vld [tilespmem:s1+$0x2940];
	[tilespmem:s1+$0x5170] =	vst v5  }
0xcd: {  	[tilespmem:s1+$0x5100] =	vst v6;
	v5 =	vld [tilespmem:s1+$0x2950]  }
0xce: {  	s13 =	simm.s32 $0x80;
	s14 =	simm.s32 $0x400;
	[tilespmem:s1+$0x5110] =	vst v7;
	v6 =	vld [tilespmem:s1+$0x2960]  }
.LBB2_8:
0xcf: {  	p0 =	sne.s32 s14, $0x9E00;
	v7 =	vld [tilespmem:s13+$0x2970];
	[tilespmem:s1+$0x5120] =	vst v4  }
0xd0: {  	v8 =	vld [tilespmem:s13+$0x2900];
	[tilespmem:s1+$0x5130] =	vst v2  }
0xd1: {  	v9 =	vld [tilespmem:s13+$0x2910];
	[tilespmem:s1+$0x5140] =	vst v3  }
.Ltmp3:
0xd2: {  	v4 =	vld [tilespmem:s13+$0x2920];
	[tilespmem:s1+$0x5150] =	vst v5;
	(pc) =	sbr.rel @p0 .LBB2_8-.Ltmp3, $4  }
0xd3: {  	v2 =	vld [tilespmem:s13+$0x2930];
	[tilespmem:s1+$0x5160] =	vst v6;
	s1 =	smov.u32 s13  }
0xd4: {  	v3 =	vld [tilespmem:s1+$0x2940];
	[tilespmem:s1+$0x5170] =	vst v7  }
0xd5: {  	[tilespmem:s1+$0x5100] =	vst v8;
	v5 =	vld [tilespmem:s1+$0x2950]  }
0xd6: {  	s13 =	sshra.s32 s14, $0x2;
	s14 =	sadd.s32 $0x200, s14;
	[tilespmem:s1+$0x5110] =	vst v9;
	v6 =	vld [tilespmem:s1+$0x2960]  }
0xd7: {  	v7 =	vld [tilespmem:s13+$0x2970];
	[tilespmem:s1+$0x5120] =	vst v4  }
0xd8: {  	v4 =	vld [tilespmem:s13+$0x2900];
	[tilespmem:s1+$0x5130] =	vst v2  }
0xd9: {  	v2 =	vld [tilespmem:s13+$0x2910];
	[tilespmem:s1+$0x5140] =	vst v3  }
0xda: {  	v3 =	vld [tilespmem:s13+$0x2920];
	[tilespmem:s1+$0x5150] =	vst v5  }
0xdb: {  	v5 =	vld [tilespmem:s13+$0x2930];
	[tilespmem:s1+$0x5160] =	vst v6  }
0xdc: {  	v6 =	vld [tilespmem:s13+$0x2940];
	[tilespmem:s13+$0x5170] =	vst v7  }
0xdd: {  	v63 =	vld [tilespmem:s13+$0x2950];
	[tilespmem:s13+$0x5100] =	vst v4  }
0xde: {  	[tilespmem:s13+$0x5110] =	vst v2;
	v2 =	vld [tilespmem:s13+$0x2960]  }
0xdf: {  	[tilespmem:s13+$0x5120] =	vst v3  }
0xe0: {  	[tilespmem:s13+$0x5130] =	vst v5  }
0xe1: {  	s0 =	sadd.s32 $0x1, s0;
	[tilespmem:s13+$0x5140] =	vst v6  }
0xe2: {  	p0 =	sne.s32 s0, s22;
	[tilespmem:s13+$0x5150] =	vst v63  }
.Ltmp4:
0xe3: {  	s14 =	simm.s32 $0x5100;
	[tilespmem:s13+$0x5160] =	vst v2;
	(pc) =	sbr.rel @p0 .LBB2_1-.Ltmp4, $4  }
0xe4: {  	[hbm4b:s21+s3] =	stream.linear.scatter [tilespmem:s14], [sflag:$0x2], $0x2800, $0x38;
	[tilespmem:$0x1B900] =	vst v63  }
0xe5: {  	_ =	swait.ge [sflag:s26], $0x2800  }
0xe6: {  	[sflag:s26] =	ssyncset.done $0x0  }
0xe7: {  	[sflag:s26] =	ssyncadd.s32 $0xFFFFD800  }
0xe8: {  	_ =	sfence.sel $0x180000  }
0xe9: {  	[bflag:$0x0] =	sbarrier.arrive $0xFFFF  }
0xea: {  	_ =	strace $0x90000047  }
0xeb: {  	s0 =	stileid.u32;
	[bflag:$0x2] =	sbarrier.arrive $0xFFFF  }
0xec: {  	p0 =	sne.s32 s0, $0x0;
	s0 =	rddreg [dreg:$0x2]  }
0xed: {  	s0 =	sadd.s32 @!p0 $0x100000, s0  }
0xee: {  	[sflag:s0] =	ssyncadd.tile.s32 @!p0 $0x1;
	_ =	shalt  }
.Lfunc_end2:
_tile_overlayer_lowered:
.L_overlay_start_2:
0xef: {  	(tag) =	ssettag $0x2  }
0xf0: {  	s0 =	rddreg [dreg:$0x0];
	s2 =	stileid.u32  }
0xf1: {  	s1 =	rddreg [dreg:$0x1];
	p0 =	sne.s32 s2, $0x0  }
0xf2: {  	s3 =	rddreg [dreg:$0x2];
	[bflag:$0x3] =	sbarrier.arrive $0xFFFF;
	s2 =	simm.s32 @!p0 $0x1C02  }
0xf3: {  	[timem:s3], [sflag:s2] =	dma.local @!p0 [hbm:s0], s1  }
0xf4: {  	s0 =	simm.s32 @!p0 $0x2  }
0xf5: {  	_ =	swait.ge @!p0 [sflag:s0], s1  }
0xf6: {  	s1 =	ssub.s32 @!p0 $0x0, s1;
	[sflag:s0] =	ssyncset.done @!p0 $0x0  }
0xf7: {  	[sflag:s0] =	ssyncadd.s32 @!p0 s1  }
0xf8: {  	[bflag:$0x3] =	sbarrier.arrive $0xFFFF  }
0xf9: {  	_ =	shalt  }

</sc_bundles>
